<compile_context>
chip_gen: v7x
topology: tpu7x:2x2x1
jax: 0.10.2.dev20260603
libtpu: 0.0.44.dev20260713+nightly
codegen_flags: <defaults>
</compile_context>

<pallas_src>
import functools

import jax
import jax.numpy as jnp
from jax.experimental import pallas as pl
from jax.experimental.pallas import tpu as pltpu
from jax.experimental.pallas import tpu_sc as plsc

_BIG = 9000000000000000.0
_LANES = 16
_NWORKERS = 32


_CAP = 1024


def _sc_select_kernel(sim_hbm, k_hbm, t_hbm, j_hbm, simbuf, tbuf, jbuf, kvbuf,
                      hist, candbuf, *, n):
    rows_per_w = n // _NWORKERS
    slabs = rows_per_w // _LANES
    cid = jax.lax.axis_index("c")
    sid = jax.lax.axis_index("s")
    wid = sid * 2 + cid
    base_row = wid * rows_per_w

    pltpu.sync_copy(k_hbm, kvbuf)
    kvec = kvbuf[...]
    lanes = jax.lax.iota(jnp.int32, _LANES)
    ones = jnp.ones((_LANES,), jnp.int32)
    zeros = jnp.zeros((_LANES,), jnp.int32)

    lanes_scaled = lanes * n
    neginf = jnp.full((_LANES,), -jnp.inf, jnp.float32)

    @plsc.parallel_loop(0, _CAP, unroll=8)
    def _(i):
        candbuf[pl.ds(i * _LANES, _LANES)] = zeros

    def slab_body(s, b_pred):
        row0 = base_row + s * _LANES
        pltpu.sync_copy(sim_hbm.at[pl.ds(row0 * n, _LANES * n)], simbuf)
        rowvec = lanes + jnp.full((_LANES,), row0, jnp.int32)
        plsc.store_scatter(simbuf, [lanes_scaled + rowvec], neginf)

        def key_gather(colv):
            v = plsc.load_gather(simbuf, [lanes_scaled + colv])
            xi = plsc.bitcast(v, jnp.int32)
            return jnp.where(xi < 0, xi ^ jnp.int32(0x7FFFFFFF), xi)

        def key_at(c):
            return key_gather(jnp.full((_LANES,), c, jnp.int32))

        def zero_hist(ncopy=1):
            @plsc.parallel_loop(0, 256 * ncopy, unroll=8)
            def _(b):
                hist[pl.ds(b * _LANES, _LANES)] = zeros

        def scan_level(k_cur, ncopy=1):
            def sbody(i, carry):
                cum, b0, above, hsel = carry
                b = 255 - i
                h = hist[pl.ds(b * _LANES, _LANES)]
                for p in range(1, ncopy):
                    h = h + hist[pl.ds((p * 256 + b) * _LANES, _LANES)]
                newcum = cum + h
                found = jnp.logical_and(cum < k_cur, newcum >= k_cur)
                bs = jnp.full((_LANES,), b, jnp.int32)
                b0 = jnp.where(found, bs, b0)
                above = jnp.where(found, cum, above)
                hsel = jnp.where(found, h, hsel)
                return newcum, b0, above, hsel

            _, b0, above, hsel = plsc.parallel_loop(
                0, 256, unroll=4, carry=(zeros, zeros, zeros, zeros))(sbody)
            return b0, above, hsel

        zero_hist()
        capv = jnp.full((_LANES,), _CAP, jnp.int32)

        def p1_body(c, cnt):
            key = key_at(c)
            bin_ = (key >> 24) + 128
            plsc.addupdate_scatter(hist, [bin_ * _LANES + lanes], ones)
            am = jnp.logical_and(bin_ == b_pred, cnt < capv)
            plsc.store_scatter(candbuf, [cnt * _LANES + lanes],
                               jnp.full((_LANES,), c, jnp.int32), mask=am)
            return cnt + jnp.where(am, 1, 0)

        plsc.parallel_loop(0, n, unroll=16, carry=zeros)(p1_body)

        b0, above, q = scan_level(kvec)
        t1 = b0 - 128
        k1 = kvec - above
        qmax = jnp.max(q)
        pred_ok = jnp.all(b0 == b_pred)

        def refine(loop_hi, col_of, valid_of, t_in, k_in, unroll):
            t = t_in
            k_cur = k_in
            for shift in (16, 8, 0):
                zero_hist()

                def lvl_body(c, shift=shift, t=t):
                    key = key_gather(col_of(c))
                    x = key >> shift
                    match = jnp.logical_and((x >> 8) == t, valid_of(c))
                    plsc.addupdate_scatter(hist,
                                           [(x & 255) * _LANES + lanes],
                                           ones, mask=match)

                plsc.parallel_loop(0, loop_hi, unroll=unroll)(lvl_body)
                b0, above, _ = scan_level(k_cur)
                t = (t << 8) | b0
                k_cur = k_cur - above

            def tie_body(c, carry):
                cnt, jcol = carry
                colv = col_of(c)
                key = key_gather(colv)
                e = jnp.logical_and(key == t, valid_of(c))
                hit = jnp.logical_and(e, cnt == k_cur - 1)
                jcol = jnp.where(hit, colv, jcol)
                cnt = cnt + jnp.where(e, 1, 0)
                return cnt, jcol

            _, jcol = plsc.parallel_loop(0, loop_hi, unroll=unroll,
                                         carry=(zeros, zeros))(tie_body)
            return t, jcol

        def fast_path():
            def rebuild():
                def comp_body(c, cnt):
                    key = key_at(c)
                    match = ((key >> 24) + 128) == b0
                    plsc.store_scatter(candbuf, [cnt * _LANES + lanes],
                                       jnp.full((_LANES,), c, jnp.int32),
                                       mask=match)
                    return cnt + jnp.where(match, 1, 0)

                plsc.parallel_loop(0, n, unroll=16, carry=zeros)(comp_body)
                return jnp.int32(0)

            jax.lax.cond(pred_ok, lambda: jnp.int32(0), rebuild)

            def col_of(c):
                return plsc.load_gather(
                    candbuf,
                    [jnp.full((_LANES,), c * _LANES, jnp.int32) + lanes])

            def valid_of(c):
                return jnp.full((_LANES,), c, jnp.int32) < q

            return refine(qmax, col_of, valid_of, t1, k1, 4)

        def full_path():
            def col_of(c):
                return jnp.full((_LANES,), c, jnp.int32)

            def valid_of(c):
                return jnp.full((_LANES,), True, jnp.bool_)

            return refine(n, col_of, valid_of, t1, k1, 8)

        t, jcol = jax.lax.cond(qmax <= _CAP, fast_path, full_path)

        out_idx = lanes + jnp.full((_LANES,), s * _LANES, jnp.int32)
        plsc.store_scatter(tbuf, [out_idx], t)
        plsc.store_scatter(jbuf, [out_idx], jcol)
        return b0

    jax.lax.fori_loop(0, slabs, slab_body,
                      jnp.full((_LANES,), -1, jnp.int32))
    pltpu.sync_copy(tbuf, t_hbm.at[pl.ds(base_row, rows_per_w)])
    pltpu.sync_copy(jbuf, j_hbm.at[pl.ds(base_row, rows_per_w)])


def _centrality_kernel(mb_ref, out_ref):
    s = jnp.sum(mb_ref[...], axis=-1) / mb_ref.shape[-1]
    out_ref[...] = s.reshape(1, 1, -1)


def _loss_kernel(sim_ref, cent_ref, temp_ref, t_ref, j_ref, out_ref, *, rblk,
                 n):
    i = pl.program_id(0)
    sim = sim_ref[...]
    cent = cent_ref[...]
    temp = temp_ref[0, 0]
    tk = t_ref[...]
    jsel = j_ref[...]
    big = jnp.float32(_BIG)

    rows = i * rblk + jax.lax.broadcasted_iota(jnp.int32, (rblk, n), 0)
    cols = jax.lax.broadcasted_iota(jnp.int32, (rblk, n), 1)
    diag = rows == cols

    xi = jax.lax.bitcast_convert_type(sim, jnp.int32)
    key = jnp.where(xi < 0, xi ^ jnp.int32(0x7FFFFFFF), xi)
    key = jnp.where(diag, jnp.int32(-(2**31)), key)

    gt = key > tk
    eq = jnp.logical_and(key == tk, jnp.logical_not(diag))
    neighbor = jnp.logical_or(gt, jnp.logical_and(eq, cols <= jsel))
    extended = jnp.logical_or(neighbor, diag)
    comp = jnp.logical_not(extended)

    min_s = jnp.min(jnp.where(comp, sim, big), axis=1, keepdims=True)
    max_s = jnp.max(jnp.where(comp, sim, -big), axis=1, keepdims=True)
    min_c = jnp.min(jnp.where(comp, cent, big), axis=1, keepdims=True)
    max_c = jnp.max(jnp.where(comp, cent, -big), axis=1, keepdims=True)

    norm_s = (sim - min_s) / (max_s - min_s)
    norm_c = (cent - min_c) / (max_c - min_c)
    adj = jnp.where(neighbor, norm_s - norm_c, -big) * temp

    amax = jnp.max(adj, axis=1, keepdims=True)
    e = jnp.exp(adj - amax)
    w = e / jnp.sum(e, axis=1, keepdims=True)
    w = jnp.where(neighbor, w, 0.0)
    w = jnp.where(diag, 1.0, w)

    msim = jnp.where(extended, sim, -big)
    lmax = jnp.max(msim, axis=1, keepdims=True)
    lse = lmax + jnp.log(jnp.sum(jnp.exp(msim - lmax), axis=1, keepdims=True))
    lp = msim - lse

    numer = jnp.sum(w * lp, axis=1)
    denom = jnp.sum(w, axis=1)
    row_loss = -numer / denom

    @pl.when(i == 0)
    def _():
        out_ref[...] = jnp.zeros_like(out_ref)

    out_ref[...] += (jnp.sum(row_loss) / n).reshape(1, 1)


def kernel(similarity_matrix, memory_bank_matrix, num_neighbors, temperature):
    n = similarity_matrix.shape[0]
    rows_per_w = n // _NWORKERS

    karr = jnp.full((_LANES,), num_neighbors, jnp.int32)
    mesh = plsc.VectorSubcoreMesh(core_axis_name="c", subcore_axis_name="s")
    tsel, jsel = pl.kernel(
        functools.partial(_sc_select_kernel, n=n),
        mesh=mesh,
        compiler_params=pltpu.CompilerParams(needs_layout_passes=False),
        out_type=[
            jax.ShapeDtypeStruct((n,), jnp.int32),
            jax.ShapeDtypeStruct((n,), jnp.int32),
        ],
        scratch_types=[
            pltpu.VMEM((_LANES * n,), jnp.float32),
            pltpu.VMEM((rows_per_w,), jnp.int32),
            pltpu.VMEM((rows_per_w,), jnp.int32),
            pltpu.VMEM((_LANES,), jnp.int32),
            pltpu.VMEM((256 * _LANES,), jnp.int32),
            pltpu.VMEM((_CAP * _LANES,), jnp.int32),
        ],
    )(similarity_matrix.reshape(-1), karr)

    cblk = 256
    cent = pl.pallas_call(
        _centrality_kernel,
        grid=(n // cblk,),
        in_specs=[pl.BlockSpec((cblk, n), lambda i: (i, 0))],
        out_specs=pl.BlockSpec((1, 1, cblk), lambda i: (i, 0, 0)),
        out_shape=jax.ShapeDtypeStruct((n // cblk, 1, cblk), jnp.float32),
    )(memory_bank_matrix)
    cent = cent.reshape(1, n)

    rblk = 256
    loss = pl.pallas_call(
        functools.partial(_loss_kernel, rblk=rblk, n=n),
        grid=(n // rblk,),
        in_specs=[
            pl.BlockSpec((rblk, n), lambda i: (i, 0)),
            pl.BlockSpec((1, n), lambda i: (0, 0)),
            pl.BlockSpec((1, 1), lambda i: (0, 0)),
            pl.BlockSpec((rblk, 1), lambda i: (i, 0)),
            pl.BlockSpec((rblk, 1), lambda i: (i, 0)),
        ],
        out_specs=pl.BlockSpec((1, 1), lambda i: (0, 0)),
        out_shape=jax.ShapeDtypeStruct((1, 1), jnp.float32),
    )(
        similarity_matrix,
        cent,
        jnp.asarray(temperature, jnp.float32).reshape(1, 1),
        tsel.reshape(n, 1),
        jsel.reshape(n, 1),
    )
    return loss[0, 0]

# --- scband reference (transcript-rebuilt; emitter-appended) ---
"""Pipeline reference for scband-neighbor-adjusting-loss-20753281974356 (READ-ONLY COPY).

The authoritative reference and input builder live on the scoring server;
editing this copy changes nothing except your own understanding.
"""

import jax, jax.numpy as jnp
import numpy as np


def _normalize_similarity(similarity, mask):
    big = jnp.asarray(9000000000000000.0, dtype=similarity.dtype)
    masked_sim_min = jnp.where(mask == 0.0, similarity, big)
    min_vals = jnp.min(masked_sim_min, axis=-1, keepdims=True)
    masked_sim_max = jnp.where(mask == 0.0, similarity, -big)
    max_vals = jnp.max(masked_sim_max, axis=-1, keepdims=True)
    return (similarity - min_vals) / (max_vals - min_vals)


def setup_inputs(seed: int = 0) -> dict:
    key = jax.random.key(seed)
    k1, k2 = jax.random.split(key)
    B = 4096
    similarity_matrix = jax.random.normal(k1, (B, B), dtype=jnp.float32)
    memory_bank_matrix = jax.random.normal(k2, (B, B), dtype=jnp.float32)
    return {
        "similarity_matrix": similarity_matrix,
        "memory_bank_matrix": memory_bank_matrix,
        "num_neighbors": 50,
        "temperature": jnp.ones([], dtype=jnp.float32),
    }


def reference(similarity_matrix, memory_bank_matrix, num_neighbors, temperature):
    B = similarity_matrix.shape[0]
    dtype = similarity_matrix.dtype
    big = jnp.asarray(9000000000000000.0, dtype=dtype)
    eye = jnp.eye(B, dtype=dtype)
    # create_neighbor_mask
    sim_no_self = jnp.where(eye == 0.0, similarity_matrix, -big)
    indices = jnp.argsort(-sim_no_self, axis=-1)
    rank_mask = (jnp.arange(B)[None, :] < num_neighbors).astype(jnp.float32)
    rank_mask = jnp.broadcast_to(rank_mask, (B, B))
    rows = jnp.arange(B)[:, None]
    neighbor_mask = jnp.zeros((B, B), dtype=jnp.float32).at[rows, indices].set(rank_mask)
    extended_mask = eye.astype(jnp.float32).at[rows, indices].max(rank_mask)
    # centrality from memory bank
    memory_centrality = memory_bank_matrix.sum(axis=-1) / memory_bank_matrix.shape[-1]
    memory_centrality_expanded = jnp.tile(memory_centrality[None, :], (B, 1))
    normalized_similarity = _normalize_similarity(similarity_matrix, extended_mask)
    normalized_centrality = _normalize_similarity(memory_centrality_expanded, extended_mask)
    adjusted_similarity = jnp.where(neighbor_mask == 1.0, normalized_similarity - normalized_centrality, -big)
    # compute_positive_weights
    pos_weights = jax.nn.softmax(adjusted_similarity * temperature, axis=-1)
    pos_weights = jnp.where(neighbor_mask == 1.0, pos_weights, jnp.asarray(0.0, dtype=dtype))
    diag = jnp.arange(B)
    pos_weights = pos_weights.at[diag, diag].set(1.0)
    masked_similarity = jnp.where(extended_mask == 1.0, similarity_matrix, -big)
    log_probabilities = jax.nn.log_softmax(masked_similarity, axis=-1) * pos_weights
    log_probabilities = -jnp.sum(log_probabilities, axis=-1) / jnp.sum(pos_weights, axis=-1)
    loss = jnp.mean(log_probabilities)
    return loss

if __name__ == "__main__":
    import jax
    _d = setup_inputs()
    print(jax.jit(kernel)(*tuple(_d.values())))

</pallas_src>

<mosaic_0001>
#map = affine_map<(d0, d1) -> (0)>
module attributes {stable_mosaic.version = 14 : i64} {
  func.func @_sc_select_kernel(%arg0: i32, %arg1: i32, %arg2: memref<16777216xf32, #tpu.memory_space<hbm>>, %arg3: memref<16xi32, #tpu.memory_space<hbm>>, %arg4: memref<4096xi32, #tpu.memory_space<hbm>>, %arg5: memref<4096xi32, #tpu.memory_space<hbm>>, %arg6: memref<65536xf32, #tpu.memory_space<vmem>>, %arg7: memref<128xi32, #tpu.memory_space<vmem>>, %arg8: memref<128xi32, #tpu.memory_space<vmem>>, %arg9: memref<16xi32, #tpu.memory_space<vmem>>, %arg10: memref<4096xi32, #tpu.memory_space<vmem>>, %arg11: memref<16384xi32, #tpu.memory_space<vmem>>) attributes {dimension_semantics = [#tpu.dimension_semantics<core_parallel>, #tpu.dimension_semantics<subcore_parallel>], iteration_bounds = array<i64: 2, 16>, scalar_prefetch = 0 : i64, scratch_operands = 6 : i64, tpu.core_type = #tpu.core_type<sc_vector_subcore>, window_params = [{transform_indices = #map}, {transform_indices = #map}, {transform_indices = #map}, {transform_indices = #map}]} {
    %mul3A = arith.constant 2 : i32
    %mul3A_0 = arith.muli %arg1, %mul3A : i32
    %add3A = arith.addi %mul3A_0, %arg0 : i32
    %mul3A_1 = arith.constant 128 : i32
    %mul3A_2 = arith.muli %add3A, %mul3A_1 : i32
    "tpu.region"() ({
      %run_scoped3A = tpu.sem_alloc : memref<!tpu.dma_semaphore, #tpu.memory_space<semaphore_mem>>
      tpu.enqueue_dma source(%arg3 : memref<16xi32, #tpu.memory_space<hbm>>) target(%arg9 : memref<16xi32, #tpu.memory_space<vmem>>) target_semaphore(%run_scoped3A : memref<!tpu.dma_semaphore, #tpu.memory_space<semaphore_mem>>)
      tpu.wait_dma2 semaphore(%run_scoped3A : memref<!tpu.dma_semaphore, #tpu.memory_space<semaphore_mem>>) src(%arg3 : memref<16xi32, #tpu.memory_space<hbm>>) dst(%arg9 : memref<16xi32, #tpu.memory_space<vmem>>)
      tpu.yield
    }) : () -> ()
    %get3A = arith.constant 0 : index
    %get3A_3 = tpu.vector_load %arg9[%get3A] {strides = array<i32>} : memref<16xi32, #tpu.memory_space<vmem>>, vector<16xi32>,
    %iota3A = tpu.iota {dimensions = array<i32: 0>} : vector<16xi32>
    %broadcast_in_dim3A = arith.constant 1 : i32
    %broadcast_in_dim3A_4 = vector.broadcast %broadcast_in_dim3A : i32 to vector<16xi32>
    %broadcast_in_dim3A_5 = arith.constant 0 : i32
    %broadcast_in_dim3A_6 = vector.broadcast %broadcast_in_dim3A_5 : i32 to vector<16xi32>
    %mul3A_7 = arith.constant 4096 : i32
    %mul3A_8 = vector.broadcast %mul3A_7 : i32 to vector<16xi32>
    %mul3A_9 = arith.muli %iota3A, %mul3A_8 : vector<16xi32>
    %broadcast_in_dim3A_10 = arith.constant 0xFF800000 : f32
    %broadcast_in_dim3A_11 = vector.broadcast %broadcast_in_dim3A_10 : f32 to vector<16xf32>
    %parallel_loop3A = arith.constant 0 : i32
    %parallel_loop3A_12 = arith.constant 1024 : i32
    %parallel_loop3A_13 = arith.constant 1 : i32
    scf.for %parallel_loop3A_21 = %parallel_loop3A to %parallel_loop3A_12 step %parallel_loop3A_13  : i32 {
      %parallel_loop3A_22 = arith.constant 16 : i32
      %parallel_loop3A_23 = arith.muli %parallel_loop3A_21, %parallel_loop3A_22 : i32
      %parallel_loop3A_24 = arith.index_cast %parallel_loop3A_23 : i32 to index
      %parallel_loop3A_25 = tpu.vector_load %arg11[%parallel_loop3A_24] {strides = array<i32>} : memref<16384xi32, #tpu.memory_space<vmem>>, vector<16xi32>,
      tpu.vector_store %arg11[%parallel_loop3A_24], %broadcast_in_dim3A_6 {strides = array<i32>} : memref<16384xi32, #tpu.memory_space<vmem>>, vector<16xi32>,
    } {sc.loop_unroll_factor = 8 : i64, sc.parallel_access}
    %broadcast_in_dim3A_14 = arith.constant -1 : i32
    %broadcast_in_dim3A_15 = vector.broadcast %broadcast_in_dim3A_14 : i32 to vector<16xi32>
    %scan3A = arith.constant 0 : i32
    %scan3A_16 = arith.constant 8 : i32
    %scan3A_17 = arith.addi %scan3A, %scan3A_16 : i32
    %scan3A_18 = arith.constant 1 : i32
    %scan3A_19 = scf.for %scan3A_21 = %scan3A to %scan3A_17 step %scan3A_18 iter_args(%scan3A_22 = %broadcast_in_dim3A_15) -> (vector<16xi32>)  : i32 {
      %mul3A_23 = arith.constant 16 : i32
      %mul3A_24 = arith.muli %scan3A_21, %mul3A_23 : i32
      %add3A_25 = arith.addi %mul3A_2, %mul3A_24 : i32
      %mul3A_26 = arith.constant 4096 : i32
      %mul3A_27 = arith.muli %add3A_25, %mul3A_26 : i32
      "tpu.region"() ({
        %run_scoped3A = tpu.sem_alloc : memref<!tpu.dma_semaphore, #tpu.memory_space<semaphore_mem>>
        %dma_start3A = tpu.memref_slice %arg2[%mul3A_27] : memref<16777216xf32, #tpu.memory_space<hbm>> -> memref<65536xf32, #tpu.memory_space<hbm>>
        %dma_start3A_71 = tpu.memref_slice %arg2[%mul3A_27] : memref<16777216xf32, #tpu.memory_space<hbm>> -> memref<65536xf32, #tpu.memory_space<hbm>>
        tpu.enqueue_dma source(%dma_start3A_71 : memref<65536xf32, #tpu.memory_space<hbm>>) target(%arg6 : memref<65536xf32, #tpu.memory_space<vmem>>) target_semaphore(%run_scoped3A : memref<!tpu.dma_semaphore, #tpu.memory_space<semaphore_mem>>)
        %dma_wait3A = tpu.memref_slice %arg2[%mul3A_27] : memref<16777216xf32, #tpu.memory_space<hbm>> -> memref<65536xf32, #tpu.memory_space<hbm>>
        %dma_wait3A_72 = tpu.memref_slice %arg2[%mul3A_27] : memref<16777216xf32, #tpu.memory_space<hbm>> -> memref<65536xf32, #tpu.memory_space<hbm>>
        tpu.wait_dma2 semaphore(%run_scoped3A : memref<!tpu.dma_semaphore, #tpu.memory_space<semaphore_mem>>) src(%dma_wait3A_72 : memref<65536xf32, #tpu.memory_space<hbm>>) dst(%arg6 : memref<65536xf32, #tpu.memory_space<vmem>>)
        tpu.yield
      }) : () -> ()
      %broadcast_in_dim3A_28 = vector.broadcast %add3A_25 : i32 to vector<16xi32>
      %add3A_29 = arith.addi %iota3A, %broadcast_in_dim3A_28 : vector<16xi32>
      %add3A_30 = arith.addi %mul3A_9, %add3A_29 : vector<16xi32>
      tpu.vector_store_idx %arg6[%add3A_30], %broadcast_in_dim3A_11 : memref<65536xf32, #tpu.memory_space<vmem>>[vector<16xi32>], vector<16xf32>,
      %parallel_loop3A_31 = arith.constant 0 : i32
      %parallel_loop3A_32 = arith.constant 256 : i32
      %parallel_loop3A_33 = arith.constant 1 : i32
      scf.for %parallel_loop3A_71 = %parallel_loop3A_31 to %parallel_loop3A_32 step %parallel_loop3A_33  : i32 {
        %parallel_loop3A_72 = arith.constant 16 : i32
        %parallel_loop3A_73 = arith.muli %parallel_loop3A_71, %parallel_loop3A_72 : i32
        %parallel_loop3A_74 = arith.index_cast %parallel_loop3A_73 : i32 to index
        %parallel_loop3A_75 = tpu.vector_load %arg10[%parallel_loop3A_74] {strides = array<i32>} : memref<4096xi32, #tpu.memory_space<vmem>>, vector<16xi32>,
        tpu.vector_store %arg10[%parallel_loop3A_74], %broadcast_in_dim3A_6 {strides = array<i32>} : memref<4096xi32, #tpu.memory_space<vmem>>, vector<16xi32>,
      } {sc.loop_unroll_factor = 8 : i64, sc.parallel_access}
      %broadcast_in_dim3A_34 = arith.constant 1024 : i32
      %broadcast_in_dim3A_35 = vector.broadcast %broadcast_in_dim3A_34 : i32 to vector<16xi32>
      %parallel_loop3A_36 = arith.constant 0 : i32
      %parallel_loop3A_37 = arith.constant 4096 : i32
      %parallel_loop3A_38 = arith.constant 1 : i32
      %parallel_loop3A_39 = scf.for %parallel_loop3A_71 = %parallel_loop3A_36 to %parallel_loop3A_37 step %parallel_loop3A_38 iter_args(%parallel_loop3A_72 = %broadcast_in_dim3A_6) -> (vector<16xi32>)  : i32 {
        %parallel_loop3A_73 = vector.broadcast %parallel_loop3A_71 : i32 to vector<16xi32>
        %parallel_loop3A_74 = arith.addi %mul3A_9, %parallel_loop3A_73 : vector<16xi32>
        %parallel_loop3A_75 = tpu.vector_load_idx %arg6[%parallel_loop3A_74] : memref<65536xf32, #tpu.memory_space<vmem>>[vector<16xi32>], vector<16xf32>,
        %parallel_loop3A_76 = vector.bitcast %parallel_loop3A_75 : vector<16xf32> to vector<16xi32>
        %parallel_loop3A_77 = arith.constant 0 : i32
        %parallel_loop3A_78 = vector.broadcast %parallel_loop3A_77 : i32 to vector<16xi32>
        %parallel_loop3A_79 = arith.cmpi slt, %parallel_loop3A_76, %parallel_loop3A_78 : vector<16xi32>
        %parallel_loop3A_80 = arith.constant 2147483647 : i32
        %parallel_loop3A_81 = vector.broadcast %parallel_loop3A_80 : i32 to vector<16xi32>
        %parallel_loop3A_82 = arith.xori %parallel_loop3A_76, %parallel_loop3A_81 : vector<16xi32>
        %parallel_loop3A_83 = arith.select %parallel_loop3A_79, %parallel_loop3A_82, %parallel_loop3A_76 : vector<16xi1>, vector<16xi32>
        %parallel_loop3A_84 = arith.constant 24 : i32
        %parallel_loop3A_85 = vector.broadcast %parallel_loop3A_84 : i32 to vector<16xi32>
        %parallel_loop3A_86 = arith.shrsi %parallel_loop3A_83, %parallel_loop3A_85 : vector<16xi32>
        %parallel_loop3A_87 = arith.constant 128 : i32
        %parallel_loop3A_88 = vector.broadcast %parallel_loop3A_87 : i32 to vector<16xi32>
        %parallel_loop3A_89 = arith.addi %parallel_loop3A_86, %parallel_loop3A_88 : vector<16xi32>
        %parallel_loop3A_90 = arith.constant 16 : i32
        %parallel_loop3A_91 = vector.broadcast %parallel_loop3A_90 : i32 to vector<16xi32>
        %parallel_loop3A_92 = arith.muli %parallel_loop3A_89, %parallel_loop3A_91 : vector<16xi32>
        %parallel_loop3A_93 = arith.addi %parallel_loop3A_92, %iota3A : vector<16xi32>
        tpu.vector_store_idx %arg10[%parallel_loop3A_93], %broadcast_in_dim3A_4 {add = true} : memref<4096xi32, #tpu.memory_space<vmem>>[vector<16xi32>], vector<16xi32>,
        %parallel_loop3A_94 = arith.cmpi eq, %parallel_loop3A_89, %scan3A_22 : vector<16xi32>
        %parallel_loop3A_95 = arith.cmpi slt, %parallel_loop3A_72, %broadcast_in_dim3A_35 : vector<16xi32>
        %parallel_loop3A_96 = arith.andi %parallel_loop3A_94, %parallel_loop3A_95 : vector<16xi1>
        %parallel_loop3A_97 = arith.constant 16 : i32
        %parallel_loop3A_98 = vector.broadcast %parallel_loop3A_97 : i32 to vector<16xi32>
        %parallel_loop3A_99 = arith.muli %parallel_loop3A_72, %parallel_loop3A_98 : vector<16xi32>
        %parallel_loop3A_100 = arith.addi %parallel_loop3A_99, %iota3A : vector<16xi32>
        %parallel_loop3A_101 = vector.broadcast %parallel_loop3A_71 : i32 to vector<16xi32>
        tpu.vector_store_idx %arg11[%parallel_loop3A_100], %parallel_loop3A_101 masked %parallel_loop3A_96 : memref<16384xi32, #tpu.memory_space<vmem>>[vector<16xi32>], vector<16xi32>, vector<16xi1>
        %parallel_loop3A_102 = arith.constant 1 : i32
        %parallel_loop3A_103 = arith.constant 0 : i32
        %parallel_loop3A_104 = vector.broadcast %parallel_loop3A_102 : i32 to vector<16xi32>
        %parallel_loop3A_105 = vector.broadcast %parallel_loop3A_103 : i32 to vector<16xi32>
        %parallel_loop3A_106 = arith.select %parallel_loop3A_96, %parallel_loop3A_104, %parallel_loop3A_105 : vector<16xi1>, vector<16xi32>
        %parallel_loop3A_107 = arith.addi %parallel_loop3A_72, %parallel_loop3A_106 : vector<16xi32>
        scf.yield %parallel_loop3A_107 : vector<16xi32>
      } {sc.loop_unroll_factor = 16 : i64, sc.parallel_access}
      %parallel_loop3A_40 = arith.constant 0 : i32
      %parallel_loop3A_41 = arith.constant 256 : i32
      %parallel_loop3A_42 = arith.constant 1 : i32
      %parallel_loop3A_43:4 = scf.for %parallel_loop3A_71 = %parallel_loop3A_40 to %parallel_loop3A_41 step %parallel_loop3A_42 iter_args(%parallel_loop3A_72 = %broadcast_in_dim3A_6, %parallel_loop3A_73 = %broadcast_in_dim3A_6, %parallel_loop3A_74 = %broadcast_in_dim3A_6, %parallel_loop3A_75 = %broadcast_in_dim3A_6) -> (vector<16xi32>, vector<16xi32>, vector<16xi32>, vector<16xi32>)  : i32 {
        %parallel_loop3A_76 = arith.constant 255 : i32
        %parallel_loop3A_77 = arith.subi %parallel_loop3A_76, %parallel_loop3A_71 : i32
        %parallel_loop3A_78 = arith.constant 16 : i32
        %parallel_loop3A_79 = arith.muli %parallel_loop3A_77, %parallel_loop3A_78 : i32
        %parallel_loop3A_80 = arith.index_cast %parallel_loop3A_79 : i32 to index
        %parallel_loop3A_81 = tpu.vector_load %arg10[%parallel_loop3A_80] {strides = array<i32>} : memref<4096xi32, #tpu.memory_space<vmem>>, vector<16xi32>,
        %parallel_loop3A_82 = arith.addi %parallel_loop3A_72, %parallel_loop3A_81 : vector<16xi32>
        %parallel_loop3A_83 = arith.cmpi slt, %parallel_loop3A_72, %get3A_3 : vector<16xi32>
        %parallel_loop3A_84 = arith.cmpi sge, %parallel_loop3A_82, %get3A_3 : vector<16xi32>
        %parallel_loop3A_85 = arith.andi %parallel_loop3A_83, %parallel_loop3A_84 : vector<16xi1>
        %parallel_loop3A_86 = vector.broadcast %parallel_loop3A_77 : i32 to vector<16xi32>
        %parallel_loop3A_87 = arith.select %parallel_loop3A_85, %parallel_loop3A_86, %parallel_loop3A_73 : vector<16xi1>, vector<16xi32>
        %parallel_loop3A_88 = arith.select %parallel_loop3A_85, %parallel_loop3A_72, %parallel_loop3A_74 : vector<16xi1>, vector<16xi32>
        %parallel_loop3A_89 = arith.select %parallel_loop3A_85, %parallel_loop3A_81, %parallel_loop3A_75 : vector<16xi1>, vector<16xi32>
        scf.yield %parallel_loop3A_82, %parallel_loop3A_87, %parallel_loop3A_88, %parallel_loop3A_89 : vector<16xi32>, vector<16xi32>, vector<16xi32>, vector<16xi32>
      } {sc.loop_unroll_factor = 4 : i64, sc.parallel_access}
      %sub3A = arith.constant 128 : i32
      %sub3A_44 = vector.broadcast %sub3A : i32 to vector<16xi32>
      %sub3A_45 = arith.subi %parallel_loop3A_43#1, %sub3A_44 : vector<16xi32>
      %sub3A_46 = arith.subi %get3A_3, %parallel_loop3A_43#2 : vector<16xi32>
      %reduce_max3A = arith.constant true
      %reduce_max3A_47 = vector.broadcast %reduce_max3A : i1 to vector<16xi1>
      %reduce_max3A_48 = arith.constant -2147483648 : i32
      %reduce_max3A_49 = vector.broadcast %reduce_max3A_48 : i32 to vector<16xi32>
      %reduce_max3A_50 = arith.xori %parallel_loop3A_43#3, %reduce_max3A_49 : vector<16xi32>
      %reduce_max3A_51 = tpu.scan <max>, %reduce_max3A_50 masked %reduce_max3A_47 : vector<16xi32>, vector<16xi1> -> vector<16xi32>
      %reduce_max3A_52 = arith.xori %reduce_max3A_51, %reduce_max3A_49 : vector<16xi32>
      %reduce_max3A_53 = vector.extract %reduce_max3A_52[15] : i32 from vector<16xi32>
      %eq3A = arith.cmpi eq, %parallel_loop3A_43#1, %scan3A_22 : vector<16xi32>
      %reduce_and3A = arith.constant 1.000000e+00 : f32
      %reduce_and3A_54 = arith.constant 0.000000e+00 : f32
      %reduce_and3A_55 = vector.broadcast %reduce_and3A : f32 to vector<16xf32>
      %reduce_and3A_56 = vector.broadcast %reduce_and3A_54 : f32 to vector<16xf32>
      %reduce_and3A_57 = arith.select %eq3A, %reduce_and3A_55, %reduce_and3A_56 : vector<16xi1>, vector<16xf32>
      %reduce_and3A_58 = arith.constant true
      %reduce_and3A_59 = vector.broadcast %reduce_and3A_58 : i1 to vector<16xi1>
      %reduce_and3A_60 = tpu.scan <min>, %reduce_and3A_57 masked %reduce_and3A_59 : vector<16xf32>, vector<16xi1> -> vector<16xf32>
      %reduce_and3A_61 = vector.extract %reduce_and3A_60[15] : f32 from vector<16xf32>
      %reduce_and3A_62 = arith.constant 0.000000e+00 : f32
      %reduce_and3A_63 = arith.cmpf ogt, %reduce_and3A_61, %reduce_and3A_62 : f32
      %le3A = arith.constant 1024 : i32
      %le3A_64 = arith.cmpi sle, %reduce_max3A_53, %le3A : i32
      %convert_element_type3A = arith.extui %le3A_64 : i1 to i32
      %cond3A = arith.constant 0 : i32
      %cond3A_65 = arith.cmpi ne, %convert_element_type3A, %cond3A : i32
      %cond3A_66:2 = scf.if %cond3A_65 -> (vector<16xi32>, vector<16xi32>) {
        %convert_element_type3A_71 = arith.extui %reduce_and3A_63 : i1 to i32
        %cond3A_72 = arith.constant 0 : i32
        %cond3A_73 = arith.cmpi ne, %convert_element_type3A_71, %cond3A_72 : i32
        %cond3A_74 = scf.if %cond3A_73 -> (i32) {
          %cond3A_118 = arith.constant 0 : i32
          scf.yield %cond3A_118 : i32
        } else {
          %parallel_loop3A_118 = arith.constant 0 : i32
          %parallel_loop3A_119 = arith.constant 4096 : i32
          %parallel_loop3A_120 = arith.constant 1 : i32
          %parallel_loop3A_121 = scf.for %parallel_loop3A_123 = %parallel_loop3A_118 to %parallel_loop3A_119 step %parallel_loop3A_120 iter_args(%parallel_loop3A_124 = %broadcast_in_dim3A_6) -> (vector<16xi32>)  : i32 {
            %parallel_loop3A_125 = vector.broadcast %parallel_loop3A_123 : i32 to vector<16xi32>
            %parallel_loop3A_126 = arith.addi %mul3A_9, %parallel_loop3A_125 : vector<16xi32>
            %parallel_loop3A_127 = tpu.vector_load_idx %arg6[%parallel_loop3A_126] : memref<65536xf32, #tpu.memory_space<vmem>>[vector<16xi32>], vector<16xf32>,
            %parallel_loop3A_128 = vector.bitcast %parallel_loop3A_127 : vector<16xf32> to vector<16xi32>
            %parallel_loop3A_129 = arith.constant 0 : i32
            %parallel_loop3A_130 = vector.broadcast %parallel_loop3A_129 : i32 to vector<16xi32>
            %parallel_loop3A_131 = arith.cmpi slt, %parallel_loop3A_128, %parallel_loop3A_130 : vector<16xi32>
            %parallel_loop3A_132 = arith.constant 2147483647 : i32
            %parallel_loop3A_133 = vector.broadcast %parallel_loop3A_132 : i32 to vector<16xi32>
            %parallel_loop3A_134 = arith.xori %parallel_loop3A_128, %parallel_loop3A_133 : vector<16xi32>
            %parallel_loop3A_135 = arith.select %parallel_loop3A_131, %parallel_loop3A_134, %parallel_loop3A_128 : vector<16xi1>, vector<16xi32>
            %parallel_loop3A_136 = arith.constant 24 : i32
            %parallel_loop3A_137 = vector.broadcast %parallel_loop3A_136 : i32 to vector<16xi32>
            %parallel_loop3A_138 = arith.shrsi %parallel_loop3A_135, %parallel_loop3A_137 : vector<16xi32>
            %parallel_loop3A_139 = arith.constant 128 : i32
            %parallel_loop3A_140 = vector.broadcast %parallel_loop3A_139 : i32 to vector<16xi32>
            %parallel_loop3A_141 = arith.addi %parallel_loop3A_138, %parallel_loop3A_140 : vector<16xi32>
            %parallel_loop3A_142 = arith.cmpi eq, %parallel_loop3A_141, %parallel_loop3A_43#1 : vector<16xi32>
            %parallel_loop3A_143 = arith.constant 16 : i32
            %parallel_loop3A_144 = vector.broadcast %parallel_loop3A_143 : i32 to vector<16xi32>
            %parallel_loop3A_145 = arith.muli %parallel_loop3A_124, %parallel_loop3A_144 : vector<16xi32>
            %parallel_loop3A_146 = arith.addi %parallel_loop3A_145, %iota3A : vector<16xi32>
            %parallel_loop3A_147 = vector.broadcast %parallel_loop3A_123 : i32 to vector<16xi32>
            tpu.vector_store_idx %arg11[%parallel_loop3A_146], %parallel_loop3A_147 masked %parallel_loop3A_142 : memref<16384xi32, #tpu.memory_space<vmem>>[vector<16xi32>], vector<16xi32>, vector<16xi1>
            %parallel_loop3A_148 = arith.constant 1 : i32
            %parallel_loop3A_149 = arith.constant 0 : i32
            %parallel_loop3A_150 = vector.broadcast %parallel_loop3A_148 : i32 to vector<16xi32>
            %parallel_loop3A_151 = vector.broadcast %parallel_loop3A_149 : i32 to vector<16xi32>
            %parallel_loop3A_152 = arith.select %parallel_loop3A_142, %parallel_loop3A_150, %parallel_loop3A_151 : vector<16xi1>, vector<16xi32>
            %parallel_loop3A_153 = arith.addi %parallel_loop3A_124, %parallel_loop3A_152 : vector<16xi32>
            scf.yield %parallel_loop3A_153 : vector<16xi32>
          } {sc.loop_unroll_factor = 16 : i64, sc.parallel_access}
          %cond3A_122 = arith.constant 0 : i32
          scf.yield %cond3A_122 : i32
        }
        %parallel_loop3A_75 = arith.constant 0 : i32
        %parallel_loop3A_76 = arith.constant 256 : i32
        %parallel_loop3A_77 = arith.constant 1 : i32
        scf.for %parallel_loop3A_118 = %parallel_loop3A_75 to %parallel_loop3A_76 step %parallel_loop3A_77  : i32 {
          %parallel_loop3A_119 = arith.constant 16 : i32
          %parallel_loop3A_120 = arith.muli %parallel_loop3A_118, %parallel_loop3A_119 : i32
          %parallel_loop3A_121 = arith.index_cast %parallel_loop3A_120 : i32 to index
          %parallel_loop3A_122 = tpu.vector_load %arg10[%parallel_loop3A_121] {strides = array<i32>} : memref<4096xi32, #tpu.memory_space<vmem>>, vector<16xi32>,
          tpu.vector_store %arg10[%parallel_loop3A_121], %broadcast_in_dim3A_6 {strides = array<i32>} : memref<4096xi32, #tpu.memory_space<vmem>>, vector<16xi32>,
        } {sc.loop_unroll_factor = 8 : i64, sc.parallel_access}
        %parallel_loop3A_78 = arith.constant 0 : i32
        %parallel_loop3A_79 = arith.constant 1 : i32
        scf.for %parallel_loop3A_118 = %parallel_loop3A_78 to %reduce_max3A_53 step %parallel_loop3A_79  : i32 {
          %parallel_loop3A_119 = arith.constant 16 : i32
          %parallel_loop3A_120 = arith.muli %parallel_loop3A_118, %parallel_loop3A_119 : i32
          %parallel_loop3A_121 = vector.broadcast %parallel_loop3A_120 : i32 to vector<16xi32>
          %parallel_loop3A_122 = arith.addi %parallel_loop3A_121, %iota3A : vector<16xi32>
          %parallel_loop3A_123 = tpu.vector_load_idx %arg11[%parallel_loop3A_122] : memref<16384xi32, #tpu.memory_space<vmem>>[vector<16xi32>], vector<16xi32>,
          %parallel_loop3A_124 = arith.addi %mul3A_9, %parallel_loop3A_123 : vector<16xi32>
          %parallel_loop3A_125 = tpu.vector_load_idx %arg6[%parallel_loop3A_124] : memref<65536xf32, #tpu.memory_space<vmem>>[vector<16xi32>], vector<16xf32>,
          %parallel_loop3A_126 = vector.bitcast %parallel_loop3A_125 : vector<16xf32> to vector<16xi32>
          %parallel_loop3A_127 = arith.constant 0 : i32
          %parallel_loop3A_128 = vector.broadcast %parallel_loop3A_127 : i32 to vector<16xi32>
          %parallel_loop3A_129 = arith.cmpi slt, %parallel_loop3A_126, %parallel_loop3A_128 : vector<16xi32>
          %parallel_loop3A_130 = arith.constant 2147483647 : i32
          %parallel_loop3A_131 = vector.broadcast %parallel_loop3A_130 : i32 to vector<16xi32>
          %parallel_loop3A_132 = arith.xori %parallel_loop3A_126, %parallel_loop3A_131 : vector<16xi32>
          %parallel_loop3A_133 = arith.select %parallel_loop3A_129, %parallel_loop3A_132, %parallel_loop3A_126 : vector<16xi1>, vector<16xi32>
          %parallel_loop3A_134 = arith.constant 16 : i32
          %parallel_loop3A_135 = vector.broadcast %parallel_loop3A_134 : i32 to vector<16xi32>
          %parallel_loop3A_136 = arith.shrsi %parallel_loop3A_133, %parallel_loop3A_135 : vector<16xi32>
          %parallel_loop3A_137 = arith.constant 8 : i32
          %parallel_loop3A_138 = vector.broadcast %parallel_loop3A_137 : i32 to vector<16xi32>
          %parallel_loop3A_139 = arith.shrsi %parallel_loop3A_136, %parallel_loop3A_138 : vector<16xi32>
          %parallel_loop3A_140 = arith.cmpi eq, %parallel_loop3A_139, %sub3A_45 : vector<16xi32>
          %parallel_loop3A_141 = vector.broadcast %parallel_loop3A_118 : i32 to vector<16xi32>
          %parallel_loop3A_142 = arith.cmpi slt, %parallel_loop3A_141, %parallel_loop3A_43#3 : vector<16xi32>
          %parallel_loop3A_143 = arith.andi %parallel_loop3A_140, %parallel_loop3A_142 : vector<16xi1>
          %parallel_loop3A_144 = arith.constant 255 : i32
          %parallel_loop3A_145 = vector.broadcast %parallel_loop3A_144 : i32 to vector<16xi32>
          %parallel_loop3A_146 = arith.andi %parallel_loop3A_136, %parallel_loop3A_145 : vector<16xi32>
          %parallel_loop3A_147 = arith.constant 16 : i32
          %parallel_loop3A_148 = vector.broadcast %parallel_loop3A_147 : i32 to vector<16xi32>
          %parallel_loop3A_149 = arith.muli %parallel_loop3A_146, %parallel_loop3A_148 : vector<16xi32>
          %parallel_loop3A_150 = arith.addi %parallel_loop3A_149, %iota3A : vector<16xi32>
          tpu.vector_store_idx %arg10[%parallel_loop3A_150], %broadcast_in_dim3A_4 masked %parallel_loop3A_143 {add = true} : memref<4096xi32, #tpu.memory_space<vmem>>[vector<16xi32>], vector<16xi32>, vector<16xi1>
        } {sc.loop_unroll_factor = 4 : i64, sc.parallel_access}
        %parallel_loop3A_80 = arith.constant 0 : i32
        %parallel_loop3A_81 = arith.constant 256 : i32
        %parallel_loop3A_82 = arith.constant 1 : i32
        %parallel_loop3A_83:4 = scf.for %parallel_loop3A_118 = %parallel_loop3A_80 to %parallel_loop3A_81 step %parallel_loop3A_82 iter_args(%parallel_loop3A_119 = %broadcast_in_dim3A_6, %parallel_loop3A_120 = %broadcast_in_dim3A_6, %parallel_loop3A_121 = %broadcast_in_dim3A_6, %parallel_loop3A_122 = %broadcast_in_dim3A_6) -> (vector<16xi32>, vector<16xi32>, vector<16xi32>, vector<16xi32>)  : i32 {
          %parallel_loop3A_123 = arith.constant 255 : i32
          %parallel_loop3A_124 = arith.subi %parallel_loop3A_123, %parallel_loop3A_118 : i32
          %parallel_loop3A_125 = arith.constant 16 : i32
          %parallel_loop3A_126 = arith.muli %parallel_loop3A_124, %parallel_loop3A_125 : i32
          %parallel_loop3A_127 = arith.index_cast %parallel_loop3A_126 : i32 to index
          %parallel_loop3A_128 = tpu.vector_load %arg10[%parallel_loop3A_127] {strides = array<i32>} : memref<4096xi32, #tpu.memory_space<vmem>>, vector<16xi32>,
          %parallel_loop3A_129 = arith.addi %parallel_loop3A_119, %parallel_loop3A_128 : vector<16xi32>
          %parallel_loop3A_130 = arith.cmpi slt, %parallel_loop3A_119, %sub3A_46 : vector<16xi32>
          %parallel_loop3A_131 = arith.cmpi sge, %parallel_loop3A_129, %sub3A_46 : vector<16xi32>
          %parallel_loop3A_132 = arith.andi %parallel_loop3A_130, %parallel_loop3A_131 : vector<16xi1>
          %parallel_loop3A_133 = vector.broadcast %parallel_loop3A_124 : i32 to vector<16xi32>
          %parallel_loop3A_134 = arith.select %parallel_loop3A_132, %parallel_loop3A_133, %parallel_loop3A_120 : vector<16xi1>, vector<16xi32>
          %parallel_loop3A_135 = arith.select %parallel_loop3A_132, %parallel_loop3A_119, %parallel_loop3A_121 : vector<16xi1>, vector<16xi32>
          %parallel_loop3A_136 = arith.select %parallel_loop3A_132, %parallel_loop3A_128, %parallel_loop3A_122 : vector<16xi1>, vector<16xi32>
          scf.yield %parallel_loop3A_129, %parallel_loop3A_134, %parallel_loop3A_135, %parallel_loop3A_136 : vector<16xi32>, vector<16xi32>, vector<16xi32>, vector<16xi32>
        } {sc.loop_unroll_factor = 4 : i64, sc.parallel_access}
        %shift_left3A = arith.constant 8 : i32
        %shift_left3A_84 = vector.broadcast %shift_left3A : i32 to vector<16xi32>
        %shift_left3A_85 = arith.shli %sub3A_45, %shift_left3A_84 : vector<16xi32>
        %or3A = arith.ori %shift_left3A_85, %parallel_loop3A_83#1 : vector<16xi32>
        %sub3A_86 = arith.subi %sub3A_46, %parallel_loop3A_83#2 : vector<16xi32>
        %parallel_loop3A_87 = arith.constant 0 : i32
        %parallel_loop3A_88 = arith.constant 256 : i32
        %parallel_loop3A_89 = arith.constant 1 : i32
        scf.for %parallel_loop3A_118 = %parallel_loop3A_87 to %parallel_loop3A_88 step %parallel_loop3A_89  : i32 {
          %parallel_loop3A_119 = arith.constant 16 : i32
          %parallel_loop3A_120 = arith.muli %parallel_loop3A_118, %parallel_loop3A_119 : i32
          %parallel_loop3A_121 = arith.index_cast %parallel_loop3A_120 : i32 to index
          %parallel_loop3A_122 = tpu.vector_load %arg10[%parallel_loop3A_121] {strides = array<i32>} : memref<4096xi32, #tpu.memory_space<vmem>>, vector<16xi32>,
          tpu.vector_store %arg10[%parallel_loop3A_121], %broadcast_in_dim3A_6 {strides = array<i32>} : memref<4096xi32, #tpu.memory_space<vmem>>, vector<16xi32>,
        } {sc.loop_unroll_factor = 8 : i64, sc.parallel_access}
        %parallel_loop3A_90 = arith.constant 0 : i32
        %parallel_loop3A_91 = arith.constant 1 : i32
        scf.for %parallel_loop3A_118 = %parallel_loop3A_90 to %reduce_max3A_53 step %parallel_loop3A_91  : i32 {
          %parallel_loop3A_119 = arith.constant 16 : i32
          %parallel_loop3A_120 = arith.muli %parallel_loop3A_118, %parallel_loop3A_119 : i32
          %parallel_loop3A_121 = vector.broadcast %parallel_loop3A_120 : i32 to vector<16xi32>
          %parallel_loop3A_122 = arith.addi %parallel_loop3A_121, %iota3A : vector<16xi32>
          %parallel_loop3A_123 = tpu.vector_load_idx %arg11[%parallel_loop3A_122] : memref<16384xi32, #tpu.memory_space<vmem>>[vector<16xi32>], vector<16xi32>,
          %parallel_loop3A_124 = arith.addi %mul3A_9, %parallel_loop3A_123 : vector<16xi32>
          %parallel_loop3A_125 = tpu.vector_load_idx %arg6[%parallel_loop3A_124] : memref<65536xf32, #tpu.memory_space<vmem>>[vector<16xi32>], vector<16xf32>,
          %parallel_loop3A_126 = vector.bitcast %parallel_loop3A_125 : vector<16xf32> to vector<16xi32>
          %parallel_loop3A_127 = arith.constant 0 : i32
          %parallel_loop3A_128 = vector.broadcast %parallel_loop3A_127 : i32 to vector<16xi32>
          %parallel_loop3A_129 = arith.cmpi slt, %parallel_loop3A_126, %parallel_loop3A_128 : vector<16xi32>
          %parallel_loop3A_130 = arith.constant 2147483647 : i32
          %parallel_loop3A_131 = vector.broadcast %parallel_loop3A_130 : i32 to vector<16xi32>
          %parallel_loop3A_132 = arith.xori %parallel_loop3A_126, %parallel_loop3A_131 : vector<16xi32>
          %parallel_loop3A_133 = arith.select %parallel_loop3A_129, %parallel_loop3A_132, %parallel_loop3A_126 : vector<16xi1>, vector<16xi32>
          %parallel_loop3A_134 = arith.constant 8 : i32
          %parallel_loop3A_135 = vector.broadcast %parallel_loop3A_134 : i32 to vector<16xi32>
          %parallel_loop3A_136 = arith.shrsi %parallel_loop3A_133, %parallel_loop3A_135 : vector<16xi32>
          %parallel_loop3A_137 = arith.constant 8 : i32
          %parallel_loop3A_138 = vector.broadcast %parallel_loop3A_137 : i32 to vector<16xi32>
          %parallel_loop3A_139 = arith.shrsi %parallel_loop3A_136, %parallel_loop3A_138 : vector<16xi32>
          %parallel_loop3A_140 = arith.cmpi eq, %parallel_loop3A_139, %or3A : vector<16xi32>
          %parallel_loop3A_141 = vector.broadcast %parallel_loop3A_118 : i32 to vector<16xi32>
          %parallel_loop3A_142 = arith.cmpi slt, %parallel_loop3A_141, %parallel_loop3A_43#3 : vector<16xi32>
          %parallel_loop3A_143 = arith.andi %parallel_loop3A_140, %parallel_loop3A_142 : vector<16xi1>
          %parallel_loop3A_144 = arith.constant 255 : i32
          %parallel_loop3A_145 = vector.broadcast %parallel_loop3A_144 : i32 to vector<16xi32>
          %parallel_loop3A_146 = arith.andi %parallel_loop3A_136, %parallel_loop3A_145 : vector<16xi32>
          %parallel_loop3A_147 = arith.constant 16 : i32
          %parallel_loop3A_148 = vector.broadcast %parallel_loop3A_147 : i32 to vector<16xi32>
          %parallel_loop3A_149 = arith.muli %parallel_loop3A_146, %parallel_loop3A_148 : vector<16xi32>
          %parallel_loop3A_150 = arith.addi %parallel_loop3A_149, %iota3A : vector<16xi32>
          tpu.vector_store_idx %arg10[%parallel_loop3A_150], %broadcast_in_dim3A_4 masked %parallel_loop3A_143 {add = true} : memref<4096xi32, #tpu.memory_space<vmem>>[vector<16xi32>], vector<16xi32>, vector<16xi1>
        } {sc.loop_unroll_factor = 4 : i64, sc.parallel_access}
        %parallel_loop3A_92 = arith.constant 0 : i32
        %parallel_loop3A_93 = arith.constant 256 : i32
        %parallel_loop3A_94 = arith.constant 1 : i32
        %parallel_loop3A_95:4 = scf.for %parallel_loop3A_118 = %parallel_loop3A_92 to %parallel_loop3A_93 step %parallel_loop3A_94 iter_args(%parallel_loop3A_119 = %broadcast_in_dim3A_6, %parallel_loop3A_120 = %broadcast_in_dim3A_6, %parallel_loop3A_121 = %broadcast_in_dim3A_6, %parallel_loop3A_122 = %broadcast_in_dim3A_6) -> (vector<16xi32>, vector<16xi32>, vector<16xi32>, vector<16xi32>)  : i32 {
          %parallel_loop3A_123 = arith.constant 255 : i32
          %parallel_loop3A_124 = arith.subi %parallel_loop3A_123, %parallel_loop3A_118 : i32
          %parallel_loop3A_125 = arith.constant 16 : i32
          %parallel_loop3A_126 = arith.muli %parallel_loop3A_124, %parallel_loop3A_125 : i32
          %parallel_loop3A_127 = arith.index_cast %parallel_loop3A_126 : i32 to index
          %parallel_loop3A_128 = tpu.vector_load %arg10[%parallel_loop3A_127] {strides = array<i32>} : memref<4096xi32, #tpu.memory_space<vmem>>, vector<16xi32>,
          %parallel_loop3A_129 = arith.addi %parallel_loop3A_119, %parallel_loop3A_128 : vector<16xi32>
          %parallel_loop3A_130 = arith.cmpi slt, %parallel_loop3A_119, %sub3A_86 : vector<16xi32>
          %parallel_loop3A_131 = arith.cmpi sge, %parallel_loop3A_129, %sub3A_86 : vector<16xi32>
          %parallel_loop3A_132 = arith.andi %parallel_loop3A_130, %parallel_loop3A_131 : vector<16xi1>
          %parallel_loop3A_133 = vector.broadcast %parallel_loop3A_124 : i32 to vector<16xi32>
          %parallel_loop3A_134 = arith.select %parallel_loop3A_132, %parallel_loop3A_133, %parallel_loop3A_120 : vector<16xi1>, vector<16xi32>
          %parallel_loop3A_135 = arith.select %parallel_loop3A_132, %parallel_loop3A_119, %parallel_loop3A_121 : vector<16xi1>, vector<16xi32>
          %parallel_loop3A_136 = arith.select %parallel_loop3A_132, %parallel_loop3A_128, %parallel_loop3A_122 : vector<16xi1>, vector<16xi32>
          scf.yield %parallel_loop3A_129, %parallel_loop3A_134, %parallel_loop3A_135, %parallel_loop3A_136 : vector<16xi32>, vector<16xi32>, vector<16xi32>, vector<16xi32>
        } {sc.loop_unroll_factor = 4 : i64, sc.parallel_access}
        %shift_left3A_96 = arith.constant 8 : i32
        %shift_left3A_97 = vector.broadcast %shift_left3A_96 : i32 to vector<16xi32>
        %shift_left3A_98 = arith.shli %or3A, %shift_left3A_97 : vector<16xi32>
        %or3A_99 = arith.ori %shift_left3A_98, %parallel_loop3A_95#1 : vector<16xi32>
        %sub3A_100 = arith.subi %sub3A_86, %parallel_loop3A_95#2 : vector<16xi32>
        %parallel_loop3A_101 = arith.constant 0 : i32
        %parallel_loop3A_102 = arith.constant 256 : i32
        %parallel_loop3A_103 = arith.constant 1 : i32
        scf.for %parallel_loop3A_118 = %parallel_loop3A_101 to %parallel_loop3A_102 step %parallel_loop3A_103  : i32 {
          %parallel_loop3A_119 = arith.constant 16 : i32
          %parallel_loop3A_120 = arith.muli %parallel_loop3A_118, %parallel_loop3A_119 : i32
          %parallel_loop3A_121 = arith.index_cast %parallel_loop3A_120 : i32 to index
          %parallel_loop3A_122 = tpu.vector_load %arg10[%parallel_loop3A_121] {strides = array<i32>} : memref<4096xi32, #tpu.memory_space<vmem>>, vector<16xi32>,
          tpu.vector_store %arg10[%parallel_loop3A_121], %broadcast_in_dim3A_6 {strides = array<i32>} : memref<4096xi32, #tpu.memory_space<vmem>>, vector<16xi32>,
        } {sc.loop_unroll_factor = 8 : i64, sc.parallel_access}
        %parallel_loop3A_104 = arith.constant 0 : i32
        %parallel_loop3A_105 = arith.constant 1 : i32
        scf.for %parallel_loop3A_118 = %parallel_loop3A_104 to %reduce_max3A_53 step %parallel_loop3A_105  : i32 {
          %parallel_loop3A_119 = arith.constant 16 : i32
          %parallel_loop3A_120 = arith.muli %parallel_loop3A_118, %parallel_loop3A_119 : i32
          %parallel_loop3A_121 = vector.broadcast %parallel_loop3A_120 : i32 to vector<16xi32>
          %parallel_loop3A_122 = arith.addi %parallel_loop3A_121, %iota3A : vector<16xi32>
          %parallel_loop3A_123 = tpu.vector_load_idx %arg11[%parallel_loop3A_122] : memref<16384xi32, #tpu.memory_space<vmem>>[vector<16xi32>], vector<16xi32>,
          %parallel_loop3A_124 = arith.addi %mul3A_9, %parallel_loop3A_123 : vector<16xi32>
          %parallel_loop3A_125 = tpu.vector_load_idx %arg6[%parallel_loop3A_124] : memref<65536xf32, #tpu.memory_space<vmem>>[vector<16xi32>], vector<16xf32>,
          %parallel_loop3A_126 = vector.bitcast %parallel_loop3A_125 : vector<16xf32> to vector<16xi32>
          %parallel_loop3A_127 = arith.constant 0 : i32
          %parallel_loop3A_128 = vector.broadcast %parallel_loop3A_127 : i32 to vector<16xi32>
          %parallel_loop3A_129 = arith.cmpi slt, %parallel_loop3A_126, %parallel_loop3A_128 : vector<16xi32>
          %parallel_loop3A_130 = arith.constant 2147483647 : i32
          %parallel_loop3A_131 = vector.broadcast %parallel_loop3A_130 : i32 to vector<16xi32>
          %parallel_loop3A_132 = arith.xori %parallel_loop3A_126, %parallel_loop3A_131 : vector<16xi32>
          %parallel_loop3A_133 = arith.select %parallel_loop3A_129, %parallel_loop3A_132, %parallel_loop3A_126 : vector<16xi1>, vector<16xi32>
          %parallel_loop3A_134 = arith.constant 0 : i32
          %parallel_loop3A_135 = vector.broadcast %parallel_loop3A_134 : i32 to vector<16xi32>
          %parallel_loop3A_136 = arith.shrsi %parallel_loop3A_133, %parallel_loop3A_135 : vector<16xi32>
          %parallel_loop3A_137 = arith.constant 8 : i32
          %parallel_loop3A_138 = vector.broadcast %parallel_loop3A_137 : i32 to vector<16xi32>
          %parallel_loop3A_139 = arith.shrsi %parallel_loop3A_136, %parallel_loop3A_138 : vector<16xi32>
          %parallel_loop3A_140 = arith.cmpi eq, %parallel_loop3A_139, %or3A_99 : vector<16xi32>
          %parallel_loop3A_141 = vector.broadcast %parallel_loop3A_118 : i32 to vector<16xi32>
          %parallel_loop3A_142 = arith.cmpi slt, %parallel_loop3A_141, %parallel_loop3A_43#3 : vector<16xi32>
          %parallel_loop3A_143 = arith.andi %parallel_loop3A_140, %parallel_loop3A_142 : vector<16xi1>
          %parallel_loop3A_144 = arith.constant 255 : i32
          %parallel_loop3A_145 = vector.broadcast %parallel_loop3A_144 : i32 to vector<16xi32>
          %parallel_loop3A_146 = arith.andi %parallel_loop3A_136, %parallel_loop3A_145 : vector<16xi32>
          %parallel_loop3A_147 = arith.constant 16 : i32
          %parallel_loop3A_148 = vector.broadcast %parallel_loop3A_147 : i32 to vector<16xi32>
          %parallel_loop3A_149 = arith.muli %parallel_loop3A_146, %parallel_loop3A_148 : vector<16xi32>
          %parallel_loop3A_150 = arith.addi %parallel_loop3A_149, %iota3A : vector<16xi32>
          tpu.vector_store_idx %arg10[%parallel_loop3A_150], %broadcast_in_dim3A_4 masked %parallel_loop3A_143 {add = true} : memref<4096xi32, #tpu.memory_space<vmem>>[vector<16xi32>], vector<16xi32>, vector<16xi1>
        } {sc.loop_unroll_factor = 4 : i64, sc.parallel_access}
        %parallel_loop3A_106 = arith.constant 0 : i32
        %parallel_loop3A_107 = arith.constant 256 : i32
        %parallel_loop3A_108 = arith.constant 1 : i32
        %parallel_loop3A_109:4 = scf.for %parallel_loop3A_118 = %parallel_loop3A_106 to %parallel_loop3A_107 step %parallel_loop3A_108 iter_args(%parallel_loop3A_119 = %broadcast_in_dim3A_6, %parallel_loop3A_120 = %broadcast_in_dim3A_6, %parallel_loop3A_121 = %broadcast_in_dim3A_6, %parallel_loop3A_122 = %broadcast_in_dim3A_6) -> (vector<16xi32>, vector<16xi32>, vector<16xi32>, vector<16xi32>)  : i32 {
          %parallel_loop3A_123 = arith.constant 255 : i32
          %parallel_loop3A_124 = arith.subi %parallel_loop3A_123, %parallel_loop3A_118 : i32
          %parallel_loop3A_125 = arith.constant 16 : i32
          %parallel_loop3A_126 = arith.muli %parallel_loop3A_124, %parallel_loop3A_125 : i32
          %parallel_loop3A_127 = arith.index_cast %parallel_loop3A_126 : i32 to index
          %parallel_loop3A_128 = tpu.vector_load %arg10[%parallel_loop3A_127] {strides = array<i32>} : memref<4096xi32, #tpu.memory_space<vmem>>, vector<16xi32>,
          %parallel_loop3A_129 = arith.addi %parallel_loop3A_119, %parallel_loop3A_128 : vector<16xi32>
          %parallel_loop3A_130 = arith.cmpi slt, %parallel_loop3A_119, %sub3A_100 : vector<16xi32>
          %parallel_loop3A_131 = arith.cmpi sge, %parallel_loop3A_129, %sub3A_100 : vector<16xi32>
          %parallel_loop3A_132 = arith.andi %parallel_loop3A_130, %parallel_loop3A_131 : vector<16xi1>
          %parallel_loop3A_133 = vector.broadcast %parallel_loop3A_124 : i32 to vector<16xi32>
          %parallel_loop3A_134 = arith.select %parallel_loop3A_132, %parallel_loop3A_133, %parallel_loop3A_120 : vector<16xi1>, vector<16xi32>
          %parallel_loop3A_135 = arith.select %parallel_loop3A_132, %parallel_loop3A_119, %parallel_loop3A_121 : vector<16xi1>, vector<16xi32>
          %parallel_loop3A_136 = arith.select %parallel_loop3A_132, %parallel_loop3A_128, %parallel_loop3A_122 : vector<16xi1>, vector<16xi32>
          scf.yield %parallel_loop3A_129, %parallel_loop3A_134, %parallel_loop3A_135, %parallel_loop3A_136 : vector<16xi32>, vector<16xi32>, vector<16xi32>, vector<16xi32>
        } {sc.loop_unroll_factor = 4 : i64, sc.parallel_access}
        %shift_left3A_110 = arith.constant 8 : i32
        %shift_left3A_111 = vector.broadcast %shift_left3A_110 : i32 to vector<16xi32>
        %shift_left3A_112 = arith.shli %or3A_99, %shift_left3A_111 : vector<16xi32>
        %or3A_113 = arith.ori %shift_left3A_112, %parallel_loop3A_109#1 : vector<16xi32>
        %sub3A_114 = arith.subi %sub3A_100, %parallel_loop3A_109#2 : vector<16xi32>
        %parallel_loop3A_115 = arith.constant 0 : i32
        %parallel_loop3A_116 = arith.constant 1 : i32
        %parallel_loop3A_117:2 = scf.for %parallel_loop3A_118 = %parallel_loop3A_115 to %reduce_max3A_53 step %parallel_loop3A_116 iter_args(%parallel_loop3A_119 = %broadcast_in_dim3A_6, %parallel_loop3A_120 = %broadcast_in_dim3A_6) -> (vector<16xi32>, vector<16xi32>)  : i32 {
          %parallel_loop3A_121 = arith.constant 16 : i32
          %parallel_loop3A_122 = arith.muli %parallel_loop3A_118, %parallel_loop3A_121 : i32
          %parallel_loop3A_123 = vector.broadcast %parallel_loop3A_122 : i32 to vector<16xi32>
          %parallel_loop3A_124 = arith.addi %parallel_loop3A_123, %iota3A : vector<16xi32>
          %parallel_loop3A_125 = tpu.vector_load_idx %arg11[%parallel_loop3A_124] : memref<16384xi32, #tpu.memory_space<vmem>>[vector<16xi32>], vector<16xi32>,
          %parallel_loop3A_126 = arith.addi %mul3A_9, %parallel_loop3A_125 : vector<16xi32>
          %parallel_loop3A_127 = tpu.vector_load_idx %arg6[%parallel_loop3A_126] : memref<65536xf32, #tpu.memory_space<vmem>>[vector<16xi32>], vector<16xf32>,
          %parallel_loop3A_128 = vector.bitcast %parallel_loop3A_127 : vector<16xf32> to vector<16xi32>
          %parallel_loop3A_129 = arith.constant 0 : i32
          %parallel_loop3A_130 = vector.broadcast %parallel_loop3A_129 : i32 to vector<16xi32>
          %parallel_loop3A_131 = arith.cmpi slt, %parallel_loop3A_128, %parallel_loop3A_130 : vector<16xi32>
          %parallel_loop3A_132 = arith.constant 2147483647 : i32
          %parallel_loop3A_133 = vector.broadcast %parallel_loop3A_132 : i32 to vector<16xi32>
          %parallel_loop3A_134 = arith.xori %parallel_loop3A_128, %parallel_loop3A_133 : vector<16xi32>
          %parallel_loop3A_135 = arith.select %parallel_loop3A_131, %parallel_loop3A_134, %parallel_loop3A_128 : vector<16xi1>, vector<16xi32>
          %parallel_loop3A_136 = arith.cmpi eq, %parallel_loop3A_135, %or3A_113 : vector<16xi32>
          %parallel_loop3A_137 = vector.broadcast %parallel_loop3A_118 : i32 to vector<16xi32>
          %parallel_loop3A_138 = arith.cmpi slt, %parallel_loop3A_137, %parallel_loop3A_43#3 : vector<16xi32>
          %parallel_loop3A_139 = arith.andi %parallel_loop3A_136, %parallel_loop3A_138 : vector<16xi1>
          %parallel_loop3A_140 = arith.constant 1 : i32
          %parallel_loop3A_141 = vector.broadcast %parallel_loop3A_140 : i32 to vector<16xi32>
          %parallel_loop3A_142 = arith.subi %sub3A_114, %parallel_loop3A_141 : vector<16xi32>
          %parallel_loop3A_143 = arith.cmpi eq, %parallel_loop3A_119, %parallel_loop3A_142 : vector<16xi32>
          %parallel_loop3A_144 = arith.andi %parallel_loop3A_139, %parallel_loop3A_143 : vector<16xi1>
          %parallel_loop3A_145 = arith.select %parallel_loop3A_144, %parallel_loop3A_125, %parallel_loop3A_120 : vector<16xi1>, vector<16xi32>
          %parallel_loop3A_146 = arith.constant 1 : i32
          %parallel_loop3A_147 = arith.constant 0 : i32
          %parallel_loop3A_148 = vector.broadcast %parallel_loop3A_146 : i32 to vector<16xi32>
          %parallel_loop3A_149 = vector.broadcast %parallel_loop3A_147 : i32 to vector<16xi32>
          %parallel_loop3A_150 = arith.select %parallel_loop3A_139, %parallel_loop3A_148, %parallel_loop3A_149 : vector<16xi1>, vector<16xi32>
          %parallel_loop3A_151 = arith.addi %parallel_loop3A_119, %parallel_loop3A_150 : vector<16xi32>
          scf.yield %parallel_loop3A_151, %parallel_loop3A_145 : vector<16xi32>, vector<16xi32>
        } {sc.loop_unroll_factor = 4 : i64, sc.parallel_access}
        scf.yield %or3A_113, %parallel_loop3A_117#1 : vector<16xi32>, vector<16xi32>
      } else {
        %parallel_loop3A_71 = arith.constant 0 : i32
        %parallel_loop3A_72 = arith.constant 256 : i32
        %parallel_loop3A_73 = arith.constant 1 : i32
        scf.for %parallel_loop3A_118 = %parallel_loop3A_71 to %parallel_loop3A_72 step %parallel_loop3A_73  : i32 {
          %parallel_loop3A_119 = arith.constant 16 : i32
          %parallel_loop3A_120 = arith.muli %parallel_loop3A_118, %parallel_loop3A_119 : i32
          %parallel_loop3A_121 = arith.index_cast %parallel_loop3A_120 : i32 to index
          %parallel_loop3A_122 = tpu.vector_load %arg10[%parallel_loop3A_121] {strides = array<i32>} : memref<4096xi32, #tpu.memory_space<vmem>>, vector<16xi32>,
          tpu.vector_store %arg10[%parallel_loop3A_121], %broadcast_in_dim3A_6 {strides = array<i32>} : memref<4096xi32, #tpu.memory_space<vmem>>, vector<16xi32>,
        } {sc.loop_unroll_factor = 8 : i64, sc.parallel_access}
        %parallel_loop3A_74 = arith.constant 0 : i32
        %parallel_loop3A_75 = arith.constant 4096 : i32
        %parallel_loop3A_76 = arith.constant 1 : i32
        scf.for %parallel_loop3A_118 = %parallel_loop3A_74 to %parallel_loop3A_75 step %parallel_loop3A_76  : i32 {
          %parallel_loop3A_119 = vector.broadcast %parallel_loop3A_118 : i32 to vector<16xi32>
          %parallel_loop3A_120 = arith.addi %mul3A_9, %parallel_loop3A_119 : vector<16xi32>
          %parallel_loop3A_121 = tpu.vector_load_idx %arg6[%parallel_loop3A_120] : memref<65536xf32, #tpu.memory_space<vmem>>[vector<16xi32>], vector<16xf32>,
          %parallel_loop3A_122 = vector.bitcast %parallel_loop3A_121 : vector<16xf32> to vector<16xi32>
          %parallel_loop3A_123 = arith.constant 0 : i32
          %parallel_loop3A_124 = vector.broadcast %parallel_loop3A_123 : i32 to vector<16xi32>
          %parallel_loop3A_125 = arith.cmpi slt, %parallel_loop3A_122, %parallel_loop3A_124 : vector<16xi32>
          %parallel_loop3A_126 = arith.constant 2147483647 : i32
          %parallel_loop3A_127 = vector.broadcast %parallel_loop3A_126 : i32 to vector<16xi32>
          %parallel_loop3A_128 = arith.xori %parallel_loop3A_122, %parallel_loop3A_127 : vector<16xi32>
          %parallel_loop3A_129 = arith.select %parallel_loop3A_125, %parallel_loop3A_128, %parallel_loop3A_122 : vector<16xi1>, vector<16xi32>
          %parallel_loop3A_130 = arith.constant 16 : i32
          %parallel_loop3A_131 = vector.broadcast %parallel_loop3A_130 : i32 to vector<16xi32>
          %parallel_loop3A_132 = arith.shrsi %parallel_loop3A_129, %parallel_loop3A_131 : vector<16xi32>
          %parallel_loop3A_133 = arith.constant 8 : i32
          %parallel_loop3A_134 = vector.broadcast %parallel_loop3A_133 : i32 to vector<16xi32>
          %parallel_loop3A_135 = arith.shrsi %parallel_loop3A_132, %parallel_loop3A_134 : vector<16xi32>
          %parallel_loop3A_136 = arith.cmpi eq, %parallel_loop3A_135, %sub3A_45 : vector<16xi32>
          %parallel_loop3A_137 = arith.constant true
          %parallel_loop3A_138 = vector.broadcast %parallel_loop3A_137 : i1 to vector<16xi1>
          %parallel_loop3A_139 = arith.andi %parallel_loop3A_136, %parallel_loop3A_138 : vector<16xi1>
          %parallel_loop3A_140 = arith.constant 255 : i32
          %parallel_loop3A_141 = vector.broadcast %parallel_loop3A_140 : i32 to vector<16xi32>
          %parallel_loop3A_142 = arith.andi %parallel_loop3A_132, %parallel_loop3A_141 : vector<16xi32>
          %parallel_loop3A_143 = arith.constant 16 : i32
          %parallel_loop3A_144 = vector.broadcast %parallel_loop3A_143 : i32 to vector<16xi32>
          %parallel_loop3A_145 = arith.muli %parallel_loop3A_142, %parallel_loop3A_144 : vector<16xi32>
          %parallel_loop3A_146 = arith.addi %parallel_loop3A_145, %iota3A : vector<16xi32>
          tpu.vector_store_idx %arg10[%parallel_loop3A_146], %broadcast_in_dim3A_4 masked %parallel_loop3A_139 {add = true} : memref<4096xi32, #tpu.memory_space<vmem>>[vector<16xi32>], vector<16xi32>, vector<16xi1>
        } {sc.loop_unroll_factor = 8 : i64, sc.parallel_access}
        %parallel_loop3A_77 = arith.constant 0 : i32
        %parallel_loop3A_78 = arith.constant 256 : i32
        %parallel_loop3A_79 = arith.constant 1 : i32
        %parallel_loop3A_80:4 = scf.for %parallel_loop3A_118 = %parallel_loop3A_77 to %parallel_loop3A_78 step %parallel_loop3A_79 iter_args(%parallel_loop3A_119 = %broadcast_in_dim3A_6, %parallel_loop3A_120 = %broadcast_in_dim3A_6, %parallel_loop3A_121 = %broadcast_in_dim3A_6, %parallel_loop3A_122 = %broadcast_in_dim3A_6) -> (vector<16xi32>, vector<16xi32>, vector<16xi32>, vector<16xi32>)  : i32 {
          %parallel_loop3A_123 = arith.constant 255 : i32
          %parallel_loop3A_124 = arith.subi %parallel_loop3A_123, %parallel_loop3A_118 : i32
          %parallel_loop3A_125 = arith.constant 16 : i32
          %parallel_loop3A_126 = arith.muli %parallel_loop3A_124, %parallel_loop3A_125 : i32
          %parallel_loop3A_127 = arith.index_cast %parallel_loop3A_126 : i32 to index
          %parallel_loop3A_128 = tpu.vector_load %arg10[%parallel_loop3A_127] {strides = array<i32>} : memref<4096xi32, #tpu.memory_space<vmem>>, vector<16xi32>,
          %parallel_loop3A_129 = arith.addi %parallel_loop3A_119, %parallel_loop3A_128 : vector<16xi32>
          %parallel_loop3A_130 = arith.cmpi slt, %parallel_loop3A_119, %sub3A_46 : vector<16xi32>
          %parallel_loop3A_131 = arith.cmpi sge, %parallel_loop3A_129, %sub3A_46 : vector<16xi32>
          %parallel_loop3A_132 = arith.andi %parallel_loop3A_130, %parallel_loop3A_131 : vector<16xi1>
          %parallel_loop3A_133 = vector.broadcast %parallel_loop3A_124 : i32 to vector<16xi32>
          %parallel_loop3A_134 = arith.select %parallel_loop3A_132, %parallel_loop3A_133, %parallel_loop3A_120 : vector<16xi1>, vector<16xi32>
          %parallel_loop3A_135 = arith.select %parallel_loop3A_132, %parallel_loop3A_119, %parallel_loop3A_121 : vector<16xi1>, vector<16xi32>
          %parallel_loop3A_136 = arith.select %parallel_loop3A_132, %parallel_loop3A_128, %parallel_loop3A_122 : vector<16xi1>, vector<16xi32>
          scf.yield %parallel_loop3A_129, %parallel_loop3A_134, %parallel_loop3A_135, %parallel_loop3A_136 : vector<16xi32>, vector<16xi32>, vector<16xi32>, vector<16xi32>
        } {sc.loop_unroll_factor = 4 : i64, sc.parallel_access}
        %shift_left3A = arith.constant 8 : i32
        %shift_left3A_81 = vector.broadcast %shift_left3A : i32 to vector<16xi32>
        %shift_left3A_82 = arith.shli %sub3A_45, %shift_left3A_81 : vector<16xi32>
        %or3A = arith.ori %shift_left3A_82, %parallel_loop3A_80#1 : vector<16xi32>
        %sub3A_83 = arith.subi %sub3A_46, %parallel_loop3A_80#2 : vector<16xi32>
        %parallel_loop3A_84 = arith.constant 0 : i32
        %parallel_loop3A_85 = arith.constant 256 : i32
        %parallel_loop3A_86 = arith.constant 1 : i32
        scf.for %parallel_loop3A_118 = %parallel_loop3A_84 to %parallel_loop3A_85 step %parallel_loop3A_86  : i32 {
          %parallel_loop3A_119 = arith.constant 16 : i32
          %parallel_loop3A_120 = arith.muli %parallel_loop3A_118, %parallel_loop3A_119 : i32
          %parallel_loop3A_121 = arith.index_cast %parallel_loop3A_120 : i32 to index
          %parallel_loop3A_122 = tpu.vector_load %arg10[%parallel_loop3A_121] {strides = array<i32>} : memref<4096xi32, #tpu.memory_space<vmem>>, vector<16xi32>,
          tpu.vector_store %arg10[%parallel_loop3A_121], %broadcast_in_dim3A_6 {strides = array<i32>} : memref<4096xi32, #tpu.memory_space<vmem>>, vector<16xi32>,
        } {sc.loop_unroll_factor = 8 : i64, sc.parallel_access}
        %parallel_loop3A_87 = arith.constant 0 : i32
        %parallel_loop3A_88 = arith.constant 4096 : i32
        %parallel_loop3A_89 = arith.constant 1 : i32
        scf.for %parallel_loop3A_118 = %parallel_loop3A_87 to %parallel_loop3A_88 step %parallel_loop3A_89  : i32 {
          %parallel_loop3A_119 = vector.broadcast %parallel_loop3A_118 : i32 to vector<16xi32>
          %parallel_loop3A_120 = arith.addi %mul3A_9, %parallel_loop3A_119 : vector<16xi32>
          %parallel_loop3A_121 = tpu.vector_load_idx %arg6[%parallel_loop3A_120] : memref<65536xf32, #tpu.memory_space<vmem>>[vector<16xi32>], vector<16xf32>,
          %parallel_loop3A_122 = vector.bitcast %parallel_loop3A_121 : vector<16xf32> to vector<16xi32>
          %parallel_loop3A_123 = arith.constant 0 : i32
          %parallel_loop3A_124 = vector.broadcast %parallel_loop3A_123 : i32 to vector<16xi32>
          %parallel_loop3A_125 = arith.cmpi slt, %parallel_loop3A_122, %parallel_loop3A_124 : vector<16xi32>
          %parallel_loop3A_126 = arith.constant 2147483647 : i32
          %parallel_loop3A_127 = vector.broadcast %parallel_loop3A_126 : i32 to vector<16xi32>
          %parallel_loop3A_128 = arith.xori %parallel_loop3A_122, %parallel_loop3A_127 : vector<16xi32>
          %parallel_loop3A_129 = arith.select %parallel_loop3A_125, %parallel_loop3A_128, %parallel_loop3A_122 : vector<16xi1>, vector<16xi32>
          %parallel_loop3A_130 = arith.constant 8 : i32
          %parallel_loop3A_131 = vector.broadcast %parallel_loop3A_130 : i32 to vector<16xi32>
          %parallel_loop3A_132 = arith.shrsi %parallel_loop3A_129, %parallel_loop3A_131 : vector<16xi32>
          %parallel_loop3A_133 = arith.constant 8 : i32
          %parallel_loop3A_134 = vector.broadcast %parallel_loop3A_133 : i32 to vector<16xi32>
          %parallel_loop3A_135 = arith.shrsi %parallel_loop3A_132, %parallel_loop3A_134 : vector<16xi32>
          %parallel_loop3A_136 = arith.cmpi eq, %parallel_loop3A_135, %or3A : vector<16xi32>
          %parallel_loop3A_137 = arith.constant true
          %parallel_loop3A_138 = vector.broadcast %parallel_loop3A_137 : i1 to vector<16xi1>
          %parallel_loop3A_139 = arith.andi %parallel_loop3A_136, %parallel_loop3A_138 : vector<16xi1>
          %parallel_loop3A_140 = arith.constant 255 : i32
          %parallel_loop3A_141 = vector.broadcast %parallel_loop3A_140 : i32 to vector<16xi32>
          %parallel_loop3A_142 = arith.andi %parallel_loop3A_132, %parallel_loop3A_141 : vector<16xi32>
          %parallel_loop3A_143 = arith.constant 16 : i32
          %parallel_loop3A_144 = vector.broadcast %parallel_loop3A_143 : i32 to vector<16xi32>
          %parallel_loop3A_145 = arith.muli %parallel_loop3A_142, %parallel_loop3A_144 : vector<16xi32>
          %parallel_loop3A_146 = arith.addi %parallel_loop3A_145, %iota3A : vector<16xi32>
          tpu.vector_store_idx %arg10[%parallel_loop3A_146], %broadcast_in_dim3A_4 masked %parallel_loop3A_139 {add = true} : memref<4096xi32, #tpu.memory_space<vmem>>[vector<16xi32>], vector<16xi32>, vector<16xi1>
        } {sc.loop_unroll_factor = 8 : i64, sc.parallel_access}
        %parallel_loop3A_90 = arith.constant 0 : i32
        %parallel_loop3A_91 = arith.constant 256 : i32
        %parallel_loop3A_92 = arith.constant 1 : i32
        %parallel_loop3A_93:4 = scf.for %parallel_loop3A_118 = %parallel_loop3A_90 to %parallel_loop3A_91 step %parallel_loop3A_92 iter_args(%parallel_loop3A_119 = %broadcast_in_dim3A_6, %parallel_loop3A_120 = %broadcast_in_dim3A_6, %parallel_loop3A_121 = %broadcast_in_dim3A_6, %parallel_loop3A_122 = %broadcast_in_dim3A_6) -> (vector<16xi32>, vector<16xi32>, vector<16xi32>, vector<16xi32>)  : i32 {
          %parallel_loop3A_123 = arith.constant 255 : i32
          %parallel_loop3A_124 = arith.subi %parallel_loop3A_123, %parallel_loop3A_118 : i32
          %parallel_loop3A_125 = arith.constant 16 : i32
          %parallel_loop3A_126 = arith.muli %parallel_loop3A_124, %parallel_loop3A_125 : i32
          %parallel_loop3A_127 = arith.index_cast %parallel_loop3A_126 : i32 to index
          %parallel_loop3A_128 = tpu.vector_load %arg10[%parallel_loop3A_127] {strides = array<i32>} : memref<4096xi32, #tpu.memory_space<vmem>>, vector<16xi32>,
          %parallel_loop3A_129 = arith.addi %parallel_loop3A_119, %parallel_loop3A_128 : vector<16xi32>
          %parallel_loop3A_130 = arith.cmpi slt, %parallel_loop3A_119, %sub3A_83 : vector<16xi32>
          %parallel_loop3A_131 = arith.cmpi sge, %parallel_loop3A_129, %sub3A_83 : vector<16xi32>
          %parallel_loop3A_132 = arith.andi %parallel_loop3A_130, %parallel_loop3A_131 : vector<16xi1>
          %parallel_loop3A_133 = vector.broadcast %parallel_loop3A_124 : i32 to vector<16xi32>
          %parallel_loop3A_134 = arith.select %parallel_loop3A_132, %parallel_loop3A_133, %parallel_loop3A_120 : vector<16xi1>, vector<16xi32>
          %parallel_loop3A_135 = arith.select %parallel_loop3A_132, %parallel_loop3A_119, %parallel_loop3A_121 : vector<16xi1>, vector<16xi32>
          %parallel_loop3A_136 = arith.select %parallel_loop3A_132, %parallel_loop3A_128, %parallel_loop3A_122 : vector<16xi1>, vector<16xi32>
          scf.yield %parallel_loop3A_129, %parallel_loop3A_134, %parallel_loop3A_135, %parallel_loop3A_136 : vector<16xi32>, vector<16xi32>, vector<16xi32>, vector<16xi32>
        } {sc.loop_unroll_factor = 4 : i64, sc.parallel_access}
        %shift_left3A_94 = arith.constant 8 : i32
        %shift_left3A_95 = vector.broadcast %shift_left3A_94 : i32 to vector<16xi32>
        %shift_left3A_96 = arith.shli %or3A, %shift_left3A_95 : vector<16xi32>
        %or3A_97 = arith.ori %shift_left3A_96, %parallel_loop3A_93#1 : vector<16xi32>
        %sub3A_98 = arith.subi %sub3A_83, %parallel_loop3A_93#2 : vector<16xi32>
        %parallel_loop3A_99 = arith.constant 0 : i32
        %parallel_loop3A_100 = arith.constant 256 : i32
        %parallel_loop3A_101 = arith.constant 1 : i32
        scf.for %parallel_loop3A_118 = %parallel_loop3A_99 to %parallel_loop3A_100 step %parallel_loop3A_101  : i32 {
          %parallel_loop3A_119 = arith.constant 16 : i32
          %parallel_loop3A_120 = arith.muli %parallel_loop3A_118, %parallel_loop3A_119 : i32
          %parallel_loop3A_121 = arith.index_cast %parallel_loop3A_120 : i32 to index
          %parallel_loop3A_122 = tpu.vector_load %arg10[%parallel_loop3A_121] {strides = array<i32>} : memref<4096xi32, #tpu.memory_space<vmem>>, vector<16xi32>,
          tpu.vector_store %arg10[%parallel_loop3A_121], %broadcast_in_dim3A_6 {strides = array<i32>} : memref<4096xi32, #tpu.memory_space<vmem>>, vector<16xi32>,
        } {sc.loop_unroll_factor = 8 : i64, sc.parallel_access}
        %parallel_loop3A_102 = arith.constant 0 : i32
        %parallel_loop3A_103 = arith.constant 4096 : i32
        %parallel_loop3A_104 = arith.constant 1 : i32
        scf.for %parallel_loop3A_118 = %parallel_loop3A_102 to %parallel_loop3A_103 step %parallel_loop3A_104  : i32 {
          %parallel_loop3A_119 = vector.broadcast %parallel_loop3A_118 : i32 to vector<16xi32>
          %parallel_loop3A_120 = arith.addi %mul3A_9, %parallel_loop3A_119 : vector<16xi32>
          %parallel_loop3A_121 = tpu.vector_load_idx %arg6[%parallel_loop3A_120] : memref<65536xf32, #tpu.memory_space<vmem>>[vector<16xi32>], vector<16xf32>,
          %parallel_loop3A_122 = vector.bitcast %parallel_loop3A_121 : vector<16xf32> to vector<16xi32>
          %parallel_loop3A_123 = arith.constant 0 : i32
          %parallel_loop3A_124 = vector.broadcast %parallel_loop3A_123 : i32 to vector<16xi32>
          %parallel_loop3A_125 = arith.cmpi slt, %parallel_loop3A_122, %parallel_loop3A_124 : vector<16xi32>
          %parallel_loop3A_126 = arith.constant 2147483647 : i32
          %parallel_loop3A_127 = vector.broadcast %parallel_loop3A_126 : i32 to vector<16xi32>
          %parallel_loop3A_128 = arith.xori %parallel_loop3A_122, %parallel_loop3A_127 : vector<16xi32>
          %parallel_loop3A_129 = arith.select %parallel_loop3A_125, %parallel_loop3A_128, %parallel_loop3A_122 : vector<16xi1>, vector<16xi32>
          %parallel_loop3A_130 = arith.constant 0 : i32
          %parallel_loop3A_131 = vector.broadcast %parallel_loop3A_130 : i32 to vector<16xi32>
          %parallel_loop3A_132 = arith.shrsi %parallel_loop3A_129, %parallel_loop3A_131 : vector<16xi32>
          %parallel_loop3A_133 = arith.constant 8 : i32
          %parallel_loop3A_134 = vector.broadcast %parallel_loop3A_133 : i32 to vector<16xi32>
          %parallel_loop3A_135 = arith.shrsi %parallel_loop3A_132, %parallel_loop3A_134 : vector<16xi32>
          %parallel_loop3A_136 = arith.cmpi eq, %parallel_loop3A_135, %or3A_97 : vector<16xi32>
          %parallel_loop3A_137 = arith.constant true
          %parallel_loop3A_138 = vector.broadcast %parallel_loop3A_137 : i1 to vector<16xi1>
          %parallel_loop3A_139 = arith.andi %parallel_loop3A_136, %parallel_loop3A_138 : vector<16xi1>
          %parallel_loop3A_140 = arith.constant 255 : i32
          %parallel_loop3A_141 = vector.broadcast %parallel_loop3A_140 : i32 to vector<16xi32>
          %parallel_loop3A_142 = arith.andi %parallel_loop3A_132, %parallel_loop3A_141 : vector<16xi32>
          %parallel_loop3A_143 = arith.constant 16 : i32
          %parallel_loop3A_144 = vector.broadcast %parallel_loop3A_143 : i32 to vector<16xi32>
          %parallel_loop3A_145 = arith.muli %parallel_loop3A_142, %parallel_loop3A_144 : vector<16xi32>
          %parallel_loop3A_146 = arith.addi %parallel_loop3A_145, %iota3A : vector<16xi32>
          tpu.vector_store_idx %arg10[%parallel_loop3A_146], %broadcast_in_dim3A_4 masked %parallel_loop3A_139 {add = true} : memref<4096xi32, #tpu.memory_space<vmem>>[vector<16xi32>], vector<16xi32>, vector<16xi1>
        } {sc.loop_unroll_factor = 8 : i64, sc.parallel_access}
        %parallel_loop3A_105 = arith.constant 0 : i32
        %parallel_loop3A_106 = arith.constant 256 : i32
        %parallel_loop3A_107 = arith.constant 1 : i32
        %parallel_loop3A_108:4 = scf.for %parallel_loop3A_118 = %parallel_loop3A_105 to %parallel_loop3A_106 step %parallel_loop3A_107 iter_args(%parallel_loop3A_119 = %broadcast_in_dim3A_6, %parallel_loop3A_120 = %broadcast_in_dim3A_6, %parallel_loop3A_121 = %broadcast_in_dim3A_6, %parallel_loop3A_122 = %broadcast_in_dim3A_6) -> (vector<16xi32>, vector<16xi32>, vector<16xi32>, vector<16xi32>)  : i32 {
          %parallel_loop3A_123 = arith.constant 255 : i32
          %parallel_loop3A_124 = arith.subi %parallel_loop3A_123, %parallel_loop3A_118 : i32
          %parallel_loop3A_125 = arith.constant 16 : i32
          %parallel_loop3A_126 = arith.muli %parallel_loop3A_124, %parallel_loop3A_125 : i32
          %parallel_loop3A_127 = arith.index_cast %parallel_loop3A_126 : i32 to index
          %parallel_loop3A_128 = tpu.vector_load %arg10[%parallel_loop3A_127] {strides = array<i32>} : memref<4096xi32, #tpu.memory_space<vmem>>, vector<16xi32>,
          %parallel_loop3A_129 = arith.addi %parallel_loop3A_119, %parallel_loop3A_128 : vector<16xi32>
          %parallel_loop3A_130 = arith.cmpi slt, %parallel_loop3A_119, %sub3A_98 : vector<16xi32>
          %parallel_loop3A_131 = arith.cmpi sge, %parallel_loop3A_129, %sub3A_98 : vector<16xi32>
          %parallel_loop3A_132 = arith.andi %parallel_loop3A_130, %parallel_loop3A_131 : vector<16xi1>
          %parallel_loop3A_133 = vector.broadcast %parallel_loop3A_124 : i32 to vector<16xi32>
          %parallel_loop3A_134 = arith.select %parallel_loop3A_132, %parallel_loop3A_133, %parallel_loop3A_120 : vector<16xi1>, vector<16xi32>
          %parallel_loop3A_135 = arith.select %parallel_loop3A_132, %parallel_loop3A_119, %parallel_loop3A_121 : vector<16xi1>, vector<16xi32>
          %parallel_loop3A_136 = arith.select %parallel_loop3A_132, %parallel_loop3A_128, %parallel_loop3A_122 : vector<16xi1>, vector<16xi32>
          scf.yield %parallel_loop3A_129, %parallel_loop3A_134, %parallel_loop3A_135, %parallel_loop3A_136 : vector<16xi32>, vector<16xi32>, vector<16xi32>, vector<16xi32>
        } {sc.loop_unroll_factor = 4 : i64, sc.parallel_access}
        %shift_left3A_109 = arith.constant 8 : i32
        %shift_left3A_110 = vector.broadcast %shift_left3A_109 : i32 to vector<16xi32>
        %shift_left3A_111 = arith.shli %or3A_97, %shift_left3A_110 : vector<16xi32>
        %or3A_112 = arith.ori %shift_left3A_111, %parallel_loop3A_108#1 : vector<16xi32>
        %sub3A_113 = arith.subi %sub3A_98, %parallel_loop3A_108#2 : vector<16xi32>
        %parallel_loop3A_114 = arith.constant 0 : i32
        %parallel_loop3A_115 = arith.constant 4096 : i32
        %parallel_loop3A_116 = arith.constant 1 : i32
        %parallel_loop3A_117:2 = scf.for %parallel_loop3A_118 = %parallel_loop3A_114 to %parallel_loop3A_115 step %parallel_loop3A_116 iter_args(%parallel_loop3A_119 = %broadcast_in_dim3A_6, %parallel_loop3A_120 = %broadcast_in_dim3A_6) -> (vector<16xi32>, vector<16xi32>)  : i32 {
          %parallel_loop3A_121 = vector.broadcast %parallel_loop3A_118 : i32 to vector<16xi32>
          %parallel_loop3A_122 = arith.addi %mul3A_9, %parallel_loop3A_121 : vector<16xi32>
          %parallel_loop3A_123 = tpu.vector_load_idx %arg6[%parallel_loop3A_122] : memref<65536xf32, #tpu.memory_space<vmem>>[vector<16xi32>], vector<16xf32>,
          %parallel_loop3A_124 = vector.bitcast %parallel_loop3A_123 : vector<16xf32> to vector<16xi32>
          %parallel_loop3A_125 = arith.constant 0 : i32
          %parallel_loop3A_126 = vector.broadcast %parallel_loop3A_125 : i32 to vector<16xi32>
          %parallel_loop3A_127 = arith.cmpi slt, %parallel_loop3A_124, %parallel_loop3A_126 : vector<16xi32>
          %parallel_loop3A_128 = arith.constant 2147483647 : i32
          %parallel_loop3A_129 = vector.broadcast %parallel_loop3A_128 : i32 to vector<16xi32>
          %parallel_loop3A_130 = arith.xori %parallel_loop3A_124, %parallel_loop3A_129 : vector<16xi32>
          %parallel_loop3A_131 = arith.select %parallel_loop3A_127, %parallel_loop3A_130, %parallel_loop3A_124 : vector<16xi1>, vector<16xi32>
          %parallel_loop3A_132 = arith.cmpi eq, %parallel_loop3A_131, %or3A_112 : vector<16xi32>
          %parallel_loop3A_133 = arith.constant true
          %parallel_loop3A_134 = vector.broadcast %parallel_loop3A_133 : i1 to vector<16xi1>
          %parallel_loop3A_135 = arith.andi %parallel_loop3A_132, %parallel_loop3A_134 : vector<16xi1>
          %parallel_loop3A_136 = arith.constant 1 : i32
          %parallel_loop3A_137 = vector.broadcast %parallel_loop3A_136 : i32 to vector<16xi32>
          %parallel_loop3A_138 = arith.subi %sub3A_113, %parallel_loop3A_137 : vector<16xi32>
          %parallel_loop3A_139 = arith.cmpi eq, %parallel_loop3A_119, %parallel_loop3A_138 : vector<16xi32>
          %parallel_loop3A_140 = arith.andi %parallel_loop3A_135, %parallel_loop3A_139 : vector<16xi1>
          %parallel_loop3A_141 = arith.select %parallel_loop3A_140, %parallel_loop3A_121, %parallel_loop3A_120 : vector<16xi1>, vector<16xi32>
          %parallel_loop3A_142 = arith.constant 1 : i32
          %parallel_loop3A_143 = arith.constant 0 : i32
          %parallel_loop3A_144 = vector.broadcast %parallel_loop3A_142 : i32 to vector<16xi32>
          %parallel_loop3A_145 = vector.broadcast %parallel_loop3A_143 : i32 to vector<16xi32>
          %parallel_loop3A_146 = arith.select %parallel_loop3A_135, %parallel_loop3A_144, %parallel_loop3A_145 : vector<16xi1>, vector<16xi32>
          %parallel_loop3A_147 = arith.addi %parallel_loop3A_119, %parallel_loop3A_146 : vector<16xi32>
          scf.yield %parallel_loop3A_147, %parallel_loop3A_141 : vector<16xi32>, vector<16xi32>
        } {sc.loop_unroll_factor = 8 : i64, sc.parallel_access}
        scf.yield %or3A_112, %parallel_loop3A_117#1 : vector<16xi32>, vector<16xi32>
      }
      %mul3A_67 = arith.constant 16 : i32
      %mul3A_68 = arith.muli %scan3A_21, %mul3A_67 : i32
      %broadcast_in_dim3A_69 = vector.broadcast %mul3A_68 : i32 to vector<16xi32>
      %add3A_70 = arith.addi %iota3A, %broadcast_in_dim3A_69 : vector<16xi32>
      tpu.vector_store_idx %arg7[%add3A_70], %cond3A_66#0 : memref<128xi32, #tpu.memory_space<vmem>>[vector<16xi32>], vector<16xi32>,
      tpu.vector_store_idx %arg8[%add3A_70], %cond3A_66#1 : memref<128xi32, #tpu.memory_space<vmem>>[vector<16xi32>], vector<16xi32>,
      scf.yield %parallel_loop3A_43#1 : vector<16xi32>
    }
    %scan3A_20 = arith.constant 8 : i32
    "tpu.region"() ({
      %run_scoped3A = tpu.sem_alloc : memref<!tpu.dma_semaphore, #tpu.memory_space<semaphore_mem>>
      %dma_start3A = tpu.memref_slice %arg4[%mul3A_2] : memref<4096xi32, #tpu.memory_space<hbm>> -> memref<128xi32, #tpu.memory_space<hbm>>
      %dma_start3A_21 = tpu.memref_slice %arg4[%mul3A_2] : memref<4096xi32, #tpu.memory_space<hbm>> -> memref<128xi32, #tpu.memory_space<hbm>>
      tpu.enqueue_dma source(%arg7 : memref<128xi32, #tpu.memory_space<vmem>>) target(%dma_start3A_21 : memref<128xi32, #tpu.memory_space<hbm>>) target_semaphore(%run_scoped3A : memref<!tpu.dma_semaphore, #tpu.memory_space<semaphore_mem>>)
      %dma_wait3A = tpu.memref_slice %arg4[%mul3A_2] : memref<4096xi32, #tpu.memory_space<hbm>> -> memref<128xi32, #tpu.memory_space<hbm>>
      %dma_wait3A_22 = tpu.memref_slice %arg4[%mul3A_2] : memref<4096xi32, #tpu.memory_space<hbm>> -> memref<128xi32, #tpu.memory_space<hbm>>
      tpu.wait_dma2 semaphore(%run_scoped3A : memref<!tpu.dma_semaphore, #tpu.memory_space<semaphore_mem>>) src(%arg7 : memref<128xi32, #tpu.memory_space<vmem>>) dst(%dma_wait3A_22 : memref<128xi32, #tpu.memory_space<hbm>>)
      tpu.yield
    }) : () -> ()
    "tpu.region"() ({
      %run_scoped3A = tpu.sem_alloc : memref<!tpu.dma_semaphore, #tpu.memory_space<semaphore_mem>>
      %dma_start3A = tpu.memref_slice %arg5[%mul3A_2] : memref<4096xi32, #tpu.memory_space<hbm>> -> memref<128xi32, #tpu.memory_space<hbm>>
      %dma_start3A_21 = tpu.memref_slice %arg5[%mul3A_2] : memref<4096xi32, #tpu.memory_space<hbm>> -> memref<128xi32, #tpu.memory_space<hbm>>
      tpu.enqueue_dma source(%arg8 : memref<128xi32, #tpu.memory_space<vmem>>) target(%dma_start3A_21 : memref<128xi32, #tpu.memory_space<hbm>>) target_semaphore(%run_scoped3A : memref<!tpu.dma_semaphore, #tpu.memory_space<semaphore_mem>>)
      %dma_wait3A = tpu.memref_slice %arg5[%mul3A_2] : memref<4096xi32, #tpu.memory_space<hbm>> -> memref<128xi32, #tpu.memory_space<hbm>>
      %dma_wait3A_22 = tpu.memref_slice %arg5[%mul3A_2] : memref<4096xi32, #tpu.memory_space<hbm>> -> memref<128xi32, #tpu.memory_space<hbm>>
      tpu.wait_dma2 semaphore(%run_scoped3A : memref<!tpu.dma_semaphore, #tpu.memory_space<semaphore_mem>>) src(%arg8 : memref<128xi32, #tpu.memory_space<vmem>>) dst(%dma_wait3A_22 : memref<128xi32, #tpu.memory_space<hbm>>)
      tpu.yield
    }) : () -> ()
    return
  }
}

module attributes {stable_mosaic.version = 14 : i64} {
  func.func @_centrality_kernel(%arg0: i32, %arg1: memref<256x4096xf32, #tpu.memory_space<vmem>>, %arg2: memref<1x1x256xf32, #tpu.memory_space<vmem>>) attributes {dimension_semantics = [#tpu.dimension_semantics<arbitrary>], iteration_bounds = array<i64: 16>, scalar_prefetch = 0 : i64, scratch_operands = 0 : i64, tpu.core_type = #tpu.core_type<tc>, window_params = [{transform_indices = @transform_0, window_bounds = array<i64: 256, 4096>}, {transform_indices = @transform_1, window_bounds = array<i64: 1, 1, 256>}]} {
    %get3A = arith.constant 0 : index
    %get3A_0 = arith.constant 0 : index
    %get3A_1 = vector.load %arg1[%get3A, %get3A_0] : memref<256x4096xf32, #tpu.memory_space<vmem>>, vector<256x4096xf32>
    %reduce_sum3A = arith.constant dense<0.000000e+00> : vector<256xf32>
    %reduce_sum3A_2 = vector.multi_reduction <add>, %get3A_1, %reduce_sum3A [1] : vector<256x4096xf32> to vector<256xf32>
    %div3A = arith.constant 4.096000e+03 : f32
    %div3A_3 = vector.broadcast %div3A : f32 to vector<256xf32>
    %div3A_4 = arith.divf %reduce_sum3A_2, %div3A_3 : vector<256xf32>
    %reshape3A = vector.shape_cast %div3A_4 : vector<256xf32> to vector<1x1x256xf32>
    %swap3A = arith.constant 0 : index
    %swap3A_5 = arith.constant 0 : index
    %swap3A_6 = arith.constant 0 : index
    %swap3A_7 = vector.load %arg2[%swap3A, %swap3A_5, %swap3A_6] : memref<1x1x256xf32, #tpu.memory_space<vmem>>, vector<1x1x256xf32>
    tpu.vector_store %arg2[%swap3A, %swap3A_5, %swap3A_6], %reshape3A {strides = array<i32>} : memref<1x1x256xf32, #tpu.memory_space<vmem>>, vector<1x1x256xf32>,
    return
  }
  func.func @transform_0(%arg0: i32) -> (i32, i32) {
    %c0_i32 = arith.constant 0 : i32
    %c0_i32_0 = arith.constant 0 : i32
    return %arg0, %c0_i32 : i32, i32
  }
  func.func @transform_1(%arg0: i32) -> (i32, i32, i32) {
    %c0_i32 = arith.constant 0 : i32
    %c0_i32_0 = arith.constant 0 : i32
    %c0_i32_1 = arith.constant 0 : i32
    return %arg0, %c0_i32, %c0_i32_0 : i32, i32, i32
  }
}

module attributes {stable_mosaic.version = 14 : i64} {
  func.func @_loss_kernel(%arg0: i32, %arg1: memref<256x4096xf32, #tpu.memory_space<vmem>>, %arg2: memref<1x4096xf32, #tpu.memory_space<vmem>>, %arg3: memref<1x1xf32, #tpu.memory_space<vmem>>, %arg4: memref<256x1xi32, #tpu.memory_space<vmem>>, %arg5: memref<256x1xi32, #tpu.memory_space<vmem>>, %arg6: memref<1x1xf32, #tpu.memory_space<vmem>>) attributes {dimension_semantics = [#tpu.dimension_semantics<arbitrary>], iteration_bounds = array<i64: 16>, scalar_prefetch = 0 : i64, scratch_operands = 0 : i64, tpu.core_type = #tpu.core_type<tc>, window_params = [{transform_indices = @transform_0, window_bounds = array<i64: 256, 4096>}, {pipeline_mode = #tpu.pipeline_mode<synchronous>, transform_indices = @transform_1, window_bounds = array<i64: 1, 4096>}, {pipeline_mode = #tpu.pipeline_mode<synchronous>, transform_indices = @transform_2, window_bounds = array<i64: 1, 1>}, {transform_indices = @transform_3, window_bounds = array<i64: 256, 1>}, {transform_indices = @transform_4, window_bounds = array<i64: 256, 1>}, {pipeline_mode = #tpu.pipeline_mode<synchronous>, transform_indices = @transform_5, window_bounds = array<i64: 1, 1>}]} {
    %get3A = arith.constant 0 : index
    %get3A_0 = arith.constant 0 : index
    %get3A_1 = vector.load %arg1[%get3A, %get3A_0] : memref<256x4096xf32, #tpu.memory_space<vmem>>, vector<256x4096xf32>
    %get3A_2 = arith.constant 0 : index
    %get3A_3 = arith.constant 0 : index
    %get3A_4 = vector.load %arg2[%get3A_2, %get3A_3] : memref<1x4096xf32, #tpu.memory_space<vmem>>, vector<1x4096xf32>
    %get3A_5 = arith.constant 0 : index
    %get3A_6 = arith.constant 0 : index
    %get3A_7 = vector.load %arg3[%get3A_5, %get3A_6] : memref<1x1xf32, #tpu.memory_space<vmem>>, vector<1x1xf32>
    %get3A_8 = vector.extract %get3A_7[0, 0] : f32 from vector<1x1xf32>
    %get3A_9 = arith.constant 0 : index
    %get3A_10 = arith.constant 0 : index
    %get3A_11 = vector.load %arg4[%get3A_9, %get3A_10] : memref<256x1xi32, #tpu.memory_space<vmem>>, vector<256x1xi32>
    %get3A_12 = arith.constant 0 : index
    %get3A_13 = arith.constant 0 : index
    %get3A_14 = vector.load %arg5[%get3A_12, %get3A_13] : memref<256x1xi32, #tpu.memory_space<vmem>>, vector<256x1xi32>
    %mul3A = arith.constant 256 : i32
    %mul3A_15 = arith.muli %arg0, %mul3A : i32
    %iota3A = tpu.iota {dimensions = array<i32: 0>} : vector<256x4096xi32>
    %add3A = vector.broadcast %mul3A_15 : i32 to vector<256x4096xi32>
    %add3A_16 = arith.addi %add3A, %iota3A : vector<256x4096xi32>
    %iota3A_17 = tpu.iota {dimensions = array<i32: 1>} : vector<256x4096xi32>
    %eq3A = arith.cmpi eq, %add3A_16, %iota3A_17 : vector<256x4096xi32>
    %bitcast_convert_type3A = tpu.bitcast %get3A_1 : vector<256x4096xf32> -> vector<256x4096xi32>
    %lt3A = arith.constant 0 : i32
    %lt3A_18 = vector.broadcast %lt3A : i32 to vector<256x4096xi32>
    %lt3A_19 = arith.cmpi slt, %bitcast_convert_type3A, %lt3A_18 : vector<256x4096xi32>
    %xor3A = arith.constant 2147483647 : i32
    %xor3A_20 = vector.broadcast %xor3A : i32 to vector<256x4096xi32>
    %xor3A_21 = arith.xori %bitcast_convert_type3A, %xor3A_20 : vector<256x4096xi32>
    %select_n3A = arith.select %lt3A_19, %xor3A_21, %bitcast_convert_type3A : vector<256x4096xi1>, vector<256x4096xi32>
    %jit3A = arith.constant -2147483648 : i32
    %broadcast_in_dim3A = vector.broadcast %jit3A : i32 to vector<256x4096xi32>
    %select_n3A_22 = arith.select %eq3A, %broadcast_in_dim3A, %select_n3A : vector<256x4096xi1>, vector<256x4096xi32>
    %gt3A = vector.broadcast %get3A_11 : vector<256x1xi32> to vector<256x4096xi32>
    %gt3A_23 = arith.cmpi sgt, %select_n3A_22, %gt3A : vector<256x4096xi32>
    %eq3A_24 = vector.broadcast %get3A_11 : vector<256x1xi32> to vector<256x4096xi32>
    %eq3A_25 = arith.cmpi eq, %select_n3A_22, %eq3A_24 : vector<256x4096xi32>
    %not3A = arith.constant dense<true> : vector<256x4096xi1>
    %not3A_26 = arith.xori %eq3A, %not3A : vector<256x4096xi1>
    %and3A = arith.andi %eq3A_25, %not3A_26 : vector<256x4096xi1>
    %le3A = vector.broadcast %get3A_14 : vector<256x1xi32> to vector<256x4096xi32>
    %le3A_27 = arith.cmpi sle, %iota3A_17, %le3A : vector<256x4096xi32>
    %and3A_28 = arith.andi %and3A, %le3A_27 : vector<256x4096xi1>
    %or3A = arith.ori %gt3A_23, %and3A_28 : vector<256x4096xi1>
    %or3A_29 = arith.ori %or3A, %eq3A : vector<256x4096xi1>
    %not3A_30 = arith.constant dense<true> : vector<256x4096xi1>
    %not3A_31 = arith.xori %or3A_29, %not3A_30 : vector<256x4096xi1>
    %jit3A_32 = arith.constant 9.000000e+15 : f32
    %broadcast_in_dim3A_33 = vector.broadcast %jit3A_32 : f32 to vector<256x4096xf32>
    %select_n3A_34 = arith.select %not3A_31, %get3A_1, %broadcast_in_dim3A_33 : vector<256x4096xi1>, vector<256x4096xf32>
    %reduce_min3A = arith.constant dense<0x7F800000> : vector<256xf32>
    %reduce_min3A_35 = vector.multi_reduction <minimumf>, %select_n3A_34, %reduce_min3A [1] : vector<256x4096xf32> to vector<256xf32>
    %broadcast_in_dim3A_36 = vector.shape_cast %reduce_min3A_35 : vector<256xf32> to vector<256x1xf32>
    %neg3A = arith.constant 0.000000e+00 : f32
    %neg3A_37 = arith.constant 9.000000e+15 : f32
    %neg3A_38 = arith.subf %neg3A, %neg3A_37 : f32
    %broadcast_in_dim3A_39 = vector.broadcast %neg3A_38 : f32 to vector<256x4096xf32>
    %select_n3A_40 = arith.select %not3A_31, %get3A_1, %broadcast_in_dim3A_39 : vector<256x4096xi1>, vector<256x4096xf32>
    %reduce_max3A = arith.constant dense<0xFF800000> : vector<256xf32>
    %reduce_max3A_41 = vector.multi_reduction <maximumf>, %select_n3A_40, %reduce_max3A [1] : vector<256x4096xf32> to vector<256xf32>
    %broadcast_in_dim3A_42 = vector.shape_cast %reduce_max3A_41 : vector<256xf32> to vector<256x1xf32>
    %jit3A_43 = arith.constant 9.000000e+15 : f32
    %broadcast_in_dim3A_44 = vector.shape_cast %get3A_4 : vector<1x4096xf32> to vector<1x4096xf32>
    %broadcast_in_dim3A_45 = vector.broadcast %broadcast_in_dim3A_44 : vector<1x4096xf32> to vector<256x4096xf32>
    %broadcast_in_dim3A_46 = vector.broadcast %jit3A_43 : f32 to vector<256x4096xf32>
    %select_n3A_47 = arith.select %not3A_31, %broadcast_in_dim3A_45, %broadcast_in_dim3A_46 : vector<256x4096xi1>, vector<256x4096xf32>
    %reduce_min3A_48 = arith.constant dense<0x7F800000> : vector<256xf32>
    %reduce_min3A_49 = vector.multi_reduction <minimumf>, %select_n3A_47, %reduce_min3A_48 [1] : vector<256x4096xf32> to vector<256xf32>
    %broadcast_in_dim3A_50 = vector.shape_cast %reduce_min3A_49 : vector<256xf32> to vector<256x1xf32>
    %neg3A_51 = arith.constant 0.000000e+00 : f32
    %neg3A_52 = arith.constant 9.000000e+15 : f32
    %neg3A_53 = arith.subf %neg3A_51, %neg3A_52 : f32
    %broadcast_in_dim3A_54 = vector.shape_cast %get3A_4 : vector<1x4096xf32> to vector<1x4096xf32>
    %broadcast_in_dim3A_55 = vector.broadcast %broadcast_in_dim3A_54 : vector<1x4096xf32> to vector<256x4096xf32>
    %broadcast_in_dim3A_56 = vector.broadcast %neg3A_53 : f32 to vector<256x4096xf32>
    %select_n3A_57 = arith.select %not3A_31, %broadcast_in_dim3A_55, %broadcast_in_dim3A_56 : vector<256x4096xi1>, vector<256x4096xf32>
    %reduce_max3A_58 = arith.constant dense<0xFF800000> : vector<256xf32>
    %reduce_max3A_59 = vector.multi_reduction <maximumf>, %select_n3A_57, %reduce_max3A_58 [1] : vector<256x4096xf32> to vector<256xf32>
    %broadcast_in_dim3A_60 = vector.shape_cast %reduce_max3A_59 : vector<256xf32> to vector<256x1xf32>
    %sub3A = vector.broadcast %broadcast_in_dim3A_36 : vector<256x1xf32> to vector<256x4096xf32>
    %sub3A_61 = arith.subf %get3A_1, %sub3A : vector<256x4096xf32>
    %sub3A_62 = arith.subf %broadcast_in_dim3A_42, %broadcast_in_dim3A_36 : vector<256x1xf32>
    %div3A = vector.broadcast %sub3A_62 : vector<256x1xf32> to vector<256x4096xf32>
    %div3A_63 = arith.divf %sub3A_61, %div3A : vector<256x4096xf32>
    %sub3A_64 = vector.broadcast %get3A_4 : vector<1x4096xf32> to vector<256x4096xf32>
    %sub3A_65 = vector.broadcast %broadcast_in_dim3A_50 : vector<256x1xf32> to vector<256x4096xf32>
    %sub3A_66 = arith.subf %sub3A_64, %sub3A_65 : vector<256x4096xf32>
    %sub3A_67 = arith.subf %broadcast_in_dim3A_60, %broadcast_in_dim3A_50 : vector<256x1xf32>
    %div3A_68 = vector.broadcast %sub3A_67 : vector<256x1xf32> to vector<256x4096xf32>
    %div3A_69 = arith.divf %sub3A_66, %div3A_68 : vector<256x4096xf32>
    %sub3A_70 = arith.subf %div3A_63, %div3A_69 : vector<256x4096xf32>
    %neg3A_71 = arith.constant 0.000000e+00 : f32
    %neg3A_72 = arith.constant 9.000000e+15 : f32
    %neg3A_73 = arith.subf %neg3A_71, %neg3A_72 : f32
    %broadcast_in_dim3A_74 = vector.broadcast %neg3A_73 : f32 to vector<256x4096xf32>
    %select_n3A_75 = arith.select %or3A, %sub3A_70, %broadcast_in_dim3A_74 : vector<256x4096xi1>, vector<256x4096xf32>
    %mul3A_76 = vector.broadcast %get3A_8 : f32 to vector<256x4096xf32>
    %mul3A_77 = arith.mulf %select_n3A_75, %mul3A_76 : vector<256x4096xf32>
    %reduce_max3A_78 = arith.constant dense<0xFF800000> : vector<256xf32>
    %reduce_max3A_79 = vector.multi_reduction <maximumf>, %mul3A_77, %reduce_max3A_78 [1] : vector<256x4096xf32> to vector<256xf32>
    %broadcast_in_dim3A_80 = vector.shape_cast %reduce_max3A_79 : vector<256xf32> to vector<256x1xf32>
    %sub3A_81 = vector.broadcast %broadcast_in_dim3A_80 : vector<256x1xf32> to vector<256x4096xf32>
    %sub3A_82 = arith.subf %mul3A_77, %sub3A_81 : vector<256x4096xf32>
    %exp3A = math.exp %sub3A_82 : vector<256x4096xf32>
    %reduce_sum3A = arith.constant dense<0.000000e+00> : vector<256xf32>
    %reduce_sum3A_83 = vector.multi_reduction <add>, %exp3A, %reduce_sum3A [1] : vector<256x4096xf32> to vector<256xf32>
    %broadcast_in_dim3A_84 = vector.shape_cast %reduce_sum3A_83 : vector<256xf32> to vector<256x1xf32>
    %div3A_85 = vector.broadcast %broadcast_in_dim3A_84 : vector<256x1xf32> to vector<256x4096xf32>
    %div3A_86 = arith.divf %exp3A, %div3A_85 : vector<256x4096xf32>
    %jit3A_87 = arith.constant 0.000000e+00 : f32
    %broadcast_in_dim3A_88 = vector.broadcast %jit3A_87 : f32 to vector<256x4096xf32>
    %select_n3A_89 = arith.select %or3A, %div3A_86, %broadcast_in_dim3A_88 : vector<256x4096xi1>, vector<256x4096xf32>
    %jit3A_90 = arith.constant 1.000000e+00 : f32
    %broadcast_in_dim3A_91 = vector.broadcast %jit3A_90 : f32 to vector<256x4096xf32>
    %select_n3A_92 = arith.select %eq3A, %broadcast_in_dim3A_91, %select_n3A_89 : vector<256x4096xi1>, vector<256x4096xf32>
    %neg3A_93 = arith.constant 0.000000e+00 : f32
    %neg3A_94 = arith.constant 9.000000e+15 : f32
    %neg3A_95 = arith.subf %neg3A_93, %neg3A_94 : f32
    %broadcast_in_dim3A_96 = vector.broadcast %neg3A_95 : f32 to vector<256x4096xf32>
    %select_n3A_97 = arith.select %or3A_29, %get3A_1, %broadcast_in_dim3A_96 : vector<256x4096xi1>, vector<256x4096xf32>
    %reduce_max3A_98 = arith.constant dense<0xFF800000> : vector<256xf32>
    %reduce_max3A_99 = vector.multi_reduction <maximumf>, %select_n3A_97, %reduce_max3A_98 [1] : vector<256x4096xf32> to vector<256xf32>
    %broadcast_in_dim3A_100 = vector.shape_cast %reduce_max3A_99 : vector<256xf32> to vector<256x1xf32>
    %sub3A_101 = vector.broadcast %broadcast_in_dim3A_100 : vector<256x1xf32> to vector<256x4096xf32>
    %sub3A_102 = arith.subf %select_n3A_97, %sub3A_101 : vector<256x4096xf32>
    %exp3A_103 = math.exp %sub3A_102 : vector<256x4096xf32>
    %reduce_sum3A_104 = arith.constant dense<0.000000e+00> : vector<256xf32>
    %reduce_sum3A_105 = vector.multi_reduction <add>, %exp3A_103, %reduce_sum3A_104 [1] : vector<256x4096xf32> to vector<256xf32>
    %broadcast_in_dim3A_106 = vector.shape_cast %reduce_sum3A_105 : vector<256xf32> to vector<256x1xf32>
    %log3A = math.log %broadcast_in_dim3A_106 : vector<256x1xf32>
    %add3A_107 = arith.addf %broadcast_in_dim3A_100, %log3A : vector<256x1xf32>
    %sub3A_108 = vector.broadcast %add3A_107 : vector<256x1xf32> to vector<256x4096xf32>
    %sub3A_109 = arith.subf %select_n3A_97, %sub3A_108 : vector<256x4096xf32>
    %mul3A_110 = arith.mulf %select_n3A_92, %sub3A_109 : vector<256x4096xf32>
    %reduce_sum3A_111 = arith.constant dense<0.000000e+00> : vector<256xf32>
    %reduce_sum3A_112 = vector.multi_reduction <add>, %mul3A_110, %reduce_sum3A_111 [1] : vector<256x4096xf32> to vector<256xf32>
    %reduce_sum3A_113 = arith.constant dense<0.000000e+00> : vector<256xf32>
    %reduce_sum3A_114 = vector.multi_reduction <add>, %select_n3A_92, %reduce_sum3A_113 [1] : vector<256x4096xf32> to vector<256xf32>
    %neg3A_115 = arith.constant 0.000000e+00 : f32
    %neg3A_116 = vector.broadcast %neg3A_115 : f32 to vector<256xf32>
    %neg3A_117 = arith.subf %neg3A_116, %reduce_sum3A_112 : vector<256xf32>
    %div3A_118 = arith.divf %neg3A_117, %reduce_sum3A_114 : vector<256xf32>
    %eq3A_119 = arith.constant 0 : i32
    %eq3A_120 = arith.cmpi eq, %arg0, %eq3A_119 : i32
    %convert_element_type3A = arith.extui %eq3A_120 : i1 to i32
    %cond3A = arith.constant 0 : i32
    %cond3A_121 = arith.cmpi ne, %convert_element_type3A, %cond3A : i32
    scf.if %cond3A_121 {
      %broadcast_in_dim3A_135 = arith.constant 0.000000e+00 : f32
      %broadcast_in_dim3A_136 = vector.broadcast %broadcast_in_dim3A_135 : f32 to vector<1x1xf32>
      %swap3A_137 = arith.constant 0 : index
      %swap3A_138 = arith.constant 0 : index
      %swap3A_139 = vector.load %arg6[%swap3A_137, %swap3A_138] : memref<1x1xf32, #tpu.memory_space<vmem>>, vector<1x1xf32>
      tpu.vector_store %arg6[%swap3A_137, %swap3A_138], %broadcast_in_dim3A_136 {strides = array<i32>} : memref<1x1xf32, #tpu.memory_space<vmem>>, vector<1x1xf32>,
    } else {
    }
    %get3A_122 = arith.constant 0 : index
    %get3A_123 = arith.constant 0 : index
    %get3A_124 = vector.load %arg6[%get3A_122, %get3A_123] : memref<1x1xf32, #tpu.memory_space<vmem>>, vector<1x1xf32>
    %reduce_sum3A_125 = vector.shape_cast %div3A_118 : vector<256xf32> to vector<1x256xf32>
    %reduce_sum3A_126 = arith.constant dense<0.000000e+00> : vector<1xf32>
    %reduce_sum3A_127 = vector.multi_reduction <add>, %reduce_sum3A_125, %reduce_sum3A_126 [1] : vector<1x256xf32> to vector<1xf32>
    %reduce_sum3A_128 = vector.shape_cast %reduce_sum3A_127 : vector<1xf32> to vector<1x1xf32>
    %reduce_sum3A_129 = vector.extract %reduce_sum3A_128[0, 0] : f32 from vector<1x1xf32>
    %div3A_130 = arith.constant 4.096000e+03 : f32
    %div3A_131 = arith.divf %reduce_sum3A_129, %div3A_130 : f32
    %reshape3A = vector.broadcast %div3A_131 : f32 to vector<1x1xf32>
    %add3A_132 = arith.addf %get3A_124, %reshape3A : vector<1x1xf32>
    %swap3A = arith.constant 0 : index
    %swap3A_133 = arith.constant 0 : index
    %swap3A_134 = vector.load %arg6[%swap3A, %swap3A_133] : memref<1x1xf32, #tpu.memory_space<vmem>>, vector<1x1xf32>
    tpu.vector_store %arg6[%swap3A, %swap3A_133], %add3A_132 {strides = array<i32>} : memref<1x1xf32, #tpu.memory_space<vmem>>, vector<1x1xf32>,
    return
  }
  func.func @transform_0(%arg0: i32) -> (i32, i32) {
    %c0_i32 = arith.constant 0 : i32
    %c0_i32_0 = arith.constant 0 : i32
    return %arg0, %c0_i32 : i32, i32
  }
  func.func @transform_1(%arg0: i32) -> (i32, i32) {
    %c0_i32 = arith.constant 0 : i32
    %c0_i32_0 = arith.constant 0 : i32
    %c0_i32_1 = arith.constant 0 : i32
    return %c0_i32, %c0_i32_0 : i32, i32
  }
  func.func @transform_2(%arg0: i32) -> (i32, i32) {
    %c0_i32 = arith.constant 0 : i32
    %c0_i32_0 = arith.constant 0 : i32
    %c0_i32_1 = arith.constant 0 : i32
    return %c0_i32, %c0_i32_0 : i32, i32
  }
  func.func @transform_3(%arg0: i32) -> (i32, i32) {
    %c0_i32 = arith.constant 0 : i32
    %c0_i32_0 = arith.constant 0 : i32
    return %arg0, %c0_i32 : i32, i32
  }
  func.func @transform_4(%arg0: i32) -> (i32, i32) {
    %c0_i32 = arith.constant 0 : i32
    %c0_i32_0 = arith.constant 0 : i32
    return %arg0, %c0_i32 : i32, i32
  }
  func.func @transform_5(%arg0: i32) -> (i32, i32) {
    %c0_i32 = arith.constant 0 : i32
    %c0_i32_0 = arith.constant 0 : i32
    %c0_i32_1 = arith.constant 0 : i32
    return %c0_i32, %c0_i32_0 : i32, i32
  }
}

</mosaic_0001>

<sc_bundles>
// kernel: kernel.5.cloned.1.call-start
scs
__scs_entry_jumppad:
0x0: {  	(pc) =	sbr.rel $0x88, $3  }
0x1: {  	(tag) =	ssettag $0x0;
	lr =	simm.s32 $0x1  }
0x2: {  	[smem:$0x3F9D] =	sst lr;
	_ =	strace $0xD0000000  }
0x3: {  	_ = 	snop  }
0x4: {  	_ = 	snop  }
0x5: {  	_ = 	snop  }
0x6: {  	_ = 	snop  }
0x7: {  	_ = 	snop  }
__scs_overlays_trampoline_lowered:
0x8: {  	[smem:$0x3FAC] =	sst s0  }
0x9: {  	[smem:$0x3FAD] =	sst s1  }
0xa: {  	[smem:$0x3FAE] =	sst s2  }
0xb: {  	[smem:$0x3FAF] =	sst s3  }
0xc: {  	[smem:$0x3FB0] =	sst s4  }
0xd: {  	[smem:$0x3FB1] =	sst s5  }
0xe: {  	[smem:$0x3FB2] =	sst s6  }
0xf: {  	[smem:$0x3FB3] =	sst s7  }
0x10: {  	[smem:$0x3FB4] =	sst s8  }
0x11: {  	[smem:$0x3FB5] =	sst s9;
	s0 =	simm.s32 @!p0 $0x0  }
0x12: {  	s1 =	sld [smem:$0x3F9B];
	s0 =	simm.s32 @p0 $0x1  }
0x13: {  	[smem:$0x3FB6] =	sst s0;
	s0 =	simm.s32 @!p1 $0x0  }
0x14: {  	s2 =	sld [smem:$0x3F9A];
	s0 =	simm.s32 @p1 $0x1  }
0x15: {  	[smem:$0x3FB7] =	sst s0;
	s0 =	simm.s32 @!p2 $0x0  }
0x16: {  	s3 =	sld [smem:$0x3FDB];
	s0 =	simm.s32 @p2 $0x1  }
0x17: {  	s4 =	simm.s32 $0x1BF5;
	[smem:$0x3FB9] =	sst s0  }
0x18: {  	s0 =	sld [smem:$0x3F9C];
	_ =	swait.ge [sflag:s4], $0x0  }
0x19: {  	s7 =	sld [smem:$0x3F9D]  }
0x1a: {  	s8 =	sadd.s32 $0xFFFFE003, lr  }
0x1b: {  	s9 =	sadd.s32 $0xFFFFFEF7, lr;
	s5 =	simm.s32 $0xFFFFFFFF;
	p2 =	slt.u32 s8, $0xFFFFF086  }
0x1c: {  	p1 =	slt.u32 s9, $0xF7A;
	s5 =	simm.s32 @!p2 $0x0  }
0x1d: {  	s5 =	simm.s32 @p1 $0x1;
	p0 =	seq.s32 s7, s2  }
0x1e: {  	s7 =	smul.u32 @!p0 $0xF7A, s2;
	p2 =	seq.s32 @!p0 s5, $0x0  }
0x1f: {  	s9 =	smul.u32 $0xF7A, s1;
	s8 =	simm.s32 @!p0 $0x1BF5;
	p2 =	por !p2, p0  }
0x20: {  	[sflag:s8] =	ssyncset.s32 @!p0 $0xFFFFF086;
	s6 =	sadd.s32 @!p0 s3, s7;
	s7 =	simm.s32 @!p0 $0x108  }
0x21: {  	s3 =	sadd.s32 s3, s9;
	s6 =	sadd.s32 @!p0 $0x88, s6;
	s7 =	simm.s32 @p2 $0x1082  }
0x22: {  	[simem:s7], [sflag:s8] =	dma.local @!p0 [hbm:s6], $0xF7A  }
0x23: {  	s9 =	sor.u32 $0xD0000000, s2;
	s6 =	simm.s32 $0x108;
	_ =	swait.ge @!p0 [sflag:s8], $0x0  }
0x24: {  	s3 =	sadd.s32 $0x88, s3;
	s6 =	simm.s32 @!p1 $0x1082;
	[sflag:s4] =	ssyncset.s32 $0xFFFFF086  }
0x25: {  	[simem:s6], [sflag:s4] =	dma.local [hbm:s3], $0xF7A  }
0x26: {  	[smem:$0x3F9D] =	sst s1;
	(tag) =	ssettag s2;
	_ =	strace s9  }
0x27: {  	s1 =	sld [smem:$0x3FAD]  }
0x28: {  	s2 =	sld [smem:$0x3FAE]  }
0x29: {  	s4 =	sld [smem:$0x3FB0]  }
0x2a: {  	p0 =	seq.s32 s5, $0x0;
	s5 =	sld [smem:$0x3FB1]  }
0x2b: {  	s6 =	sld [smem:$0x3FB2]  }
0x2c: {  	s7 =	sld [smem:$0x3FB3]  }
0x2d: {  	s3 =	simm.s32 $0x108;
	s8 =	sld [smem:$0x3FB4]  }
0x2e: {  	s3 =	simm.s32 @!p0 $0x1082;
	s9 =	sld [smem:$0x3FB5]  }
0x2f: {  	lr =	sadd.s32 s0, s3;
	s0 =	sld [smem:$0x3FAC]  }
0x30: {  	s3 =	sld [smem:$0x3FAF]  }
0x31: {  	[smem:$0x3FB8] =	sst s10  }
0x32: {  	s10 =	sld [smem:$0x3FB6];
	_ =	sdelay $0x3  }
0x33: {  	p0 =	seq.s32 s10, $0x1;
	s10 =	sld [smem:$0x3FB8];
	_ =	sdelay $0x3  }
0x34: {  	[smem:$0x3FB8] =	sst s10  }
0x35: {  	s10 =	sld [smem:$0x3FB7];
	_ =	sdelay $0x3  }
0x36: {  	p1 =	seq.s32 s10, $0x1;
	s10 =	sld [smem:$0x3FB8];
	_ =	sdelay $0x3  }
0x37: {  	[smem:$0x3FB8] =	sst s10  }
0x38: {  	s10 =	sld [smem:$0x3FB9]  }
0x39: {  	_ = 	snop;
	(pc) =	sbr.ind lr, $3  }
0x3a: {  	_ = 	snop  }
0x3b: {  	_ = 	snop  }
0x3c: {  	p2 =	seq.s32 s10, $0x1;
	s10 =	sld [smem:$0x3FB8]  }
0x3d: {  	_ =	shalt  }
0x3e: {  	_ =	shalt  }
0x3f: {  	_ =	shalt  }
0x40: {  	_ =	shalt  }
0x41: {  	_ =	shalt  }
0x42: {  	_ =	shalt  }
0x43: {  	_ =	shalt  }
0x44: {  	_ =	shalt  }
0x45: {  	_ =	shalt  }
0x46: {  	_ =	shalt  }
0x47: {  	_ =	shalt  }
0x48: {  	_ =	shalt  }
0x49: {  	_ =	shalt  }
0x4a: {  	_ =	shalt  }
0x4b: {  	_ =	shalt  }
0x4c: {  	_ =	shalt  }
0x4d: {  	_ =	shalt  }
0x4e: {  	_ =	shalt  }
0x4f: {  	_ =	shalt  }
0x50: {  	_ =	shalt  }
0x51: {  	_ =	shalt  }
0x52: {  	_ =	shalt  }
0x53: {  	_ =	shalt  }
0x54: {  	_ =	shalt  }
0x55: {  	_ =	shalt  }
0x56: {  	_ =	shalt  }
0x57: {  	_ =	shalt  }
0x58: {  	_ =	shalt  }
0x59: {  	_ =	shalt  }
0x5a: {  	_ =	shalt  }
0x5b: {  	_ =	shalt  }
0x5c: {  	_ =	shalt  }
0x5d: {  	_ =	shalt  }
0x5e: {  	_ =	shalt  }
0x5f: {  	_ =	shalt  }
0x60: {  	_ =	shalt  }
0x61: {  	_ =	shalt  }
0x62: {  	_ =	shalt  }
0x63: {  	_ =	shalt  }
0x64: {  	_ =	shalt  }
0x65: {  	_ =	shalt  }
0x66: {  	_ =	shalt  }
0x67: {  	_ =	shalt  }
0x68: {  	_ =	shalt  }
0x69: {  	_ =	shalt  }
0x6a: {  	_ =	shalt  }
0x6b: {  	_ =	shalt  }
0x6c: {  	_ =	shalt  }
0x6d: {  	_ =	shalt  }
0x6e: {  	_ =	shalt  }
0x6f: {  	_ =	shalt  }
0x70: {  	_ =	shalt  }
0x71: {  	_ =	shalt  }
0x72: {  	_ =	shalt  }
0x73: {  	_ =	shalt  }
0x74: {  	_ =	shalt  }
0x75: {  	_ =	shalt  }
0x76: {  	_ =	shalt  }
0x77: {  	_ =	shalt  }
0x78: {  	_ =	shalt  }
0x79: {  	_ =	shalt  }
0x7a: {  	_ =	shalt  }
0x7b: {  	_ =	shalt  }
0x7c: {  	_ =	shalt  }
0x7d: {  	_ =	shalt  }
0x7e: {  	_ =	shalt  }
0x7f: {  	_ =	shalt  }
0x80: {  	_ =	shalt  }
0x81: {  	_ =	shalt  }
0x82: {  	_ =	shalt  }
0x83: {  	_ =	shalt  }
0x84: {  	_ =	shalt  }
0x85: {  	_ =	shalt  }
0x86: {  	_ =	shalt  }
0x87: {  	_ =	shalt  }
.Lfunc_end0:
.L_simem_size_0:
called_computation.1_lowered:
.L_overlay_start_0:
0x88: {  	s2 =	sld [smem:$0x3FD9]  }
0x89: {  	s3 =	sld [smem:$0x3FFE];
	_ =	sdelay $0x1  }
0x8a: {  	s1 =	srdreg.scid  }
0x8b: {  	s0 =	sand.u32 $0x1, s1  }
0x8c: {  	s17 =	sshll.u32 s0, $0xA;
	s2 =	sadd.s32 s3, s2  }
0x8d: {  	s2 =	sadd.s32 s2, s17  }
0x8e: {  	[smem:$0x3FC4] =	sst s2  }
0x8f: {  	_ = 	snop  }
0x90: {  	s2 =	sld [smem:$0x3FD0];
	(tm) =	ssettm $0x1  }
0x91: {  	s18 =	sld [smem:$0x3FFB];
	_ =	sdelay $0x3  }
0x92: {  	_ =	strace s18  }
0x93: {  	s3 =	sld [smem:$0x3FFC];
	_ =	sdelay $0x3  }
0x94: {  	_ =	strace s3  }
0x95: {  	s3 =	sld [smem:$0x3FFD];
	_ =	sdelay $0x3  }
0x96: {  	_ =	strace s3  }
0x97: {  	_ =	strace $0x8FFFFFFF  }
0x98: {  	s19 =	sld [smem:$0x3FDB];
	_ =	sdelay $0x1  }
0x99: {  	s4 =	simm.s32 $_scs_section_size  }
0x9a: {  	s5 =	simm.s32 $_size__tile_overlayer_lowered;
	s6 =	simm.s32 $_tile_overlayer_lowered  }
0x9b: {  	s22 =	simm.s32 $0x1BFF;
	s21 =	sshll.u32 s6, $0x1;
	s3 =	sadd.s32 s4, s19  }
0x9c: {  	s7 =	simm.s32 $0x0;
	s20 =	sshll.u32 s5, $0x1;
	s5 =	sadd.s32 s21, s3  }
0x9d: {  	[timem:s7], [sflag:s22] =	dma.local [hbm:s5], s20  }
0x9e: {  	_ =	swait.ge [sflag:s22], s20  }
0x9f: {  	s4 =	ssub.s32 $0x0, s20;
	[sflag:s22] =	ssyncset.done $0x0  }
0xa0: {  	[sflag:s22] =	ssyncadd.s32 s4;
	_ =	sdelay $0x1  }
0xa1: {  	s23 =	simm.s32 $0x1B8B  }
0xa2: {  	_ =	swait.ge [sflag:s23], $0x1  }
0xa3: {  	[sflag:s23] =	ssyncset.done $0x0  }
0xa4: {  	s25 =	simm.s32 $0x1B8E;
	s24 =	sld [smem:$0x3FFE];
	[sflag:s23] =	ssyncadd.s32 $0xFFFFFFFF  }
0xa5: {  	s26 =	simm.s32 $execute0_lowered;
	[smem:$0x3FD2] =	sst s25  }
0xa6: {  	s5 =	sshll.u32 s26, $0x1;
	_ =	strace $0x80000049;
	[dreg:$0x1] =	wrdreg $0xFFFFFFFF  }
0xa7: {  	s28 =	simm.s32 $_size_execute0_lowered;
	s3 =	sadd.s32 s3, s5;
	[dreg:$0x0] =	wrdreg $0x0  }
0xa8: {  	s5 =	sshll.u32 s28, $0x1;
	[dreg:$0x2] =	wrdreg s3  }
0xa9: {  	[dreg:$0x3] =	wrdreg s5  }
0xaa: {  	[dreg:$0x4] =	wrdreg $0xC0  }
0xab: {  	_ =	task [dreg:s7], $0x5FFFF  }
0xac: {  	[dreg:$0x1] =	wrdreg $0xFFFFFFFF  }
0xad: {  	[dreg:$0x0] =	wrdreg $0x60  }
0xae: {  	[dreg:$0x2] =	wrdreg s24  }
0xaf: {  	[dreg:$0x3] =	wrdreg s2  }
0xb0: {  	[dreg:$0x4] =	wrdreg $0x9  }
0xb1: {  	_ =	task.clear_ibuf [dreg:s7], $0x5FFFF;
	_ =	strace $0x90000049  }
0xb2: {  	s29 =	simm.s32 $0x9;
	_ =	strace $0x8000004B  }
0xb3: {  	_ =	swait.ge [sflag:s29], $0x1  }
0xb4: {  	[sflag:s29] =	ssyncadd.s32 $0xFFFFFFFF  }
0xb5: {  	_ =	strace $0x9000004B  }
0xb6: {  	_ =	sfence  }
0xb7: {  	s30 =	sld [smem:$0x0];
	_ =	sdelay $0x2  }
0xb8: {  	s31 =	sshll.u32 s1, $0xD;
	s1 =	sshrl.u32 s1, $0x2  }
0xb9: {  	s3 =	sand.u32 $0x4000, s31;
	s1 =	sadd.s32 s1, s30  }
0xba: {  	s0 =	sor.u32 s3, s0;
	s1 =	sshll.u32 s1, $0x11  }
0xbb: {  	s0 =	sor.u32 s1, s0  }
0xbc: {  	s0 =	sadd.s32 $0x8F2B, s0  }
0xbd: {  	[sflag:s0] =	ssyncadd.remote.s32 $0x1  }
0xbe: {  	_ =	sfence.sel $0xFFFF  }
0xbf: {  	[dreg:$0x0] =	wrdreg $0xFFFFFFFF;
	(pc) =	sbr.abs _section_cstart, $3  }
0xc0: {  	[dreg:$0x1] =	wrdreg $0xFFFFFFFF  }
0xc1: {  	_ =	task.clear_ibuf [dreg:s7], $0x2FFFF;
	_ =	strace $0x9FFFFFFF  }
0xc2: {  	(tm) =	ssettm $0x7FFFFFFF  }
0xc3: {  	_ =	shalt  }
tec
execute0_lowered:
.L_overlay_start_1:
0x0: {  	(tag) =	ssettag $0x1  }
0x1: {  	s0 =	srdreg.scid;
	s1 =	rddreg [dreg:$0x0]  }
0x2: {  	s2 =	stileid.u32;
	s3 =	simm.s32 $0x0;
	s10 =	simm.s32 $0x1  }
0x3: {  	s11 =	simm.s32 $0x10180;
	s12 =	simm.s32 $0x11180;
	s0 =	sand.u32 $0x1, s0  }
0x4: {  	s2 =	sshll.u32 s2, $0x8;
	s4 =	sshll.u32 s0, $0x7;
	s0 =	ssub.s32 $0x2, s0  }
0x5: {  	s13 =	simm.s32 $0x10000;
	s4 =	sor.u32 s4, s2;
	s6 =	sshrl.u32 s0, $0x1  }
.Ltmp0:
0x6: {  	s2 =	sshrl.u32 s4, $0x3;
	s0 =	ssub.s32 s0, s6;
	(pc) =	sbr.rel .LBB2_1-.Ltmp0, $4  }
0x7: {  	[smem:$0x7FF] =	sst s3;
	s2 =	sadd.s32 s2, s1;
	s0 =	smax.u32 s0, $0x1  }
0x8: {  	_ =	strace $0x8000004A;
	s30 =	sadd.s32 $0x200C00, s2;
	[dreg:$0x5] =	wrdreg s0  }
0x9: {  	v0 =	vlaneseq.u32;
	v1 =	vimm.s32 $0x0;
	v3 =	vimm.f32 $-Inf;
	s14 =	simm.s32 $0x10080;
	s31 =	sadd.s32 $0x200E00, s2;
	[dreg:$0x3] =	wrdreg s30  }
0xa: {  	v4 =	vimm.s32 $0x1;
	v5 =	vimm.f32 $0.0e+00;
	s15 =	simm.s32 $0x0;
	s5 =	sadd.s32 $0xC00, s1;
	v2 =	vmul.u32 $0x1000, v0;
	[dreg:$0x4] =	wrdreg s31  }
.LBB2_33:
0xb: {  	s0 =	rddreg [dreg:$0x3]  }
0xc: {  	[hbm4b:s0+s3] =	stream.linear.scatter [tilespmem:s13], [sflag:$0x1], $0x80, $0x38;
	[tilespmem:$0x15180] =	vst v63  }
0xd: {  	_ =	swait.ge [sflag:s10], $0x80  }
0xe: {  	[sflag:s10] =	ssyncset.done $0x0  }
0xf: {  	s30 =	rddreg [dreg:$0x4];
	[sflag:s10] =	ssyncadd.s32 $0xFFFFFF80  }
0x10: {  	[hbm4b:s30+s3] =	stream.linear.scatter [tilespmem:s14], [sflag:$0x1], $0x80, $0x38;
	[tilespmem:$0x15180] =	vst v63  }
0x11: {  	_ =	swait.ge [sflag:s10], $0x80  }
0x12: {  	s15 =	sadd.s32 $0x1, s15;
	s31 =	rddreg [dreg:$0x5]  }
0x13: {  	p0 =	sne.s32 s15, s31  }
.Ltmp1:
0x14: {  	_ = 	snop;
	(pc) =	sbr.rel @!p0 .LBB2_34-.Ltmp1, $3  }
0x15: {  	_ =	sdelay $0x1  }
0x16: {  	[sflag:s10] =	ssyncset.done $0x0  }
0x17: {  	[sflag:s10] =	ssyncadd.s32 $0xFFFFFF80  }
.LBB2_1:
0x18: {  	s0 =	rddreg [dreg:$0x1];
	s1 =	simm.s32 $0x10100  }
0x19: {  	[tilespmem:s1], [sflag:$0x1] =	stream.linear.gather [hbm4b:s0+s3], $0x80, $0x38;
	[tilespmem:$0x15180] =	vst v63  }
0x1a: {  	_ =	swait.ge [sflag:s10], $0x80  }
0x1b: {  	[sflag:s10] =	ssyncset.done $0x0  }
0x1c: {  	s0 =	simm.s32 $0x111C0;
	[sflag:s10] =	ssyncadd.s32 $0xFFFFFF80  }
0x1d: {  	v6 =	vld [tilespmem:$0x10100];
	[tilespmem:s0+$0xFFFFFFC0] =	vst v1  }
0x1e: {  	[tilespmem:s0+$0x30] =	vst v1  }
0x1f: {  	[tilespmem:s0+$0x20] =	vst v1  }
0x20: {  	[tilespmem:s0+$0x10] =	vst v1  }
0x21: {  	[tilespmem:s0+$0x0] =	vst v1  }
0x22: {  	[tilespmem:s0+$0xFFFFFFF0] =	vst v1  }
0x23: {  	s1 =	simm.s32 $0x0;
	[tilespmem:s0+$0xFFFFFFE0] =	vst v1  }
.LBB2_2:
0x24: {  	s1 =	sadd.s32 $0x8, s1;
	[tilespmem:s0+$0xFFFFFFD0] =	vst v1;
	s0 =	sadd.s32 $0x80, s0;
	v7 =	vimm.s32 $0xFFFFFFFF  }
0x25: {  	[tilespmem:s0+$0xFFFFFFC0] =	vst v1;
	p0 =	slt.u32 s1, $0x3F8  }
0x26: {  	[tilespmem:s0+$0x30] =	vst v1  }
.Ltmp2:
0x27: {  	[tilespmem:s0+$0x20] =	vst v1;
	(pc) =	sbr.rel @p0 .LBB2_2-.Ltmp2, $4  }
0x28: {  	[tilespmem:s0+$0x10] =	vst v1  }
0x29: {  	[tilespmem:s0+$0x0] =	vst v1  }
0x2a: {  	[tilespmem:s0+$0xFFFFFFF0] =	vst v1  }
0x2b: {  	[tilespmem:s0+$0xFFFFFFE0] =	vst v1  }
.Ltmp3:
0x2c: {  	(pc) =	sbr.rel .LBB2_4-.Ltmp3, $2  }
0x2d: {  	_ =	sdelay $0x2  }
0x2e: {  	[tilespmem:s0+$0xFFFFFFD0] =	vst v1;
	s16 =	simm.s32 $0x0  }
.LBB2_32:
0x2f: {  	v8 =	vor.u32 s17, v0;
	s16 =	sadd.s32 $0x1, s16  }
0x30: {  	p0 =	sne.s32 s16, $0x8  }
.Ltmp4:
0x31: {  	_ = 	snop;
	(pc) =	sbr.rel @!p0 .LBB2_33-.Ltmp4, $3  }
0x32: {  	_ =	sdelay $0x1  }
0x33: {  	[tilespmem:v8+s13+$0x0] =	vst.idx.msk $0xffff, v9  }
0x34: {  	[tilespmem:v8+s14+$0x0] =	vst.idx.msk $0xffff, v11  }
.LBB2_4:
0x35: {  	s17 =	sshll.u32 s16, $0x4  }
0x36: {  	s0 =	sor.u32 s4, s17  }
0x37: {  	v8 =	vor.u32 s0, v0;
	v9 =	vor.u32 s0, v2  }
0x38: {  	s0 =	sshll.u32 s0, $0x9;
	v9 =	vand.u32 $0x7FFFFF80, v9;
	v8 =	vand.u32 $0x7F, v8  }
0x39: {  	s0 =	sadd.s32 s5, s0;
	v8 =	vor.u32 v8, v9  }
0x3a: {  	[tilespmem:s3], [sflag:$0x1] =	stream.linear.gather [hbm4b:s0+s3], $0x10000, $0x38;
	[tilespmem:$0x15180] =	vst v63  }
0x3b: {  	_ =	swait.ge [sflag:s10], $0x10000  }
0x3c: {  	[sflag:s10] =	ssyncset.done $0x0  }
0x3d: {  	[sflag:s10] =	ssyncadd.s32 $0xFFFF0000  }
0x3e: {  	s1 =	simm.s32 $0x101C0;
	v9 =	vimm.s32 $0x0;
	[tilespmem:v8+s3+$0x0] =	vst.idx.msk $0xffff, v3  }
0x3f: {  	[tilespmem:s1+$0x30] =	vst v9  }
0x40: {  	[tilespmem:s1+$0xFFFFFFC0] =	vst v9  }
0x41: {  	[tilespmem:s1+$0xFFFFFFD0] =	vst v9  }
0x42: {  	[tilespmem:s1+$0xFFFFFFE0] =	vst v9  }
0x43: {  	[tilespmem:s1+$0xFFFFFFF0] =	vst v9  }
0x44: {  	[tilespmem:s1+$0x0] =	vst v9  }
0x45: {  	v11 =	vmov v7;
	s2 =	simm.s32 $0x0;
	[tilespmem:s1+$0x10] =	vst v9  }
.LBB2_5:
0x46: {  	s2 =	sadd.s32 $0x8, s2;
	[tilespmem:s1+$0x20] =	vst v9;
	s1 =	sadd.s32 $0x80, s1  }
0x47: {  	s0 =	simm.s32 $0x0;
	[tilespmem:s1+$0x30] =	vst v9;
	p0 =	slt.u32 s2, $0xF8  }
0x48: {  	[tilespmem:s1+$0xFFFFFFC0] =	vst v9  }
.Ltmp5:
0x49: {  	[tilespmem:s1+$0xFFFFFFD0] =	vst v9;
	(pc) =	sbr.rel @p0 .LBB2_5-.Ltmp5, $4  }
0x4a: {  	[tilespmem:s1+$0xFFFFFFE0] =	vst v9  }
0x4b: {  	[tilespmem:s1+$0xFFFFFFF0] =	vst v9  }
0x4c: {  	[tilespmem:s1+$0x0] =	vst v9  }
0x4d: {  	[tilespmem:s1+$0x10] =	vst v9  }
0x4e: {  	s2 =	simm.s32 $0x5;
	v21 =	vor.u32 s0, v2  }
0x4f: {  	s6 =	simm.s32 $0x1;
	v7 =	vor.u32 s2, v2  }
0x50: {  	s7 =	simm.s32 $0x4;
	v8 =	vor.u32 s6, v2  }
0x51: {  	s19 =	simm.s32 $0xD;
	v12 =	vor.u32 s7, v2  }
0x52: {  	s22 =	simm.s32 $0x3;
	[tilespmem:s1+$0x20] =	vst v9;
	v13 =	vor.u32 s19, v2  }
0x53: {  	s20 =	simm.s32 $0xE;
	v16 =	vor.u32 s22, v2;
	v38 =	vld.idx.msk [tilespmem:v21+s3+$0x0], $0xffff  }
0x54: {  	s9 =	simm.s32 $0x2;
	v17 =	vor.u32 s20, v2;
	v19 =	vld.idx.msk [tilespmem:v7+s3+$0x0], $0xffff  }
0x55: {  	s23 =	simm.s32 $0x7;
	v15 =	vor.u32 s9, v2;
	v28 =	vld.idx.msk [tilespmem:v8+s3+$0x0], $0xffff  }
0x56: {  	s18 =	simm.s32 $0xF;
	s30 =	simm.s32 $0x8;
	v10 =	vmov s0;
	v25 =	vor.u32 s23, v2;
	v29 =	vld.idx.msk [tilespmem:v12+s3+$0x0], $0xffff  }
0x57: {  	s24 =	simm.s32 $0xA;
	s21 =	simm.s32 $0xC;
	s31 =	simm.s32 $0x9;
	vm3 =	vlt.s32 v9, $0x400;
	v27 =	vor.u32 s30, v2;
	v14 =	vor.u32 s18, v2;
	v20 =	vld.idx.msk [tilespmem:v13+s3+$0x0], $0xffff  }
0x58: {  	s25 =	simm.s32 $0xB;
	s26 =	simm.s32 $0x6;
	v31 =	vor.u32 s24, v2;
	v30 =	vor.u32 s21, v2;
	v44 =	vor.u32 s31, v2;
	v13 =	vld.idx.msk [tilespmem:v16+s3+$0x0], $0xffff  }
0x59: {  	v32 =	vor.u32 s26, v2;
	v33 =	vor.u32 s25, v2;
	v24 =	vmov s2;
	v34 =	vld.idx.msk [tilespmem:v17+s3+$0x0], $0xffff  }
0x5a: {  	v18 =	vmov s26;
	v22 =	vmov s30;
	v26 =	vmov s23;
	v36 =	vld.idx.msk [tilespmem:v15+s3+$0x0], $0xffff  }
0x5b: {  	v21 =	vmov s31;
	v12 =	vshll.u32 v9, $0x4;
	v7 =	vmov s22;
	v63 =	vld.idx.msk [tilespmem:v25+s3+$0x0], $0xffff  }
0x5c: {  	v8 =	vmov s6;
	v16 =	vmov s9;
	v15 =	vmov s7;
	v45 =	vld.idx.msk [tilespmem:v27+s3+$0x0], $0xffff  }
0x5d: {  	v17 =	vmov s25;
	v47 =	vld.idx.msk [tilespmem:v44+s3+$0x0], $0xffff;
	v12 =	vor.u32 v0, v12;
	v43 =	vshra.s32 v38, $0x18  }
0x5e: {  	v31 =	vld.idx.msk [tilespmem:v31+s3+$0x0], $0xffff;
	vm7 =	vlt.s32 v38, $0x0;
	v35 =	vshra.s32 v19, $0x18;
	vm0 =	vlt.s32 v19, $0x0  }
0x5f: {  	v33 =	vld.idx.msk [tilespmem:v33+s3+$0x0], $0xffff;
	v19 =	vmov s24;
	v39 =	vshra.s32 v28, $0x18;
	v23 =	vshra.s32 v20, $0x18  }
0x60: {  	vm1 =	vlt.s32 v28, $0x0;
	v60 =	vshra.s32 v13, $0x18;
	vm2 =	vlt.s32 v29, $0x0  }
0x61: {  	vm5 =	vlt.s32 v34, $0x0;
	v41 =	vshra.s32 v36, $0x18;
	v29 =	vshra.s32 v29, $0x18  }
0x62: {  	vm4 =	vlt.s32 v36, $0x0;
	vm6 =	vlt.s32 v13, $0x0;
	v13 =	vxor.u32 $0x7F, v43  }
0x63: {  	v48 =	vshra.s32 v63, $0x18;
	v49 =	vshra.s32 v45, $0x18;
	v52 =	vshra.s32 v47, $0x18  }
0x64: {  	v54 =	vshra.s32 v31, $0x18;
	vm14 =	vlt.s32 v33, $0x0;
	v37 =	vxor.u32 $0x7F, v35  }
0x65: {  	v40 =	vxor.u32 $0x7F, v39;
	v42 =	vxor.u32 $0x7F, v60;
	v61 =	vxor.u32 $0x7F, v41  }
0x66: {  	v13 =	vsel vm7, v13, v43;
	v43 =	vxor.u32 $0x7F, v29;
	v50 =	vxor.u32 $0x7F, v49  }
0x67: {  	v53 =	vxor.u32 $0x7F, v52;
	v58 =	vxor.u32 $0x7F, v54;
	v36 =	vsel vm4, v61, v41  }
0x68: {  	v62 =	vsel vm6, v42, v60;
	v25 =	vadd.s32 $0x80, v13;
	v13 =	vsel vm1, v40, v39  }
0x69: {  	v28 =	vsel vm2, v43, v29;
	v46 =	vsel vm0, v37, v35;
	vm1 =	veq.s32 v25, v11  }
0x6a: {  	vm6 =	vlt.s32 v47, $0x0;
	v36 =	vadd.s32 $0x80, v36;
	vm0 =	vmand vm3, vm1  }
0x6b: {  	v28 =	vadd.s32 $0x80, v28;
	v35 =	vadd.s32 $0x80, v13;
	v13 =	vsel vm0, $0x1, v1  }
0x6c: {  	v27 =	vadd.s32 $0x80, v62;
	vm1 =	vlt.s32 v63, $0x0;
	v29 =	vadd.s32 v13, v9  }
0x6d: {  	vm3 =	veq.s32 v35, v11;
	v13 =	vxor.u32 $0x7F, v48;
	vm4 =	vlt.s32 v29, $0x400  }
0x6e: {  	v37 =	vadd.s32 $0x80, v46;
	v13 =	vsel vm1, v13, v48;
	vm1 =	vmand vm3, vm4  }
0x6f: {  	v38 =	vsel vm6, v53, v52;
	v41 =	vadd.s32 $0x80, v13;
	v13 =	vsel vm1, $0x1, v1  }
0x70: {  	vm2 =	veq.s32 v27, v11;
	vm4 =	vlt.s32 v45, $0x0;
	v42 =	vadd.s32 v13, v29  }
0x71: {  	vm3 =	veq.s32 v36, v11;
	v51 =	vsel vm4, v50, v49;
	vm4 =	vlt.s32 v42, $0x400  }
0x72: {  	vm8 =	veq.s32 v37, v11;
	v63 =	vshra.s32 v33, $0x18;
	vm3 =	vmand vm3, vm4  }
0x73: {  	v37 =	vshll.u32 v37, $0x4;
	v38 =	vadd.s32 $0x80, v38;
	v13 =	vld.idx.msk [tilespmem:v32+s3+$0x0], $0xffff;
	v55 =	vsel vm3, $0x1, v1  }
0x74: {  	v27 =	vshll.u32 v27, $0x4;
	v53 =	vxor.u32 $0x7F, v63;
	v56 =	vadd.s32 v55, v42  }
0x75: {  	v37 =	vor.u32 v0, v37;
	v36 =	vshll.u32 v36, $0x4;
	vm6 =	vlt.s32 v56, $0x400  }
0x76: {  	v57 =	vshll.u32 v41, $0x4;
	vm10 =	veq.s32 v41, v11;
	vm2 =	vmand vm2, vm6  }
0x77: {  	v36 =	vor.u32 v0, v36;
	vm4 =	vlt.s32 v31, $0x0;
	v60 =	vsel vm2, $0x1, v1  }
0x78: {  	v59 =	vshra.s32 v13, $0x18;
	vm6 =	vlt.s32 v13, $0x0;
	v13 =	vadd.s32 v60, v56  }
0x79: {  	v40 =	vsel vm4, v58, v54;
	vm4 =	veq.s32 v28, v11;
	vm7 =	vlt.s32 v13, $0x400  }
0x7a: {  	v32 =	vadd.s32 $0x80, v51;
	v40 =	vadd.s32 $0x80, v40;
	vm4 =	vmand vm4, vm7  }
0x7b: {  	v39 =	vor.u32 v0, v57;
	v46 =	vshll.u32 v40, $0x4;
	v62 =	vsel vm4, $0x1, v1  }
0x7c: {  	v30 =	vld.idx.msk [tilespmem:v30+s3+$0x0], $0xffff;
	v61 =	vxor.u32 $0x7F, v59;
	v44 =	vor.u32 v0, v46;
	v46 =	vadd.s32 v62, v13  }
0x7d: {  	v57 =	vshll.u32 v35, $0x4;
	v43 =	vsel vm6, v61, v59;
	vm6 =	vlt.s32 v46, $0x400  }
0x7e: {  	v45 =	vshll.u32 v32, $0x4;
	vm12 =	veq.s32 v32, v11;
	vm7 =	vmand vm8, vm6  }
0x7f: {  	v45 =	vor.u32 v0, v45;
	v31 =	vshll.u32 v56, $0x4;
	v49 =	vsel vm7, $0x1, v1  }
0x80: {  	vm11 =	veq.s32 v40, v11;
	v43 =	vadd.s32 $0x80, v43;
	v51 =	vadd.s32 v49, v46  }
0x81: {  	v60 =	vshra.s32 v30, $0x18;
	vm6 =	veq.s32 v43, v11;
	vm9 =	vlt.s32 v51, $0x400  }
0x82: {  	v47 =	vshll.u32 v13, $0x4;
	v52 =	vshll.u32 v43, $0x4;
	vm6 =	vmand vm6, vm9  }
0x83: {  	v61 =	vxor.u32 $0x7F, v60;
	v52 =	vor.u32 v0, v52;
	v55 =	vsel vm6, $0x1, v1  }
0x84: {  	v13 =	vor.u32 v0, v31;
	v31 =	vshra.s32 v34, $0x18;
	v43 =	vadd.s32 v55, v51  }
0x85: {  	v34 =	vsel vm14, v53, v63;
	vm14 =	vlt.s32 v30, $0x0;
	vm15 =	vlt.s32 v43, $0x400  }
0x86: {  	v48 =	vxor.u32 $0x7F, v31;
	v50 =	vshll.u32 v46, $0x4;
	vm8 =	vmand vm10, vm15  }
0x87: {  	v56 =	vadd.s32 $0x80, v34;
	v34 =	vor.u32 v0, v57;
	v58 =	vsel vm8, $0x1, v1  }
0x88: {  	v30 =	vsel vm14, v61, v60;
	vm14 =	vlt.s32 v20, $0x0;
	v35 =	vadd.s32 v58, v43  }
0x89: {  	v54 =	vor.u32 v0, v50;
	v62 =	vshll.u32 v56, $0x4;
	vm13 =	vlt.s32 v35, $0x400  }
0x8a: {  	v31 =	vsel vm5, v48, v31;
	v30 =	vadd.s32 $0x80, v30;
	vm9 =	vmand vm12, vm13  }
0x8b: {  	v50 =	vor.u32 v0, v62;
	v31 =	vadd.s32 $0x80, v31;
	v63 =	vsel vm9, $0x1, v1  }
0x8c: {  	v62 =	vor.u32 v0, v47;
	v59 =	vshll.u32 v43, $0x4;
	v43 =	vadd.s32 v63, v35  }
0x8d: {  	[tilespmem:v37+s11+$0x0] =	vst.idx.add.s32.msk $0xffff, v4;
	v33 =	vshll.u32 v51, $0x4;
	vm15 =	veq.s32 v38, v11;
	vm5 =	vlt.s32 v43, $0x400  }
0x8e: {  	[tilespmem:v36+s11+$0x0] =	vst.idx.add.s32.msk $0xffff, v4;
	v33 =	vor.u32 v0, v33;
	v51 =	vshll.u32 v30, $0x4;
	vm5 =	vmand vm15, vm5  }
0x8f: {  	[tilespmem:v39+s11+$0x0] =	vst.idx.add.s32.msk $0xffff, v4;
	v55 =	vshll.u32 v42, $0x4;
	v36 =	vor.u32 v0, v51;
	v53 =	vsel vm5, $0x1, v1  }
0x90: {  	[tilespmem:v45+s11+$0x0] =	vst.idx.add.s32.msk $0xffff, v4;
	v35 =	vshll.u32 v35, $0x4;
	v48 =	vshll.u32 v43, $0x4;
	v43 =	vadd.s32 v53, v43  }
0x91: {  	[tilespmem:v54+s12+$0x0] =	vst.idx.msk vm7, v24;
	v38 =	vshll.u32 v38, $0x4;
	v35 =	vor.u32 v0, v35;
	vm7 =	vlt.s32 v43, $0x400  }
0x92: {  	[tilespmem:v44+s11+$0x0] =	vst.idx.add.s32.msk $0xffff, v4;
	v49 =	vor.u32 v0, v59;
	v38 =	vor.u32 v0, v38;
	vm7 =	vmand vm11, vm7  }
0x93: {  	[tilespmem:v52+s11+$0x0] =	vst.idx.add.s32.msk $0xffff, v4;
	v58 =	vshll.u32 v31, $0x4;
	vm12 =	veq.s32 v56, v11;
	v56 =	vsel vm7, $0x1, v1  }
0x94: {  	[tilespmem:v34+s11+$0x0] =	vst.idx.add.s32.msk $0xffff, v4;
	v39 =	vor.u32 v0, v48;
	v54 =	vshll.u32 v43, $0x4;
	v57 =	vadd.s32 v56, v43  }
0x95: {  	[tilespmem:v33+s12+$0x0] =	vst.idx.msk vm6, v18;
	v18 =	vshll.u32 v29, $0x4;
	v24 =	vor.u32 v0, v54;
	vm15 =	vlt.s32 v57, $0x400  }
0x96: {  	vm13 =	veq.s32 v30, v11;
	[tilespmem:v35+s12+$0x0] =	vst.idx.msk vm9, v22;
	v22 =	vxor.u32 $0x7F, v23;
	vm9 =	vmand vm12, vm15  }
0x97: {  	[tilespmem:v49+s12+$0x0] =	vst.idx.msk vm8, v26;
	v26 =	vor.u32 v0, v55;
	v22 =	vsel vm14, v22, v23;
	v23 =	vsel vm9, $0x1, v1  }
0x98: {  	[tilespmem:v38+s11+$0x0] =	vst.idx.add.s32.msk $0xffff, v4;
	v22 =	vadd.s32 $0x80, v22;
	v20 =	vshll.u32 v57, $0x4;
	v23 =	vadd.s32 v23, v57  }
0x99: {  	[tilespmem:v39+s12+$0x0] =	vst.idx.msk vm5, v21;
	v59 =	vshll.u32 v22, $0x4;
	v20 =	vor.u32 v0, v20;
	vm5 =	vlt.s32 v23, $0x400  }
0x9a: {  	v14 =	vld.idx.msk [tilespmem:v14+s3+$0x0], $0xffff;
	v29 =	vor.u32 v0, v59;
	[tilespmem:v24+s12+$0x0] =	vst.idx.msk vm7, v19;
	v19 =	vshll.u32 v28, $0x4;
	vm5 =	vmand vm13, vm5  }
0x9b: {  	[tilespmem:v50+s11+$0x0] =	vst.idx.add.s32.msk $0xffff, v4;
	v18 =	vor.u32 v0, v18;
	v19 =	vor.u32 v0, v19;
	v61 =	vsel vm5, $0x1, v1  }
0x9c: {  	[tilespmem:v26+s12+$0x0] =	vst.idx.msk vm3, v16;
	vm3 =	veq.s32 v22, v11;
	v21 =	vshll.u32 v23, $0x4;
	v23 =	vadd.s32 v61, v23  }
0x9d: {  	[tilespmem:v36+s11+$0x0] =	vst.idx.add.s32.msk $0xffff, v4;
	v60 =	vor.u32 v0, v21;
	v21 =	vshll.u32 v25, $0x4;
	vm6 =	vlt.s32 v23, $0x400  }
0x9e: {  	v21 =	vor.u32 v0, v21;
	[tilespmem:v20+s12+$0x0] =	vst.idx.msk vm9, v17;
	v17 =	vor.u32 v0, v58;
	vm3 =	vmand vm3, vm6  }
0x9f: {  	[tilespmem:v29+s11+$0x0] =	vst.idx.add.s32.msk $0xffff, v4;
	v20 =	vor.u32 v0, v27;
	v16 =	vshll.u32 v23, $0x4;
	v22 =	vsel vm3, $0x1, v1  }
0xa0: {  	v63 =	vmov s21;
	v16 =	vor.u32 v0, v16;
	[tilespmem:v19+s11+$0x0] =	vst.idx.add.s32.msk $0xffff, v4;
	v19 =	vadd.s32 v22, v23  }
0xa1: {  	[tilespmem:v62+s12+$0x0] =	vst.idx.msk vm4, v15;
	vm4 =	veq.s32 v31, v11;
	vm6 =	vlt.s32 v19, $0x400;
	v15 =	vshll.u32 v19, $0x4  }
0xa2: {  	s23 =	simm.s32 $0x10;
	s22 =	simm.s32 $0x11170;
	s21 =	simm.s32 $0xFF;
	[tilespmem:v60+s12+$0x0] =	vst.idx.msk vm5, v63;
	v22 =	vshra.s32 v14, $0x18;
	vm4 =	vmand vm4, vm6;
	v15 =	vor.u32 v0, v15  }
.LBB2_7:
0xa3: {  	s29 =	sadd.s32 $0x1, s23  }
0xa4: {  	s26 =	sadd.s32 $0x2, s23;
	s30 =	sadd.s32 $0x3, s23;
	[tilespmem:v21+s11+$0x0] =	vst.idx.add.s32.msk $0xffff, v4;
	v21 =	vmov s19;
	v23 =	vmov s20;
	vm5 =	vlt.s32 v14, $0x0;
	s8 =	smov.u32 s23  }
0xa5: {  	s28 =	sadd.s32 $0x4, s23;
	s2 =	sadd.s32 $0x5, s23;
	s6 =	sadd.s32 $0xF, s23;
	v24 =	vor.u32 s29, v2;
	v25 =	vor.u32 s26, v2;
	[tilespmem:v12+s12+$0x0] =	vst.idx.msk vm0, v10;
	v10 =	vxor.u32 $0x7F, v22  }
0xa6: {  	s31 =	sadd.s32 $0x7, s23;
	s9 =	sadd.s32 $0x8, s23;
	s25 =	sadd.s32 $0x9, s23;
	v12 =	vor.u32 s28, v2;
	v27 =	vor.u32 s2, v2;
	[tilespmem:v20+s11+$0x0] =	vst.idx.add.s32.msk $0xffff, v4;
	v10 =	vsel vm5, v10, v22  }
0xa7: {  	s7 =	sadd.s32 $0x10, s23;
	v30 =	vor.u32 s31, v2;
	v31 =	vor.u32 s9, v2;
	s1 =	sadd.s32 $0xA, s8;
	s0 =	sadd.s32 $0xB, s8;
	v14 =	vor.u32 s6, v2;
	[tilespmem:v18+s12+$0x0] =	vst.idx.msk vm1, v8  }
0xa8: {  	p0 =	slt.u32 s23, $0xFF0;
	s24 =	sadd.s32 $0xC, s8;
	s19 =	sadd.s32 $0xD, s8;
	v20 =	vor.u32 s8, v2;
	v32 =	vor.u32 s1, v2;
	v8 =	vsel vm4, $0x1, v1;
	[tilespmem:v17+s11+$0x0] =	vst.idx.add.s32.msk $0xffff, v4  }
0xa9: {  	s20 =	sadd.s32 $0xE, s8;
	v26 =	vor.u32 s24, v2;
	v17 =	vor.u32 s19, v2;
	v8 =	vadd.s32 v8, v19;
	[tilespmem:v15+s12+$0x0] =	vst.idx.msk vm4, v23  }
0xaa: {  	v15 =	vor.u32 s30, v2;
	v23 =	vor.u32 s20, v2;
	v24 =	vld.idx.msk [tilespmem:v24+s3+$0x0], $0xffff;
	[tilespmem:v13+s12+$0x0] =	vst.idx.msk vm2, v7;
	v7 =	vadd.s32 $0x80, v10  }
0xab: {  	s23 =	sadd.s32 $0x6, s8;
	vm1 =	vlt.s32 v8, $0x400;
	v27 =	vld.idx.msk [tilespmem:v27+s3+$0x0], $0xffff;
	[tilespmem:v16+s12+$0x0] =	vst.idx.msk vm3, v21;
	v10 =	vshll.u32 v7, $0x4;
	vm0 =	veq.s32 v7, v11  }
0xac: {  	v34 =	vor.u32 s23, v2;
	v13 =	vor.u32 s0, v2;
	vm1 =	vmand vm0, vm1  }
0xad: {  	v7 =	vshll.u32 v8, $0x4;
	v21 =	vor.u32 v0, v10;
	v25 =	vld.idx.msk [tilespmem:v25+s3+$0x0], $0xffff;
	v16 =	vsel vm1, $0x1, v1  }
0xae: {  	v10 =	vmov s8;
	v36 =	vor.u32 v0, v7;
	v35 =	vld.idx.msk [tilespmem:v12+s3+$0x0], $0xffff;
	v37 =	vadd.s32 v16, v8  }
0xaf: {  	v18 =	vld.idx.msk [tilespmem:v17+s3+$0x0], $0xffff;
	v17 =	vmov s18;
	s18 =	smov.u32 s6  }
0xb0: {  	v29 =	vmov s2;
	v7 =	vmov s30;
	v12 =	vshll.u32 v37, $0x4;
	v38 =	vld.idx.msk [tilespmem:v15+s3+$0x0], $0xffff  }
0xb1: {  	v22 =	vmov s9;
	v19 =	vmov s23;
	v8 =	vmov s29;
	v33 =	vld.idx.msk [tilespmem:v23+s3+$0x0], $0xffff  }
0xb2: {  	v16 =	vmov s26;
	v12 =	vor.u32 v0, v12;
	v39 =	vshra.s32 v27, $0x18;
	[tilespmem:v21+s11+$0x0] =	vst.idx.add.s32.msk $0xffff, v4  }
0xb3: {  	v28 =	vmov s31;
	vm0 =	vlt.s32 v27, $0x0;
	v41 =	vxor.u32 $0x7F, v39;
	v40 =	vld.idx.msk [tilespmem:v20+s3+$0x0], $0xffff;
	[tilespmem:v36+s12+$0x0] =	vst.idx.msk vm1, v17  }
0xb4: {  	v15 =	vmov s28;
	v20 =	vmov s1;
	v17 =	vmov s0  }
0xb5: {  	v27 =	vshra.s32 v24, $0x18;
	v23 =	vmov s25;
	v21 =	vshra.s32 v18, $0x18  }
0xb6: {  	vm2 =	vlt.s32 v24, $0x0;
	vm4 =	vlt.s32 v35, $0x0;
	v24 =	vshra.s32 v38, $0x18  }
0xb7: {  	vm1 =	vlt.s32 v37, $0x400;
	v36 =	vxor.u32 $0x7F, v27;
	vm3 =	vlt.s32 v33, $0x0  }
0xb8: {  	v42 =	vshra.s32 v25, $0x18;
	v35 =	vshra.s32 v35, $0x18;
	v43 =	vxor.u32 $0x7F, v24  }
0xb9: {  	vm5 =	vlt.s32 v25, $0x0;
	vm6 =	vlt.s32 v38, $0x0;
	v44 =	vshra.s32 v40, $0x18  }
0xba: {  	v45 =	vor.u32 s25, v2;
	v38 =	vxor.u32 $0x7F, v42;
	v25 =	vxor.u32 $0x7F, v44;
	v30 =	vld.idx.msk [tilespmem:v30+s3+$0x0], $0xffff  }
0xbb: {  	v38 =	vsel vm5, v38, v42;
	vm7 =	vlt.s32 v40, $0x0;
	v40 =	vsel vm6, v43, v24  }
0xbc: {  	v38 =	vadd.s32 $0x80, v38;
	v24 =	vsel vm7, v25, v44;
	v25 =	vxor.u32 $0x7F, v35;
	v31 =	vld.idx.msk [tilespmem:v31+s3+$0x0], $0xffff  }
0xbd: {  	v36 =	vsel vm2, v36, v27;
	v24 =	vadd.s32 $0x80, v24;
	v25 =	vsel vm4, v25, v35  }
0xbe: {  	v35 =	vsel vm0, v41, v39;
	vm2 =	veq.s32 v24, v11;
	v27 =	vadd.s32 $0x80, v25  }
0xbf: {  	v36 =	vadd.s32 $0x80, v36;
	v25 =	vadd.s32 $0x80, v40;
	vm0 =	vmand vm1, vm2;
	v39 =	vld.idx.msk [tilespmem:v45+s3+$0x0], $0xffff  }
0xc0: {  	v35 =	vadd.s32 $0x80, v35;
	vm2 =	veq.s32 v25, v11;
	v40 =	vshra.s32 v30, $0x18  }
0xc1: {  	v41 =	vsel vm0, $0x1, v1;
	vm1 =	vlt.s32 v30, $0x0;
	v42 =	vxor.u32 $0x7F, v40;
	v43 =	vld.idx.msk [tilespmem:v32+s3+$0x0], $0xffff  }
0xc2: {  	v30 =	vadd.s32 v41, v37;
	v32 =	vsel vm1, v42, v40;
	v37 =	vshra.s32 v31, $0x18  }
0xc3: {  	vm4 =	veq.s32 v38, v11;
	vm1 =	veq.s32 v36, v11;
	v40 =	vadd.s32 $0x80, v32  }
0xc4: {  	vm5 =	vlt.s32 v30, $0x400;
	vm6 =	vlt.s32 v31, $0x0;
	v31 =	vxor.u32 $0x7F, v37;
	v34 =	vld.idx.msk [tilespmem:v34+s3+$0x0], $0xffff  }
0xc5: {  	vm1 =	vmand vm1, vm5;
	v31 =	vsel vm6, v31, v37;
	v37 =	vshra.s32 v39, $0x18  }
0xc6: {  	v32 =	vsel vm1, $0x1, v1;
	v41 =	vadd.s32 $0x80, v31;
	vm5 =	vlt.s32 v39, $0x0  }
0xc7: {  	v32 =	vadd.s32 v32, v30;
	v31 =	vxor.u32 $0x7F, v37;
	v39 =	vshra.s32 v43, $0x18  }
0xc8: {  	vm6 =	vlt.s32 v32, $0x400;
	v37 =	vsel vm5, v31, v37;
	vm5 =	vlt.s32 v43, $0x0  }
0xc9: {  	vm4 =	vmand vm4, vm6;
	v31 =	vshll.u32 v40, $0x4;
	v42 =	vxor.u32 $0x7F, v39  }
0xca: {  	v45 =	vshll.u32 v41, $0x4;
	v43 =	vsel vm4, $0x1, v1;
	v44 =	vshra.s32 v34, $0x18  }
0xcb: {  	v45 =	vor.u32 v0, v45;
	v43 =	vadd.s32 v43, v32;
	v39 =	vsel vm5, v42, v39  }
0xcc: {  	vm5 =	vlt.s32 v43, $0x400;
	vm6 =	vlt.s32 v34, $0x0;
	v34 =	vadd.s32 $0x80, v39  }
0xcd: {  	vm2 =	vmand vm2, vm5;
	v39 =	vxor.u32 $0x7F, v44;
	v42 =	vshll.u32 v34, $0x4;
	v46 =	vld.idx.msk [tilespmem:v13+s3+$0x0], $0xffff  }
0xce: {  	vm7 =	veq.s32 v35, v11;
	vm5 =	veq.s32 v27, v11;
	v13 =	vsel vm2, $0x1, v1  }
0xcf: {  	v47 =	vadd.s32 v13, v43;
	v13 =	vsel vm6, v39, v44;
	v39 =	vor.u32 v0, v42  }
0xd0: {  	v44 =	vor.u32 v0, v31;
	vm6 =	vlt.s32 v47, $0x400;
	v42 =	vadd.s32 $0x80, v13;
	[tilespmem:v45+s11+$0x0] =	vst.idx.add.s32.msk $0xffff, v4  }
0xd1: {  	v13 =	vshll.u32 v43, $0x4;
	v31 =	vshll.u32 v47, $0x4;
	vm5 =	vmand vm5, vm6  }
0xd2: {  	v33 =	vshra.s32 v33, $0x18;
	v13 =	vor.u32 v0, v13;
	v43 =	vsel vm5, $0x1, v1  }
0xd3: {  	v43 =	vadd.s32 v43, v47;
	v45 =	vshra.s32 v46, $0x18;
	v47 =	vxor.u32 $0x7F, v33  }
0xd4: {  	vm8 =	vlt.s32 v46, $0x0;
	vm6 =	vlt.s32 v43, $0x400;
	v48 =	vshll.u32 v43, $0x4  }
0xd5: {  	v46 =	vshll.u32 v42, $0x4;
	vm7 =	vmand vm7, vm6;
	[tilespmem:v44+s11+$0x0] =	vst.idx.add.s32.msk $0xffff, v4;
	v44 =	vxor.u32 $0x7F, v45  }
0xd6: {  	vm9 =	veq.s32 v40, v11;
	v49 =	vsel vm7, $0x1, v1;
	v40 =	vsel vm8, v44, v45  }
0xd7: {  	vm6 =	veq.s32 v42, v11;
	v44 =	vor.u32 v0, v48;
	v43 =	vadd.s32 v49, v43  }
0xd8: {  	v38 =	vshll.u32 v38, $0x4;
	v35 =	vshll.u32 v35, $0x4;
	vm8 =	vlt.s32 v43, $0x400  }
0xd9: {  	v38 =	vor.u32 v0, v38;
	v35 =	vor.u32 v0, v35;
	vm6 =	vmand vm6, vm8  }
0xda: {  	v40 =	vadd.s32 $0x80, v40;
	vm8 =	veq.s32 v41, v11;
	v42 =	vsel vm6, $0x1, v1  }
0xdb: {  	v36 =	vshll.u32 v36, $0x4;
	v41 =	vshll.u32 v43, $0x4;
	v42 =	vadd.s32 v42, v43;
	v26 =	vld.idx.msk [tilespmem:v26+s3+$0x0], $0xffff  }
0xdc: {  	v36 =	vor.u32 v0, v36;
	vm10 =	vlt.s32 v42, $0x400;
	v43 =	vshll.u32 v42, $0x4  }
0xdd: {  	v37 =	vadd.s32 $0x80, v37;
	v45 =	vshll.u32 v40, $0x4;
	vm9 =	vmand vm9, vm10  }
0xde: {  	vm10 =	veq.s32 v37, v11;
	[tilespmem:v35+s11+$0x0] =	vst.idx.add.s32.msk $0xffff, v4;
	v35 =	vor.u32 v0, v43;
	v43 =	vsel vm9, $0x1, v1  }
0xdf: {  	v37 =	vshll.u32 v37, $0x4;
	[tilespmem:v38+s11+$0x0] =	vst.idx.add.s32.msk $0xffff, v4;
	v38 =	vor.u32 v0, v41;
	v41 =	vadd.s32 v43, v42  }
0xe0: {  	v37 =	vor.u32 v0, v37;
	[tilespmem:v44+s12+$0x0] =	vst.idx.msk vm7, v29;
	vm7 =	vlt.s32 v41, $0x400;
	v29 =	vshll.u32 v41, $0x4  }
0xe1: {  	[tilespmem:v36+s11+$0x0] =	vst.idx.add.s32.msk $0xffff, v4;
	vm8 =	vmand vm8, vm7;
	vm7 =	vlt.s32 v26, $0x0;
	v26 =	vshra.s32 v26, $0x18  }
0xe2: {  	vm11 =	veq.s32 v34, v11;
	v36 =	vsel vm8, $0x1, v1;
	v34 =	vxor.u32 $0x7F, v26  }
0xe3: {  	v29 =	vor.u32 v0, v29;
	v36 =	vadd.s32 v36, v41;
	v26 =	vsel vm7, v34, v26  }
0xe4: {  	[tilespmem:v35+s12+$0x0] =	vst.idx.msk vm9, v28;
	vm7 =	vlt.s32 v36, $0x400;
	v28 =	vshll.u32 v36, $0x4;
	v26 =	vadd.s32 $0x80, v26  }
0xe5: {  	v34 =	vor.u32 v0, v45;
	[tilespmem:v37+s11+$0x0] =	vst.idx.add.s32.msk $0xffff, v4;
	vm7 =	vmand vm10, vm7;
	v35 =	vshll.u32 v26, $0x4  }
0xe6: {  	v37 =	vor.u32 v0, v46;
	v28 =	vor.u32 v0, v28;
	v41 =	vsel vm7, $0x1, v1  }
0xe7: {  	v33 =	vsel vm3, v47, v33;
	v35 =	vor.u32 v0, v35;
	v36 =	vadd.s32 v41, v36  }
0xe8: {  	v33 =	vadd.s32 $0x80, v33;
	[tilespmem:v39+s11+$0x0] =	vst.idx.add.s32.msk $0xffff, v4;
	vm3 =	vlt.s32 v36, $0x400;
	v39 =	vshll.u32 v36, $0x4  }
0xe9: {  	vm9 =	veq.s32 v40, v11;
	[tilespmem:v29+s12+$0x0] =	vst.idx.msk vm8, v22;
	vm8 =	vmand vm11, vm3;
	v22 =	vor.u32 v0, v39  }
0xea: {  	v29 =	vshll.u32 v32, $0x4;
	vm3 =	veq.s32 v26, v11;
	v32 =	vsel vm8, $0x1, v1  }
0xeb: {  	vm10 =	vlt.s32 v18, $0x0;
	v26 =	vor.u32 v0, v29;
	[tilespmem:v37+s11+$0x0] =	vst.idx.add.s32.msk $0xffff, v4;
	v29 =	vadd.s32 v32, v36  }
0xec: {  	[tilespmem:v38+s12+$0x0] =	vst.idx.msk vm6, v19;
	vm6 =	vlt.s32 v29, $0x400;
	v18 =	vshll.u32 v29, $0x4;
	v19 =	vxor.u32 $0x7F, v21  }
0xed: {  	[tilespmem:v28+s12+$0x0] =	vst.idx.msk vm7, v23;
	vm7 =	vmand vm9, vm6;
	v18 =	vor.u32 v0, v18;
	v19 =	vsel vm10, v19, v21  }
0xee: {  	v23 =	vshll.u32 v33, $0x4;
	v21 =	vsel vm7, $0x1, v1;
	v19 =	vadd.s32 $0x80, v19  }
0xef: {  	v28 =	vshll.u32 v30, $0x4;
	[tilespmem:v22+s12+$0x0] =	vst.idx.msk vm8, v20;
	v20 =	vadd.s32 v21, v29;
	v21 =	vshll.u32 v19, $0x4  }
0xf0: {  	[tilespmem:v34+s11+$0x0] =	vst.idx.add.s32.msk $0xffff, v4;
	vm6 =	vlt.s32 v20, $0x400;
	v22 =	vshll.u32 v20, $0x4;
	v29 =	vor.u32 v0, v21  }
0xf1: {  	v21 =	vshll.u32 v27, $0x4;
	[tilespmem:v35+s11+$0x0] =	vst.idx.add.s32.msk $0xffff, v4;
	vm6 =	vmand vm3, vm6;
	v22 =	vor.u32 v0, v22  }
0xf2: {  	v24 =	vshll.u32 v24, $0x4;
	[tilespmem:v26+s12+$0x0] =	vst.idx.msk vm4, v16;
	v26 =	vor.u32 v0, v21;
	v16 =	vsel vm6, $0x1, v1;
	v14 =	vld.idx.msk [tilespmem:v14+s3+$0x0], $0xffff  }
0xf3: {  	v25 =	vshll.u32 v25, $0x4;
	v27 =	vor.u32 v0, v31;
	[tilespmem:v18+s12+$0x0] =	vst.idx.msk vm7, v17;
	v30 =	vadd.s32 v16, v20  }
0xf4: {  	vm3 =	veq.s32 v19, v11;
	vm4 =	vlt.s32 v30, $0x400;
	v16 =	vshll.u32 v30, $0x4  }
.Ltmp6:
0xf5: {  	v21 =	vor.u32 v0, v24;
	[tilespmem:v29+s11+$0x0] =	vst.idx.add.s32.msk $0xffff, v4;
	vm3 =	vmand vm3, vm4;
	v16 =	vor.u32 v0, v16;
	(pc) =	sbr.rel @p0 .LBB2_7-.Ltmp6, $4  }
0xf6: {  	v18 =	vor.u32 v0, v28;
	v17 =	vor.u32 v0, v23;
	v19 =	vsel vm3, $0x1, v1  }
0xf7: {  	v20 =	vor.u32 v0, v25;
	v23 =	vmov s24;
	[tilespmem:v26+s11+$0x0] =	vst.idx.add.s32.msk $0xffff, v4;
	v19 =	vadd.s32 v19, v30  }
0xf8: {  	vm4 =	veq.s32 v33, v11;
	[tilespmem:v27+s12+$0x0] =	vst.idx.msk vm5, v15;
	vm5 =	vlt.s32 v19, $0x400;
	v15 =	vshll.u32 v19, $0x4  }
0xf9: {  	s23 =	smov.u32 s7;
	[tilespmem:v22+s12+$0x0] =	vst.idx.msk vm6, v23;
	vm4 =	vmand vm4, vm5;
	v15 =	vor.u32 v0, v15;
	v22 =	vshra.s32 v14, $0x18  }
0xfa: {  	_ =	sdelay $0x2  }
0xfb: {  	vm5 =	vlt.s32 v14, $0x0;
	v14 =	vxor.u32 $0x7F, v22  }
0xfc: {  	[tilespmem:v21+s11+$0x0] =	vst.idx.add.s32.msk $0xffff, v4;
	v63 =	vsel vm4, $0x1, v1;
	v14 =	vsel vm5, v14, v22  }
0xfd: {  	[tilespmem:v12+s12+$0x0] =	vst.idx.msk vm0, v10;
	v10 =	vadd.s32 v63, v19;
	v12 =	vadd.s32 $0x80, v14  }
0xfe: {  	[tilespmem:v20+s11+$0x0] =	vst.idx.add.s32.msk $0xffff, v4;
	vm15 =	vlt.s32 v10, $0x400;
	v14 =	vshll.u32 v12, $0x4;
	vm0 =	veq.s32 v12, v11  }
0xff: {  	[tilespmem:v18+s12+$0x0] =	vst.idx.msk vm1, v8;
	v10 =	vshll.u32 v10, $0x4;
	vm0 =	vmand vm0, vm15;
	v8 =	vor.u32 v0, v14  }
0x100: {  	[tilespmem:v17+s11+$0x0] =	vst.idx.add.s32.msk $0xffff, v4;
	v10 =	vor.u32 v0, v10  }
0x101: {  	[tilespmem:v13+s12+$0x0] =	vst.idx.msk vm2, v7;
	v12 =	vmov s20  }
0x102: {  	[tilespmem:v15+s12+$0x0] =	vst.idx.msk vm4, v12;
	v12 =	vmov s19  }
0x103: {  	[tilespmem:v16+s12+$0x0] =	vst.idx.msk vm3, v12  }
0x104: {  	v7 =	vmov s18;
	[tilespmem:v8+s11+$0x0] =	vst.idx.add.s32.msk $0xffff, v4  }
0x105: {  	[tilespmem:v10+s12+$0x0] =	vst.idx.msk vm0, v7  }
0x106: {  	v16 =	vld [tilespmem:s22+$0x0]  }
0x107: {  	v15 =	vld [tilespmem:s22+$0xFFFFFFF0]  }
0x108: {  	v14 =	vld [tilespmem:s22+$0xFFFFFFE0]  }
0x109: {  	v8 =	vld [tilespmem:s22+$0xFFFFFFD0];
	_ =	sdelay $0x1  }
0x10a: {  	v12 =	vadd.s32 v9, v16  }
0x10b: {  	vm0 =	vlt.s32 v9, v6;
	vm1 =	vge.s32 v12, v6;
	v7 =	vadd.s32 v15, v12  }
0x10c: {  	v17 =	vmovc v9;
	v19 =	vmov v9;
	vm0 =	vmand vm0, vm1;
	v10 =	vadd.s32 v14, v7  }
0x10d: {  	s0 =	simm.s32 $0x0;
	s1 =	simm.s32 $0x11130;
	v13 =	vmovc v9;
	vm2 =	vge.s32 v7, v6;
	v18 =	vadd.s32 v8, v10;
	vm1 =	vlt.s32 v10, v6  }
.LBB2_9:
0x10e: {  	v20 =	vld [tilespmem:s1+$0x0];
	s0 =	sadd.s32 $0x4, s0;
	v9 =	vsel vm0, s21, v9;
	vm3 =	vlt.s32 v7, v6;
	vm4 =	vge.s32 v10, v6  }
0x10f: {  	vm5 =	vlt.s32 v12, v6;
	v21 =	vld [tilespmem:s1+$0xFFFFFFF0];
	p0 =	slt.u32 s0, $0xFC  }
0x110: {  	v16 =	vsel vm0, v16, v19;
	s2 =	sadd.s32 $0xFFFFFFFF, s21;
	vm2 =	vmand vm5, vm2;
	vm3 =	vmand vm3, vm4;
	v22 =	vld [tilespmem:s1+$0xFFFFFFE0]  }
0x111: {  	vm4 =	vlt.s32 v18, v6;
	v9 =	vsel vm2, s2, v9;
	v15 =	vsel vm2, v15, v16;
	s2 =	sadd.s32 $0xFFFFFFFE, s21  }
0x112: {  	v17 =	vsel vm0, v13, v17;
	v13 =	vmovc v18;
	v9 =	vsel vm3, s2, v9;
	v19 =	vsel vm3, v14, v15;
	v23 =	vld [tilespmem:s1+$0xFFFFFFD0]  }
.Ltmp7:
0x113: {  	v24 =	vsel vm2, v12, v17;
	vm2 =	vge.s32 v18, v6;
	v12 =	vadd.s32 v18, v20;
	v16 =	vmovc v20;
	(pc) =	sbr.rel @p0 .LBB2_9-.Ltmp7, $4  }
0x114: {  	v17 =	vsel vm3, v7, v24;
	s2 =	sadd.s32 $0xFFFFFFFD, s21;
	vm0 =	vge.s32 v12, v6;
	v7 =	vadd.s32 v21, v12;
	v15 =	vmovc v21  }
0x115: {  	vm3 =	vmand vm1, vm2;
	s21 =	sadd.s32 $0xFFFFFFFC, s21;
	vm0 =	vmand vm4, vm0;
	v18 =	vadd.s32 v22, v7;
	v14 =	vmovc v22  }
0x116: {  	v9 =	vsel vm3, s2, v9;
	v17 =	vsel vm3, v10, v17;
	vm2 =	vge.s32 v7, v6;
	v10 =	vmovc v18  }
0x117: {  	s1 =	sadd.s32 $0xFFFFFFC0, s1;
	v19 =	vsel vm3, v8, v19;
	v18 =	vadd.s32 v23, v10;
	vm1 =	vlt.s32 v10, v6;
	v8 =	vmovc v23  }
0x118: {  	vm3 =	vlt.s32 v7, v6;
	vm4 =	vlt.s32 v12, v6  }
0x119: {  	vm5 =	vge.s32 v10, v6;
	v16 =	vsel vm0, v16, v19;
	vm2 =	vmand vm4, vm2  }
0x11a: {  	vm15 =	vge.s32 v18, v6;
	vm3 =	vmand vm3, vm5;
	v15 =	vsel vm2, v15, v16  }
0x11b: {  	vm1 =	vmand vm1, vm15;
	v14 =	vsel vm3, v14, v15  }
0x11c: {  	v8 =	vsel vm1, v8, v14  }
0x11d: {  	v14 =	vxor.u32 $0x80000000, v8  }
0x11e: {  	(xrf0) =	vmax.scan.msk.u32 $0xffff, v14;
	_ =	sdelay $0x5  }
0x11f: {  	v14, _, _ =	vpop (xrf0)  }
0x120: {  	(v2sf) =	vpush v14, $0xF;
	_ =	sdelay $0xe  }
0x121: {  	s1 =	spop (v2sf)  }
0x122: {  	s18 =	sxor.u32 $0x80000000, s1  }
0x123: {  	p0 =	sgt.s32 s18, $0x400  }
.Ltmp8:
0x124: {  	v9 =	vsel vm0, s21, v9;
	s0 =	sadd.s32 $0xFFFFFFFF, s21;
	v13 =	vsel vm0, v13, v17;
	(pc) =	sbr.rel @p0 .LBB2_11-.Ltmp8, $4  }
0x125: {  	s30 =	sadd.s32 $0xFFFFFFFE, s21;
	v9 =	vsel vm2, s0, v9;
	v63 =	vsel vm2, v12, v13  }
0x126: {  	s31 =	sadd.s32 $0xFFFFFFFD, s21;
	v9 =	vsel vm3, s30, v9;
	v12 =	vsel vm3, v7, v63  }
0x127: {  	v7 =	vsel vm1, s31, v9;
	v9 =	vsel vm1, v10, v12  }
0x128: {  	v10 =	vadd.s32 $0xFFFFFF80, v7;
	v9 =	vsub.s32 v6, v9  }
0x129: {  	vm0 =	veq.s32 v7, v11  }
0x12a: {  	v11 =	vsel vm0, $0x3F800000, v5  }
0x12b: {  	(xrf0) =	vmin.scan.msk.f32 $0xffff, v11;
	_ =	sdelay $0x5  }
0x12c: {  	v11, _, _ =	vpop (xrf0)  }
0x12d: {  	(v2sf) =	vpush v11, $0xF;
	_ =	sdelay $0xe  }
0x12e: {  	s0 =	spop (v2sf)  }
0x12f: {  	p0 =	sgt.f32 s0, $0.0e+00  }
.Ltmp9:
0x130: {  	_ = 	snop;
	(pc) =	sbr.rel @p0 .LBB2_39-.Ltmp9, $1  }
0x131: {  	_ =	sdelay $0x3  }
0x132: {  	s0 =	simm.s32 $0x0  }
0x133: {  	s1 =	simm.s32 $0xF;
	v11 =	vor.u32 s0, v2  }
0x134: {  	s2 =	simm.s32 $0xE;
	v12 =	vor.u32 s1, v2  }
0x135: {  	s6 =	simm.s32 $0xD;
	v13 =	vor.u32 s2, v2  }
0x136: {  	s7 =	simm.s32 $0xC;
	v14 =	vor.u32 s6, v2  }
0x137: {  	s9 =	simm.s32 $0xA;
	v15 =	vor.u32 s7, v2  }
0x138: {  	s19 =	simm.s32 $0x9;
	v17 =	vor.u32 s9, v2;
	v21 =	vld.idx.msk [tilespmem:v11+s3+$0x0], $0xffff  }
0x139: {  	s21 =	simm.s32 $0x7;
	v23 =	vor.u32 s19, v2;
	v22 =	vld.idx.msk [tilespmem:v12+s3+$0x0], $0xffff  }
0x13a: {  	s24 =	simm.s32 $0x5;
	v27 =	vor.u32 s21, v2;
	v24 =	vld.idx.msk [tilespmem:v13+s3+$0x0], $0xffff  }
0x13b: {  	v18 =	vimm.s32 $0x0;
	s20 =	simm.s32 $0x8;
	s25 =	simm.s32 $0x4;
	v37 =	vor.u32 s24, v2;
	v25 =	vld.idx.msk [tilespmem:v14+s3+$0x0], $0xffff  }
0x13c: {  	s8 =	simm.s32 $0xB;
	v16 =	vshll.u32 v18, $0x4;
	v29 =	vmov s20;
	v39 =	vor.u32 s25, v2;
	v28 =	vld.idx.msk [tilespmem:v15+s3+$0x0], $0xffff  }
0x13d: {  	s23 =	simm.s32 $0x6;
	v31 =	vmov s21;
	v26 =	vmov s19;
	v11 =	vor.u32 s8, v2;
	v38 =	vld.idx.msk [tilespmem:v17+s3+$0x0], $0xffff  }
0x13e: {  	v32 =	vmov s23;
	v20 =	vmov s9;
	v13 =	vor.u32 s20, v2;
	v23 =	vld.idx.msk [tilespmem:v23+s3+$0x0], $0xffff  }
0x13f: {  	s26 =	simm.s32 $0x3;
	v33 =	vmov s24;
	v19 =	vmov s8;
	v15 =	vor.u32 s23, v2;
	v27 =	vld.idx.msk [tilespmem:v27+s3+$0x0], $0xffff  }
0x140: {  	s28 =	simm.s32 $0x2;
	s29 =	simm.s32 $0x1;
	v34 =	vmov s25;
	v35 =	vmov s26;
	v40 =	vor.u32 s26, v2;
	v37 =	vld.idx.msk [tilespmem:v37+s3+$0x0], $0xffff  }
0x141: {  	v30 =	vmov s28;
	v42 =	vor.u32 s28, v2;
	v43 =	vor.u32 s29, v2;
	v39 =	vld.idx.msk [tilespmem:v39+s3+$0x0], $0xffff  }
0x142: {  	v12 =	vor.u32 v0, v16;
	v17 =	vmov s7;
	v16 =	vmov s6;
	v36 =	vld.idx.msk [tilespmem:v11+s3+$0x0], $0xffff  }
0x143: {  	v14 =	vmov s2;
	v41 =	vld.idx.msk [tilespmem:v13+s3+$0x0], $0xffff;
	v11 =	vmov s29;
	v13 =	vmov s1  }
0x144: {  	v44 =	vld.idx.msk [tilespmem:v15+s3+$0x0], $0xffff;
	v15 =	vmov s0;
	vm1 =	vlt.s32 v21, $0x0;
	v21 =	vshra.s32 v21, $0x18  }
0x145: {  	v40 =	vld.idx.msk [tilespmem:v40+s3+$0x0], $0xffff;
	vm0 =	vlt.s32 v24, $0x0;
	vm2 =	vlt.s32 v22, $0x0;
	v22 =	vshra.s32 v22, $0x18  }
0x146: {  	v42 =	vld.idx.msk [tilespmem:v42+s3+$0x0], $0xffff;
	vm4 =	vlt.s32 v28, $0x0;
	vm5 =	vlt.s32 v25, $0x0;
	v24 =	vshra.s32 v24, $0x18  }
0x147: {  	v43 =	vld.idx.msk [tilespmem:v43+s3+$0x0], $0xffff;
	v28 =	vshra.s32 v28, $0x18;
	v25 =	vshra.s32 v25, $0x18;
	vm7 =	vlt.s32 v23, $0x0  }
0x148: {  	vm8 =	vlt.s32 v38, $0x0;
	v23 =	vshra.s32 v23, $0x18;
	v38 =	vshra.s32 v38, $0x18  }
0x149: {  	vm11 =	vlt.s32 v27, $0x0;
	vm9 =	vlt.s32 v37, $0x0;
	v27 =	vshra.s32 v27, $0x18  }
0x14a: {  	vm13 =	vlt.s32 v40, $0x0;
	vm14 =	vlt.s32 v39, $0x0;
	v37 =	vshra.s32 v37, $0x18  }
0x14b: {  	vm12 =	vlt.s32 v42, $0x0;
	v40 =	vshra.s32 v40, $0x18;
	v39 =	vshra.s32 v39, $0x18  }
0x14c: {  	vm15 =	vlt.s32 v43, $0x0;
	v42 =	vshra.s32 v42, $0x18;
	v43 =	vshra.s32 v43, $0x18  }
0x14d: {  	v45 =	vxor.u32 $0x7F, v21;
	v46 =	vxor.u32 $0x7F, v24;
	v47 =	vxor.u32 $0x7F, v22  }
0x14e: {  	v49 =	vxor.u32 $0x7F, v28;
	v50 =	vxor.u32 $0x7F, v25;
	v52 =	vxor.u32 $0x7F, v23  }
0x14f: {  	v53 =	vxor.u32 $0x7F, v38;
	v54 =	vxor.u32 $0x7F, v37;
	v56 =	vxor.u32 $0x7F, v27  }
0x150: {  	v57 =	vxor.u32 $0x7F, v42;
	v58 =	vxor.u32 $0x7F, v40;
	v59 =	vxor.u32 $0x7F, v39  }
0x151: {  	v63 =	vxor.u32 $0x7F, v43;
	v21 =	vsel vm1, v45, v21;
	v22 =	vsel vm2, v47, v22  }
0x152: {  	v28 =	vsel vm4, v49, v28;
	v25 =	vsel vm5, v50, v25;
	v24 =	vsel vm0, v46, v24  }
0x153: {  	v23 =	vsel vm7, v52, v23;
	v38 =	vsel vm8, v53, v38;
	v27 =	vsel vm11, v56, v27  }
0x154: {  	v40 =	vsel vm13, v58, v40;
	v39 =	vsel vm14, v59, v39;
	v37 =	vsel vm9, v54, v37  }
0x155: {  	v43 =	vsel vm15, v63, v43;
	v42 =	vsel vm12, v57, v42;
	v21 =	vadd.s32 $0x80, v21  }
0x156: {  	v25 =	vadd.s32 $0x80, v25;
	v24 =	vadd.s32 $0x80, v24;
	v22 =	vadd.s32 $0x80, v22  }
0x157: {  	v38 =	vadd.s32 $0x80, v38;
	v28 =	vadd.s32 $0x80, v28;
	v27 =	vadd.s32 $0x80, v27  }
0x158: {  	v23 =	vadd.s32 $0x80, v23;
	v39 =	vadd.s32 $0x80, v39;
	v37 =	vadd.s32 $0x80, v37  }
0x159: {  	v40 =	vadd.s32 $0x80, v40;
	vm11 =	veq.s32 v21, v7;
	v21 =	vadd.s32 $0x80, v43  }
0x15a: {  	vm2 =	veq.s32 v40, v7;
	vm4 =	veq.s32 v39, v7;
	vm5 =	veq.s32 v37, v7  }
0x15b: {  	vm8 =	veq.s32 v23, v7;
	vm9 =	veq.s32 v38, v7;
	vm12 =	veq.s32 v28, v7  }
0x15c: {  	vm13 =	veq.s32 v25, v7;
	vm14 =	veq.s32 v24, v7;
	vm15 =	veq.s32 v22, v7  }
0x15d: {  	vm3 =	vlt.s32 v36, $0x0;
	v36 =	vshra.s32 v36, $0x18;
	vm6 =	vlt.s32 v41, $0x0  }
0x15e: {  	vm10 =	vlt.s32 v44, $0x0;
	v41 =	vshra.s32 v41, $0x18;
	v44 =	vshra.s32 v44, $0x18  }
0x15f: {  	v54 =	vsel vm11, $0x1, v1;
	vm0 =	veq.s32 v21, v7;
	v21 =	vadd.s32 $0x80, v42  }
0x160: {  	v57 =	vsel vm2, $0x1, v1;
	v58 =	vsel vm4, $0x1, v1;
	v60 =	vsel vm5, $0x1, v1  }
0x161: {  	v47 =	vsel vm8, $0x1, v1;
	v49 =	vsel vm9, $0x1, v1;
	v52 =	vsel vm12, $0x1, v1  }
0x162: {  	v53 =	vsel vm13, $0x1, v1;
	v48 =	vxor.u32 $0x7F, v36;
	v51 =	vxor.u32 $0x7F, v41  }
0x163: {  	v55 =	vxor.u32 $0x7F, v44;
	v18 =	vadd.s32 v54, v18;
	vm1 =	veq.s32 v21, v7  }
0x164: {  	v54 =	vsel vm14, $0x1, v1;
	v36 =	vsel vm3, v48, v36;
	v44 =	vsel vm10, v55, v44  }
0x165: {  	v41 =	vsel vm6, v51, v41;
	v55 =	vsel vm0, $0x1, v1;
	v56 =	vsel vm1, $0x1, v1  }
0x166: {  	vm3 =	veq.s32 v27, v7;
	v36 =	vadd.s32 $0x80, v36;
	v41 =	vadd.s32 $0x80, v41  }
0x167: {  	v44 =	vadd.s32 $0x80, v44;
	v21 =	vadd.s32 v55, v18;
	v62 =	vsel vm3, $0x1, v1  }
0x168: {  	v55 =	vsel vm15, $0x1, v1;
	v18 =	vshll.u32 v18, $0x4;
	v40 =	vadd.s32 v56, v21  }
0x169: {  	vm6 =	veq.s32 v44, v7;
	vm7 =	veq.s32 v41, v7;
	vm10 =	veq.s32 v36, v7  }
0x16a: {  	v21 =	vshll.u32 v21, $0x4;
	v39 =	vadd.s32 v57, v40;
	v61 =	vsel vm6, $0x1, v1  }
0x16b: {  	s22 =	simm.s32 $0x19;
	s23 =	simm.s32 $0x18;
	v46 =	vsel vm7, $0x1, v1;
	v51 =	vsel vm10, $0x1, v1;
	v40 =	vshll.u32 v40, $0x4  }
0x16c: {  	[tilespmem:v12+s12+$0x0] =	vst.idx.msk vm11, v15;
	v12 =	vmov s23;
	v15 =	vmov s22;
	v59 =	vadd.s32 v58, v39  }
0x16d: {  	s30 =	simm.s32 $0x1B;
	v39 =	vshll.u32 v39, $0x4;
	v42 =	vadd.s32 v60, v59;
	v37 =	vshll.u32 v59, $0x4  }
0x16e: {  	s19 =	simm.s32 $0x10;
	v60 =	vor.u32 s30, v2;
	v27 =	vadd.s32 v61, v42;
	v59 =	vshll.u32 v42, $0x4  }
0x16f: {  	s20 =	simm.s32 $0x1F;
	v61 =	vor.u32 s19, v2;
	v63 =	vadd.s32 v62, v27;
	v27 =	vshll.u32 v27, $0x4  }
0x170: {  	s1 =	simm.s32 $0x1D;
	v62 =	vor.u32 s20, v2;
	v41 =	vor.u32 v0, v59;
	v23 =	vadd.s32 v46, v63  }
0x171: {  	s0 =	simm.s32 $0x1E;
	v58 =	vshll.u32 v63, $0x4;
	v63 =	vor.u32 s1, v2;
	v48 =	vadd.s32 v47, v23  }
0x172: {  	s28 =	simm.s32 $0x14;
	v23 =	vshll.u32 v23, $0x4;
	v47 =	vor.u32 s0, v2;
	v50 =	vadd.s32 v49, v48  }
0x173: {  	s2 =	simm.s32 $0x1C;
	v38 =	vor.u32 v0, v58;
	v58 =	vor.u32 s28, v2;
	v28 =	vadd.s32 v51, v50  }
0x174: {  	v36 =	vshll.u32 v50, $0x4;
	v50 =	vor.u32 v0, v23;
	v23 =	vor.u32 s2, v2  }
0x175: {  	s29 =	simm.s32 $0x13;
	v51 =	vor.u32 v0, v27;
	v25 =	vadd.s32 v52, v28;
	v28 =	vshll.u32 v28, $0x4;
	v46 =	vld.idx.msk [tilespmem:v62+s3+$0x0], $0xffff  }
0x176: {  	v36 =	vor.u32 v0, v36;
	v62 =	vor.u32 s22, v2;
	v52 =	vld.idx.msk [tilespmem:v60+s3+$0x0], $0xffff;
	v60 =	vor.u32 s29, v2  }
0x177: {  	s31 =	simm.s32 $0x1A;
	v24 =	vadd.s32 v53, v25;
	v56 =	vshll.u32 v25, $0x4;
	v53 =	vor.u32 v0, v37  }
0x178: {  	v37 =	vld.idx.msk [tilespmem:v61+s3+$0x0], $0xffff;
	v61 =	vor.u32 s31, v2;
	v22 =	vshll.u32 v24, $0x4;
	v24 =	vadd.s32 v54, v24  }
0x179: {  	v44 =	vor.u32 v0, v56;
	v54 =	vor.u32 v0, v40;
	v56 =	vor.u32 v0, v21  }
0x17a: {  	[tilespmem:v41+s12+$0x0] =	vst.idx.msk vm6, v32;
	v40 =	vor.u32 s23, v2;
	v21 =	vmov s30;
	v57 =	vshll.u32 v24, $0x4  }
0x17b: {  	v49 =	vld.idx.msk [tilespmem:v63+s3+$0x0], $0xffff;
	[tilespmem:v38+s12+$0x0] =	vst.idx.msk vm7, v29;
	v29 =	vmov s19;
	v25 =	vadd.s32 v55, v24;
	v45 =	vor.u32 v0, v57  }
0x17c: {  	v47 =	vld.idx.msk [tilespmem:v47+s3+$0x0], $0xffff;
	v24 =	vshll.u32 v48, $0x4;
	v22 =	vor.u32 v0, v22;
	v48 =	vor.u32 v0, v28  }
0x17d: {  	s24 =	simm.s32 $0x17;
	v55 =	vor.u32 v0, v39;
	v28 =	vor.u32 v0, v18;
	v43 =	vshll.u32 v25, $0x4;
	[tilespmem:v50+s12+$0x0] =	vst.idx.msk vm8, v26  }
0x17e: {  	s26 =	simm.s32 $0x15;
	v18 =	vmov s31;
	s31 =	simm.s32 $0x11;
	v57 =	vld.idx.msk [tilespmem:v23+s3+$0x0], $0xffff;
	[tilespmem:v51+s12+$0x0] =	vst.idx.msk vm3, v31;
	v27 =	vor.u32 v0, v43;
	v43 =	vor.u32 s24, v2  }
0x17f: {  	s25 =	simm.s32 $0x16;
	v23 =	vmov s1;
	v63 =	vor.u32 s31, v2;
	[tilespmem:v44+s12+$0x0] =	vst.idx.msk vm13, v16;
	v44 =	vor.u32 s26, v2  }
0x180: {  	v24 =	vor.u32 v0, v24;
	v26 =	vmov s20;
	v59 =	vld.idx.msk [tilespmem:v62+s3+$0x0], $0xffff;
	[tilespmem:v45+s12+$0x0] =	vst.idx.msk vm15, v13;
	v45 =	vor.u32 s25, v2  }
0x181: {  	[tilespmem:v36+s12+$0x0] =	vst.idx.msk vm10, v19;
	v19 =	vmov s29;
	v36 =	vmov s31;
	vm3 =	vlt.s32 v46, $0x0;
	v39 =	vld.idx.msk [tilespmem:v40+s3+$0x0], $0xffff  }
0x182: {  	s30 =	simm.s32 $0x12;
	v31 =	vshra.s32 v46, $0x18;
	vm8 =	vlt.s32 v37, $0x0;
	v37 =	vshra.s32 v37, $0x18;
	[tilespmem:v48+s12+$0x0] =	vst.idx.msk vm12, v17;
	v48 =	vld.idx.msk [tilespmem:v61+s3+$0x0], $0xffff  }
0x183: {  	vm6 =	vlt.s32 v49, $0x0;
	[tilespmem:v53+s12+$0x0] =	vst.idx.msk vm5, v33;
	vm5 =	vlt.s32 v52, $0x0;
	v61 =	vor.u32 s30, v2;
	v40 =	vld.idx.msk [tilespmem:v43+s3+$0x0], $0xffff  }
0x184: {  	v33 =	vshra.s32 v49, $0x18;
	v16 =	vmov s26;
	vm7 =	vlt.s32 v47, $0x0;
	v43 =	vld.idx.msk [tilespmem:v44+s3+$0x0], $0xffff  }
0x185: {  	v32 =	vshra.s32 v47, $0x18;
	[tilespmem:v22+s12+$0x0] =	vst.idx.msk vm14, v14;
	v14 =	vmov s25;
	v17 =	vmov s28;
	v42 =	vld.idx.msk [tilespmem:v45+s3+$0x0], $0xffff  }
0x186: {  	v22 =	vmov s2;
	[tilespmem:v55+s12+$0x0] =	vst.idx.msk vm4, v34;
	v34 =	vshra.s32 v52, $0x18;
	v13 =	vmov s24;
	v44 =	vld.idx.msk [tilespmem:v58+s3+$0x0], $0xffff  }
0x187: {  	[tilespmem:v24+s12+$0x0] =	vst.idx.msk vm9, v20;
	v20 =	vmov s30;
	v24 =	vmov s0;
	vm9 =	vlt.s32 v57, $0x0;
	v45 =	vld.idx.msk [tilespmem:v60+s3+$0x0], $0xffff  }
0x188: {  	[tilespmem:v54+s12+$0x0] =	vst.idx.msk vm2, v35;
	v38 =	vshra.s32 v57, $0x18;
	vm4 =	vlt.s32 v59, $0x0;
	v35 =	vshra.s32 v59, $0x18;
	v46 =	vld.idx.msk [tilespmem:v61+s3+$0x0], $0xffff  }
0x189: {  	s19 =	simm.s32 $0x20;
	[tilespmem:v56+s12+$0x0] =	vst.idx.msk vm1, v30;
	v47 =	vld.idx.msk [tilespmem:v63+s3+$0x0], $0xffff;
	vm2 =	vlt.s32 v39, $0x0;
	vm10 =	vlt.s32 v48, $0x0;
	v41 =	vshra.s32 v48, $0x18  }
.LBB2_37:
0x18a: {  	p0 =	slt.u32 s19, $0xFF0;
	vm1 =	vlt.s32 v42, $0x0;
	vm11 =	vlt.s32 v40, $0x0;
	v30 =	vshra.s32 v39, $0x18;
	[tilespmem:v28+s12+$0x0] =	vst.idx.msk vm0, v11;
	v11 =	vmovc v36  }
0x18b: {  	vm0 =	vlt.s32 v43, $0x0;
	v28 =	vshra.s32 v42, $0x18;
	v36 =	vshra.s32 v40, $0x18  }
0x18c: {  	vm14 =	vlt.s32 v44, $0x0;
	v39 =	vshra.s32 v43, $0x18;
	vm13 =	vlt.s32 v45, $0x0  }
0x18d: {  	v42 =	vshra.s32 v44, $0x18;
	v40 =	vshra.s32 v45, $0x18;
	vm12 =	vlt.s32 v46, $0x0  }
0x18e: {  	v43 =	vxor.u32 $0x7F, v37;
	v44 =	vshra.s32 v46, $0x18;
	vm15 =	vlt.s32 v47, $0x0  }
0x18f: {  	v46 =	vxor.u32 $0x7F, v32;
	v45 =	vshra.s32 v47, $0x18;
	v47 =	vxor.u32 $0x7F, v31  }
0x190: {  	v48 =	vxor.u32 $0x7F, v34;
	v49 =	vxor.u32 $0x7F, v38;
	v50 =	vxor.u32 $0x7F, v33  }
0x191: {  	v52 =	vxor.u32 $0x7F, v35;
	v53 =	vxor.u32 $0x7F, v41;
	v51 =	vxor.u32 $0x7F, v30  }
0x192: {  	v54 =	vxor.u32 $0x7F, v39;
	v55 =	vxor.u32 $0x7F, v28;
	v56 =	vxor.u32 $0x7F, v36  }
0x193: {  	v59 =	vxor.u32 $0x7F, v42;
	v58 =	vxor.u32 $0x7F, v40;
	v57 =	vxor.u32 $0x7F, v44  }
0x194: {  	v37 =	vsel vm8, v43, v37;
	v43 =	vxor.u32 $0x7F, v45;
	v31 =	vsel vm3, v47, v31  }
0x195: {  	v38 =	vsel vm9, v49, v38;
	v33 =	vsel vm6, v50, v33;
	v32 =	vsel vm7, v46, v32  }
0x196: {  	v35 =	vsel vm4, v52, v35;
	v41 =	vsel vm10, v53, v41;
	v34 =	vsel vm5, v48, v34  }
0x197: {  	v28 =	vsel vm1, v55, v28;
	v36 =	vsel vm11, v56, v36;
	v30 =	vsel vm2, v51, v30  }
0x198: {  	v42 =	vsel vm14, v59, v42;
	v39 =	vsel vm0, v54, v39;
	v40 =	vsel vm13, v58, v40  }
0x199: {  	v37 =	vadd.s32 $0x80, v37;
	v44 =	vsel vm12, v57, v44;
	v43 =	vsel vm15, v43, v45  }
0x19a: {  	v33 =	vadd.s32 $0x80, v33;
	v32 =	vadd.s32 $0x80, v32;
	v31 =	vadd.s32 $0x80, v31  }
0x19b: {  	v41 =	vadd.s32 $0x80, v41;
	v34 =	vadd.s32 $0x80, v34;
	v38 =	vadd.s32 $0x80, v38  }
0x19c: {  	v35 =	vadd.s32 $0x80, v35;
	v36 =	vadd.s32 $0x80, v36;
	v30 =	vadd.s32 $0x80, v30  }
0x19d: {  	v42 =	vadd.s32 $0x80, v42;
	v39 =	vadd.s32 $0x80, v39;
	v28 =	vadd.s32 $0x80, v28  }
0x19e: {  	vm3 =	veq.s32 v37, v7;
	v40 =	vadd.s32 $0x80, v40;
	v37 =	vadd.s32 $0x80, v43  }
0x19f: {  	v43 =	vsel vm3, $0x1, v1;
	vm0 =	veq.s32 v37, v7;
	v37 =	vadd.s32 $0x80, v44  }
0x1a0: {  	v43 =	vadd.s32 v43, v25;
	v25 =	vsel vm0, $0x1, v1;
	vm1 =	veq.s32 v37, v7  }
0x1a1: {  	vm2 =	veq.s32 v40, v7;
	v37 =	vadd.s32 v25, v43;
	v25 =	vsel vm1, $0x1, v1  }
0x1a2: {  	vm4 =	veq.s32 v42, v7;
	v40 =	vadd.s32 v25, v37;
	v25 =	vsel vm2, $0x1, v1  }
0x1a3: {  	vm5 =	veq.s32 v39, v7;
	v42 =	vadd.s32 v25, v40;
	v25 =	vsel vm4, $0x1, v1  }
0x1a4: {  	vm6 =	veq.s32 v28, v7;
	[tilespmem:v27+s12+$0x0] =	vst.idx.msk vm3, v29;
	v27 =	vadd.s32 v25, v42;
	v25 =	vsel vm5, $0x1, v1  }
0x1a5: {  	vm3 =	veq.s32 v36, v7;
	v28 =	vadd.s32 v25, v27;
	v25 =	vsel vm6, $0x1, v1  }
0x1a6: {  	vm7 =	veq.s32 v30, v7;
	v29 =	vadd.s32 v25, v28;
	v25 =	vsel vm3, $0x1, v1  }
0x1a7: {  	vm8 =	veq.s32 v35, v7;
	v30 =	vadd.s32 v25, v29;
	v25 =	vsel vm7, $0x1, v1  }
0x1a8: {  	vm9 =	veq.s32 v41, v7;
	v35 =	vadd.s32 v25, v30;
	v25 =	vsel vm8, $0x1, v1  }
0x1a9: {  	vm10 =	veq.s32 v34, v7;
	v36 =	vadd.s32 v25, v35;
	v25 =	vsel vm9, $0x1, v1  }
0x1aa: {  	vm11 =	veq.s32 v38, v7;
	v34 =	vadd.s32 v25, v36;
	v25 =	vsel vm10, $0x1, v1  }
0x1ab: {  	vm12 =	veq.s32 v33, v7;
	v38 =	vadd.s32 v25, v34;
	v25 =	vsel vm11, $0x1, v1  }
0x1ac: {  	v33 =	vsel vm12, $0x1, v1;
	vm13 =	veq.s32 v32, v7;
	v25 =	vadd.s32 v25, v38  }
0x1ad: {  	vm14 =	veq.s32 v31, v7;
	v32 =	vadd.s32 v33, v25;
	v33 =	vsel vm13, $0x1, v1  }
0x1ae: {  	v31 =	vshll.u32 v32, $0x4;
	v32 =	vadd.s32 v33, v32;
	v33 =	vsel vm14, $0x1, v1  }
0x1af: {  	v39 =	vshll.u32 v25, $0x4;
	v41 =	vshll.u32 v32, $0x4;
	v25 =	vadd.s32 v33, v32  }
0x1b0: {  	v32 =	vshll.u32 v36, $0x4;
	v33 =	vshll.u32 v34, $0x4;
	v34 =	vshll.u32 v38, $0x4  }
0x1b1: {  	v29 =	vshll.u32 v29, $0x4;
	v30 =	vshll.u32 v30, $0x4;
	v35 =	vshll.u32 v35, $0x4  }
0x1b2: {  	v27 =	vshll.u32 v27, $0x4;
	v28 =	vshll.u32 v28, $0x4;
	v36 =	vshll.u32 v42, $0x4  }
0x1b3: {  	v37 =	vshll.u32 v37, $0x4;
	v40 =	vshll.u32 v40, $0x4;
	v38 =	vshll.u32 v43, $0x4  }
0x1b4: {  	s20 =	sadd.s32 $0xF, s19;
	v42 =	vor.u32 s19, v2;
	v43 =	vshll.u32 v25, $0x4;
	v41 =	vor.u32 v0, v41  }
0x1b5: {  	s21 =	sadd.s32 $0xE, s19;
	v44 =	vor.u32 s20, v2;
	v39 =	vor.u32 v0, v39;
	v31 =	vor.u32 v0, v31  }
0x1b6: {  	s0 =	sadd.s32 $0xD, s19;
	v45 =	vor.u32 s21, v2;
	v33 =	vor.u32 v0, v33;
	v34 =	vor.u32 v0, v34  }
0x1b7: {  	s1 =	sadd.s32 $0xC, s19;
	v46 =	vor.u32 s0, v2;
	v35 =	vor.u32 v0, v35;
	v32 =	vor.u32 v0, v32  }
0x1b8: {  	s2 =	sadd.s32 $0xB, s19;
	v47 =	vor.u32 s1, v2;
	v48 =	vor.u32 v0, v29;
	v29 =	vor.u32 v0, v30  }
0x1b9: {  	s6 =	sadd.s32 $0xA, s19;
	v49 =	vor.u32 v0, v27;
	v50 =	vor.u32 v0, v28;
	v30 =	vld.idx.msk [tilespmem:v42+s3+$0x0], $0xffff;
	v42 =	vor.u32 s2, v2  }
0x1ba: {  	s7 =	sadd.s32 $0x9, s19;
	v51 =	vor.u32 s6, v2;
	v53 =	vor.u32 v0, v40;
	v54 =	vor.u32 v0, v36;
	v52 =	vld.idx.msk [tilespmem:v44+s3+$0x0], $0xffff  }
0x1bb: {  	s8 =	sadd.s32 $0x8, s19;
	v56 =	vor.u32 v0, v37;
	v36 =	vor.u32 s7, v2;
	v28 =	vor.u32 v0, v38;
	v55 =	vld.idx.msk [tilespmem:v45+s3+$0x0], $0xffff  }
0x1bc: {  	s9 =	sadd.s32 $0x7, s19;
	v37 =	vmov s8;
	v38 =	vor.u32 s8, v2;
	v27 =	vor.u32 v0, v43;
	v57 =	vld.idx.msk [tilespmem:v46+s3+$0x0], $0xffff;
	[tilespmem:v41+s12+$0x0] =	vst.idx.msk vm14, v26  }
0x1bd: {  	s8 =	sadd.s32 $0x6, s19;
	v43 =	vmov s7;
	v41 =	vmov s9;
	v26 =	vor.u32 s9, v2;
	v47 =	vld.idx.msk [tilespmem:v47+s3+$0x0], $0xffff;
	[tilespmem:v31+s12+$0x0] =	vst.idx.msk vm13, v24  }
0x1be: {  	s7 =	sadd.s32 $0x5, s19;
	v45 =	vmov s8;
	v31 =	vor.u32 s8, v2;
	v24 =	vmov s6;
	v58 =	vld.idx.msk [tilespmem:v42+s3+$0x0], $0xffff;
	[tilespmem:v39+s12+$0x0] =	vst.idx.msk vm12, v23  }
0x1bf: {  	v44 =	vor.u32 s7, v2;
	v46 =	vmov s7;
	s6 =	sadd.s32 $0x4, s19;
	v23 =	vmov s2;
	v51 =	vld.idx.msk [tilespmem:v51+s3+$0x0], $0xffff;
	[tilespmem:v34+s12+$0x0] =	vst.idx.msk vm11, v22  }
0x1c0: {  	s2 =	sadd.s32 $0x3, s19;
	v59 =	vor.u32 s6, v2;
	v34 =	vmov s6;
	v22 =	vmov s1;
	v60 =	vld.idx.msk [tilespmem:v36+s3+$0x0], $0xffff;
	[tilespmem:v33+s12+$0x0] =	vst.idx.msk vm10, v21;
	v21 =	vmovc v23  }
0x1c1: {  	s1 =	sadd.s32 $0x2, s19;
	v61 =	vmov s2;
	v33 =	vor.u32 s2, v2;
	v23 =	vmov s0;
	v39 =	vld.idx.msk [tilespmem:v38+s3+$0x0], $0xffff;
	[tilespmem:v32+s12+$0x0] =	vst.idx.msk vm9, v18;
	v18 =	vmovc v24  }
0x1c2: {  	s0 =	sadd.s32 $0x1, s19;
	v62 =	vmov s1;
	v38 =	vor.u32 s1, v2;
	v24 =	vmov s21;
	v40 =	vld.idx.msk [tilespmem:v26+s3+$0x0], $0xffff;
	[tilespmem:v35+s12+$0x0] =	vst.idx.msk vm8, v15;
	v15 =	vmovc v43  }
0x1c3: {  	v36 =	vmov s0;
	v35 =	vor.u32 s0, v2;
	v26 =	vmov s20;
	v42 =	vld.idx.msk [tilespmem:v31+s3+$0x0], $0xffff;
	[tilespmem:v29+s12+$0x0] =	vst.idx.msk vm7, v12;
	v12 =	vmovc v37  }
0x1c4: {  	vm8 =	vlt.s32 v30, $0x0;
	v29 =	vmov s19;
	v37 =	vshra.s32 v30, $0x18;
	v43 =	vld.idx.msk [tilespmem:v44+s3+$0x0], $0xffff;
	[tilespmem:v48+s12+$0x0] =	vst.idx.msk vm3, v13;
	v13 =	vmovc v41  }
.Ltmp10:
0x1c5: {  	vm7 =	vlt.s32 v55, $0x0;
	v31 =	vshra.s32 v52, $0x18;
	vm3 =	vlt.s32 v52, $0x0;
	v44 =	vld.idx.msk [tilespmem:v59+s3+$0x0], $0xffff;
	[tilespmem:v50+s12+$0x0] =	vst.idx.msk vm6, v14;
	v14 =	vmovc v45;
	(pc) =	sbr.rel @p0 .LBB2_37-.Ltmp10, $4  }
0x1c6: {  	v32 =	vshra.s32 v55, $0x18;
	vm9 =	vlt.s32 v47, $0x0;
	vm6 =	vlt.s32 v57, $0x0;
	v45 =	vld.idx.msk [tilespmem:v33+s3+$0x0], $0xffff;
	[tilespmem:v49+s12+$0x0] =	vst.idx.msk vm5, v16;
	v16 =	vmovc v46  }
0x1c7: {  	vm5 =	vlt.s32 v58, $0x0;
	v33 =	vshra.s32 v57, $0x18;
	v46 =	vld.idx.msk [tilespmem:v38+s3+$0x0], $0xffff;
	v38 =	vshra.s32 v47, $0x18;
	[tilespmem:v54+s12+$0x0] =	vst.idx.msk vm4, v17;
	v17 =	vmovc v34  }
0x1c8: {  	vm10 =	vlt.s32 v51, $0x0;
	vm4 =	vlt.s32 v60, $0x0;
	v34 =	vshra.s32 v58, $0x18;
	v47 =	vld.idx.msk [tilespmem:v35+s3+$0x0], $0xffff;
	[tilespmem:v53+s12+$0x0] =	vst.idx.msk vm2, v19;
	v19 =	vmovc v61  }
0x1c9: {  	s19 =	sadd.s32 $0x10, s19;
	v41 =	vshra.s32 v51, $0x18;
	vm2 =	vlt.s32 v39, $0x0;
	v35 =	vshra.s32 v60, $0x18;
	[tilespmem:v56+s12+$0x0] =	vst.idx.msk vm1, v20;
	v20 =	vmovc v62  }
0x1ca: {  	vm11 =	vlt.s32 v42, $0x0;
	vm12 =	vlt.s32 v40, $0x0;
	v30 =	vshra.s32 v39, $0x18  }
0x1cb: {  	vm1 =	vlt.s32 v43, $0x0;
	v39 =	vshra.s32 v42, $0x18;
	v40 =	vshra.s32 v40, $0x18  }
0x1cc: {  	vm15 =	vlt.s32 v44, $0x0;
	v42 =	vshra.s32 v43, $0x18;
	v44 =	vshra.s32 v44, $0x18  }
0x1cd: {  	v59 =	vxor.u32 $0x7F, v37;
	v61 =	vxor.u32 $0x7F, v32;
	v48 =	vxor.u32 $0x7F, v31  }
0x1ce: {  	v49 =	vxor.u32 $0x7F, v34;
	v50 =	vxor.u32 $0x7F, v38;
	v51 =	vxor.u32 $0x7F, v33  }
0x1cf: {  	v53 =	vxor.u32 $0x7F, v35;
	v54 =	vxor.u32 $0x7F, v41;
	vm14 =	vlt.s32 v45, $0x0  }
0x1d0: {  	v43 =	vshra.s32 v45, $0x18;
	v37 =	vsel vm8, v59, v37;
	v52 =	vxor.u32 $0x7F, v30  }
0x1d1: {  	v55 =	vxor.u32 $0x7F, v42;
	v56 =	vxor.u32 $0x7F, v39;
	v57 =	vxor.u32 $0x7F, v40  }
0x1d2: {  	v38 =	vsel vm9, v50, v38;
	v62 =	vxor.u32 $0x7F, v44;
	v33 =	vsel vm6, v51, v33  }
0x1d3: {  	v32 =	vsel vm7, v61, v32;
	v35 =	vsel vm4, v53, v35;
	v41 =	vsel vm10, v54, v41  }
0x1d4: {  	v34 =	vsel vm5, v49, v34;
	v31 =	vsel vm3, v48, v31;
	vm13 =	vlt.s32 v46, $0x0  }
0x1d5: {  	v45 =	vshra.s32 v46, $0x18;
	v59 =	vxor.u32 $0x7F, v43;
	v39 =	vsel vm11, v56, v39  }
0x1d6: {  	v40 =	vsel vm12, v57, v40;
	v30 =	vsel vm2, v52, v30;
	v44 =	vsel vm15, v62, v44  }
0x1d7: {  	v42 =	vsel vm1, v55, v42;
	v37 =	vadd.s32 $0x80, v37;
	v33 =	vadd.s32 $0x80, v33  }
0x1d8: {  	v32 =	vadd.s32 $0x80, v32;
	v41 =	vadd.s32 $0x80, v41;
	v34 =	vadd.s32 $0x80, v34  }
0x1d9: {  	v38 =	vadd.s32 $0x80, v38;
	v35 =	vadd.s32 $0x80, v35;
	v31 =	vadd.s32 $0x80, v31  }
0x1da: {  	vm8 =	vlt.s32 v47, $0x0;
	v60 =	vshra.s32 v47, $0x18;
	v58 =	vxor.u32 $0x7F, v45  }
0x1db: {  	v43 =	vsel vm14, v59, v43;
	v40 =	vadd.s32 $0x80, v40;
	v30 =	vadd.s32 $0x80, v30  }
0x1dc: {  	v44 =	vadd.s32 $0x80, v44;
	v42 =	vadd.s32 $0x80, v42;
	v39 =	vadd.s32 $0x80, v39  }
0x1dd: {  	vm9 =	veq.s32 v37, v7;
	vm11 =	veq.s32 v35, v7;
	vm12 =	veq.s32 v41, v7  }
0x1de: {  	vm15 =	veq.s32 v33, v7;
	vm1 =	veq.s32 v32, v7;
	vm3 =	veq.s32 v31, v7  }
0x1df: {  	v63 =	vxor.u32 $0x7F, v60;
	v45 =	vsel vm13, v58, v45;
	v43 =	vadd.s32 $0x80, v43  }
0x1e0: {  	v59 =	vsel vm9, $0x1, v1;
	vm5 =	veq.s32 v44, v7;
	v46 =	vsel vm8, v63, v60  }
0x1e1: {  	vm6 =	veq.s32 v42, v7;
	v60 =	vimm.s32 $0x0;
	v58 =	vadd.s32 $0x80, v46  }
0x1e2: {  	v61 =	vadd.s32 $0x80, v45;
	v25 =	vadd.s32 v59, v25;
	vm14 =	veq.s32 v58, v7  }
0x1e3: {  	vm2 =	veq.s32 v61, v7;
	v37 =	vsel vm14, $0xFFFFFFFF, v60;
	v62 =	vsel vm14, $0x1, v1  }
0x1e4: {  	vm4 =	veq.s32 v43, v7;
	v63 =	vsel vm2, $0x1, v1;
	[tilespmem:$0x1FFF0] =	vst v37;
	v37 =	vadd.s32 v62, v25  }
0x1e5: {  	vm7 =	veq.s32 v39, v7;
	v49 =	vsel vm4, $0x1, v1;
	v43 =	vadd.s32 v63, v37  }
0x1e6: {  	vm10 =	veq.s32 v30, v7;
	v50 =	vsel vm5, $0x1, v1;
	v44 =	vadd.s32 v49, v43  }
0x1e7: {  	v55 =	vsel vm11, $0x1, v1;
	v51 =	vsel vm6, $0x1, v1;
	v42 =	vadd.s32 v50, v44  }
0x1e8: {  	v52 =	vsel vm7, $0x1, v1;
	vm8 =	veq.s32 v40, v7;
	v39 =	vadd.s32 v51, v42  }
0x1e9: {  	v57 =	vsel vm12, $0x1, v1;
	v53 =	vsel vm8, $0x1, v1;
	v40 =	vadd.s32 v52, v39  }
0x1ea: {  	vm13 =	veq.s32 v34, v7;
	v54 =	vsel vm10, $0x1, v1;
	v30 =	vadd.s32 v53, v40  }
0x1eb: {  	v59 =	vsel vm13, $0x1, v1;
	vm14 =	veq.s32 v38, v7;
	v35 =	vadd.s32 v54, v30  }
0x1ec: {  	v61 =	vsel vm14, $0x1, v1;
	v56 =	vadd.s32 v55, v35;
	v55 =	vshll.u32 v35, $0x4  }
0x1ed: {  	[tilespmem:v27+s12+$0x0] =	vst.idx.msk vm9, v29;
	v58 =	vadd.s32 v57, v56;
	v54 =	vshll.u32 v56, $0x4;
	v29 =	vor.u32 v0, v55  }
0x1ee: {  	v63 =	vsel vm15, $0x1, v1;
	[tilespmem:v28+s12+$0x0] =	vst.idx.msk vm0, v11;
	v11 =	vshll.u32 v58, $0x4;
	v27 =	vor.u32 v0, v54  }
0x1ef: {  	v60 =	vadd.s32 v59, v58;
	v59 =	vshll.u32 v42, $0x4;
	v11 =	vor.u32 v0, v11  }
0x1f0: {  	v62 =	vadd.s32 v61, v60;
	v38 =	vshll.u32 v60, $0x4;
	v60 =	vor.u32 v0, v59  }
0x1f1: {  	v49 =	vadd.s32 v63, v62;
	v33 =	vshll.u32 v62, $0x4;
	v53 =	vor.u32 v0, v38  }
0x1f2: {  	v50 =	vsel vm1, $0x1, v1;
	v51 =	vshll.u32 v49, $0x4;
	v33 =	vor.u32 v0, v33;
	[tilespmem:v29+s12+$0x0] =	vst.idx.msk vm11, v15  }
0x1f3: {  	v62 =	vshll.u32 v37, $0x4;
	v45 =	vadd.s32 v50, v49;
	v31 =	vor.u32 v0, v51;
	[tilespmem:v27+s12+$0x0] =	vst.idx.msk vm12, v18  }
0x1f4: {  	v45 =	vshll.u32 v45, $0x4;
	v15 =	vor.u32 v0, v62;
	[tilespmem:v11+s12+$0x0] =	vst.idx.msk vm13, v21  }
0x1f5: {  	v61 =	vshll.u32 v43, $0x4;
	v52 =	vor.u32 v0, v45;
	[tilespmem:v60+s12+$0x0] =	vst.idx.msk vm6, v16  }
0x1f6: {  	v18 =	vor.u32 v0, v61;
	v11 =	vshll.u32 v44, $0x4;
	[tilespmem:v53+s12+$0x0] =	vst.idx.msk vm14, v22  }
0x1f7: {  	v58 =	vshll.u32 v39, $0x4;
	v11 =	vor.u32 v0, v11;
	[tilespmem:v33+s12+$0x0] =	vst.idx.msk vm15, v23  }
0x1f8: {  	v57 =	vshll.u32 v40, $0x4;
	v23 =	vor.u32 v0, v58;
	[tilespmem:v31+s12+$0x0] =	vst.idx.msk vm1, v24  }
0x1f9: {  	v56 =	vshll.u32 v30, $0x4;
	v24 =	vor.u32 v0, v57;
	[tilespmem:v15+s12+$0x0] =	vst.idx.msk vm2, v20  }
0x1fa: {  	[tilespmem:v52+s12+$0x0] =	vst.idx.msk vm3, v26;
	v26 =	vor.u32 v0, v56  }
0x1fb: {  	[tilespmem:v18+s12+$0x0] =	vst.idx.msk vm4, v19  }
0x1fc: {  	[tilespmem:v11+s12+$0x0] =	vst.idx.msk vm5, v17  }
0x1fd: {  	[tilespmem:v23+s12+$0x0] =	vst.idx.msk vm7, v14  }
0x1fe: {  	[tilespmem:v24+s12+$0x0] =	vst.idx.msk vm8, v13  }
0x1ff: {  	[tilespmem:v26+s12+$0x0] =	vst.idx.msk vm10, v12  }
0x200: {  	v11 =	vld [tilespmem:$0x1FFF0];
	_ =	sdelay $0x4  }
0x201: {  	v63 =	vshll.u32 v25, $0x4;
	vm15 =	vnez.u8 v11  }
0x202: {  	v12 =	vor.u32 v0, v63;
	_ =	sdelay $0x4  }
0x203: {  	[tilespmem:v12+s12+$0x0] =	vst.idx.msk vm15, v36  }
.LBB2_39:
0x204: {  	s0 =	simm.s32 $0x101C0  }
0x205: {  	[tilespmem:s0+$0xFFFFFFC0] =	vst v1  }
0x206: {  	[tilespmem:s0+$0x30] =	vst v1  }
0x207: {  	[tilespmem:s0+$0x20] =	vst v1  }
0x208: {  	[tilespmem:s0+$0x10] =	vst v1  }
0x209: {  	[tilespmem:s0+$0x0] =	vst v1  }
0x20a: {  	[tilespmem:s0+$0xFFFFFFF0] =	vst v1  }
0x20b: {  	s1 =	simm.s32 $0x0;
	[tilespmem:s0+$0xFFFFFFE0] =	vst v1  }
.LBB2_40:
0x20c: {  	s1 =	sadd.s32 $0x8, s1;
	[tilespmem:s0+$0xFFFFFFD0] =	vst v1;
	s0 =	sadd.s32 $0x80, s0  }
0x20d: {  	[tilespmem:s0+$0xFFFFFFC0] =	vst v1;
	p0 =	slt.u32 s1, $0xF8  }
0x20e: {  	[tilespmem:s0+$0x30] =	vst v1  }
.Ltmp11:
0x20f: {  	[tilespmem:s0+$0x20] =	vst v1;
	(pc) =	sbr.rel @p0 .LBB2_40-.Ltmp11, $4  }
0x210: {  	[tilespmem:s0+$0x10] =	vst v1  }
0x211: {  	[tilespmem:s0+$0x0] =	vst v1  }
0x212: {  	[tilespmem:s0+$0xFFFFFFF0] =	vst v1  }
0x213: {  	[tilespmem:s0+$0xFFFFFFE0] =	vst v1  }
0x214: {  	s1 =	sshra.s32 s18, $0x1F  }
0x215: {  	s1 =	sshrl.u32 s1, $0x1E  }
0x216: {  	s1 =	sadd.s32 s1, s18  }
0x217: {  	s19 =	sand.u32 $0xFFFFFFFC, s1  }
0x218: {  	p0 =	slt.s32 s19, $0x1  }
.Ltmp12:
0x219: {  	_ = 	snop;
	(pc) =	sbr.rel @p0 .LBB2_44-.Ltmp12, $2  }
0x21a: {  	_ =	sdelay $0x2  }
0x21b: {  	[tilespmem:s0+$0xFFFFFFD0] =	vst v1  }
0x21c: {  	s0 =	simm.s32 $0x30  }
0x21d: {  	s2 =	simm.s32 $0x20;
	v11 =	vor.u32 s0, v0  }
0x21e: {  	s30 =	simm.s32 $0x0;
	v12 =	vor.u32 s2, v0  }
0x21f: {  	v13 =	vor.u32 s30, v0;
	_ =	sdelay $0x2  }
0x220: {  	v11 =	vld.idx.msk [tilespmem:v11+s12+$0x0], $0xffff  }
0x221: {  	s31 =	simm.s32 $0x10;
	v12 =	vld.idx.msk [tilespmem:v12+s12+$0x0], $0xffff  }
0x222: {  	v14 =	vor.u32 s31, v0;
	v13 =	vld.idx.msk [tilespmem:v13+s12+$0x0], $0xffff;
	_ =	sdelay $0x2  }
0x223: {  	v11 =	vadd.s32 v2, v11  }
0x224: {  	v12 =	vadd.s32 v2, v12  }
0x225: {  	p2 =	sgt.s32 s19, $0x4;
	v15 =	vld.idx.msk [tilespmem:v14+s12+$0x0], $0xffff;
	v17 =	vadd.s32 v2, v13  }
.Ltmp13:
0x226: {  	_ = 	snop;
	(pc) =	sbr.rel @!p2 .LBB2_43-.Ltmp13, $4  }
0x227: {  	_ = 	snop  }
0x228: {  	v14 =	vld.idx.msk [tilespmem:v11+s3+$0x0], $0xffff  }
0x229: {  	s1 =	simm.s32 $0x0;
	s20 =	simm.s32 $0x4;
	v13 =	vld.idx.msk [tilespmem:v12+s3+$0x0], $0xffff  }
0x22a: {  	p1 =	por $0x0, $0x0;
	s0 =	simm.s32 $0x1;
	s2 =	simm.s32 $0x70;
	v16 =	vadd.s32 v2, v15;
	v11 =	vld.idx.msk [tilespmem:v17+s3+$0x0], $0xffff  }
0x22b: {  	s6 =	simm.s32 $0x50;
	v12 =	vor.u32 s2, v0  }
0x22c: {  	s7 =	simm.s32 $0x60;
	v15 =	vmov s1;
	s29 =	simm.s32 $0x40;
	v19 =	vmov s0;
	v17 =	vor.u32 s6, v0  }
0x22d: {  	s30 =	simm.s32 $0x3;
	s31 =	simm.s32 $0x2;
	v18 =	vor.u32 s7, v0;
	vm0 =	vlt.s32 v15, v8;
	v15 =	vor.u32 s29, v0  }
0x22e: {  	v20 =	vmov s30;
	vm1 =	vlt.s32 v19, v8;
	v24 =	vmov s31  }
0x22f: {  	v16 =	vld.idx.msk [tilespmem:v16+s3+$0x0], $0xffff;
	v19 =	vshra.s32 v14, $0x10;
	vm2 =	vlt.s32 v14, $0x0;
	v14 =	vshra.s32 v13, $0x10  }
0x230: {  	vm3 =	vlt.s32 v20, v8;
	vm4 =	vlt.s32 v13, $0x0;
	v13 =	vxor.u32 $0x7FFF, v14  }
0x231: {  	vm5 =	vlt.s32 v24, v8;
	v21 =	vxor.u32 $0x7FFF, v19;
	v12 =	vld.idx.msk [tilespmem:v12+s12+$0x0], $0xffff;
	v13 =	vsel vm4, v13, v14  }
0x232: {  	v22 =	vshra.s32 v11, $0x10;
	vm13 =	vlt.s32 v11, $0x0;
	v14 =	vld.idx.msk [tilespmem:v18+s12+$0x0], $0xffff;
	v23 =	vshra.s32 v13, $0x8  }
0x233: {  	v59 =	vxor.u32 $0x7FFF, v22;
	v15 =	vld.idx.msk [tilespmem:v15+s12+$0x0], $0xffff;
	v13 =	vshll.u32 v13, $0x4;
	vm12 =	veq.s32 v23, v10  }
0x234: {  	v18 =	vshra.s32 v16, $0x10;
	v13 =	vor.u32 v0, v13;
	vm4 =	vmand vm5, vm12  }
0x235: {  	vm6 =	vlt.s32 v16, $0x0;
	v17 =	vld.idx.msk [tilespmem:v17+s12+$0x0], $0xffff;
	v60 =	vxor.u32 $0x7FFF, v18;
	v11 =	vand.u32 $0xFFF, v13  }
0x236: {  	v13 =	vsel vm13, v59, v22;
	v16 =	vsel vm6, v60, v18;
	v12 =	vadd.s32 v2, v12  }
0x237: {  	v18 =	vsel vm2, v21, v19;
	v61 =	vshra.s32 v16, $0x8;
	v19 =	vadd.s32 v2, v14  }
0x238: {  	p2 =	sgt.s32 s19, $0x8;
	v62 =	vshll.u32 v16, $0x4;
	vm14 =	veq.s32 v61, v10;
	v15 =	vadd.s32 v2, v15  }
.Ltmp14:
0x239: {  	v63 =	vor.u32 v0, v62;
	v14 =	vshra.s32 v13, $0x8;
	v13 =	vshll.u32 v13, $0x4;
	(pc) =	sbr.rel @!p2 .LBB2_53-.Ltmp14, $4  }
0x23a: {  	v16 =	vadd.s32 v2, v17;
	v17 =	vshra.s32 v18, $0x8;
	v18 =	vshll.u32 v18, $0x4;
	[tilespmem:v11+s11+$0x0] =	vst.idx.add.s32.msk vm4, v4  }
0x23b: {  	vm2 =	veq.s32 v14, v10;
	vm15 =	veq.s32 v17, v10;
	v17 =	vor.u32 v0, v18;
	v14 =	vld.idx.msk [tilespmem:v12+s3+$0x0], $0xffff  }
0x23c: {  	s21 =	simm.s32 $0x8;
	vm2 =	vmand vm0, vm2;
	vm0 =	vmand vm1, vm14;
	v12 =	vor.u32 v0, v13;
	v13 =	vld.idx.msk [tilespmem:v19+s3+$0x0], $0xffff  }
0x23d: {  	s0 =	simm.s32 $0x5;
	s22 =	simm.s32 $0xB0;
	p1 =	por $0x1, $0x1;
	vm1 =	vmand vm3, vm15;
	v11 =	vld.idx.msk [tilespmem:v15+s3+$0x0], $0xffff;
	v15 =	vand.u32 $0xFFF, v12;
	v12 =	vand.u32 $0xFFF, v63  }
.LBB2_54:
0x23e: {  	s1 =	sadd.s32 $0xFFFFFFE0, s22  }
0x23f: {  	s2 =	sadd.s32 $0xFFFFFFF0, s22;
	v18 =	vor.u32 s22, v0;
	v19 =	vmov s20;
	v16 =	vld.idx.msk [tilespmem:v16+s3+$0x0], $0xffff;
	v17 =	vand.u32 $0xFFF, v17;
	s6 =	smov.u32 s21;
	s21 =	sadd.s32 $0x4, s21  }
0x240: {  	s7 =	sadd.s32 $0xFFFFFFD0, s22;
	v20 =	vor.u32 s1, v0;
	v21 =	vor.u32 s2, v0;
	p2 =	slt.s32 s21, s19;
	vm3 =	vlt.s32 v19, v8;
	s1 =	sadd.s32 $0x3, s20  }
0x241: {  	v22 =	vmov s0;
	v19 =	vor.u32 s7, v0;
	v23 =	vmov s1  }
0x242: {  	vm5 =	vlt.s32 v22, v8;
	vm6 =	vlt.s32 v14, $0x0;
	v14 =	vshra.s32 v14, $0x10  }
0x243: {  	v22 =	vshra.s32 v13, $0x10;
	v24 =	vxor.u32 $0x7FFF, v14;
	vm4 =	vlt.s32 v23, v8;
	[tilespmem:v15+s11+$0x0] =	vst.idx.add.s32.msk vm2, v4  }
0x244: {  	vm2 =	vlt.s32 v13, $0x0;
	v13 =	vxor.u32 $0x7FFF, v22;
	v15 =	vld.idx.msk [tilespmem:v18+s12+$0x0], $0xffff;
	v18 =	vshra.s32 v11, $0x10  }
0x245: {  	s0 =	sadd.s32 $0x2, s20;
	s20 =	smov.u32 s6;
	v25 =	vshra.s32 v16, $0x10;
	v13 =	vsel vm2, v13, v22;
	v21 =	vld.idx.msk [tilespmem:v21+s12+$0x0], $0xffff;
	v23 =	vxor.u32 $0x7FFF, v18  }
0x246: {  	v27 =	vmov s0;
	v22 =	vxor.u32 $0x7FFF, v25;
	v26 =	vshra.s32 v13, $0x8;
	v19 =	vld.idx.msk [tilespmem:v19+s12+$0x0], $0xffff  }
0x247: {  	vm7 =	vlt.s32 v27, v8;
	v13 =	vshll.u32 v13, $0x4;
	vm2 =	veq.s32 v26, v10;
	v20 =	vld.idx.msk [tilespmem:v20+s12+$0x0], $0xffff  }
0x248: {  	vm8 =	vlt.s32 v11, $0x0;
	v11 =	vor.u32 v0, v13;
	vm2 =	vmand vm7, vm2;
	[tilespmem:v12+s11+$0x0] =	vst.idx.add.s32.msk vm0, v4  }
0x249: {  	v11 =	vand.u32 $0xFFF, v11;
	v12 =	vsel vm8, v23, v18;
	vm0 =	vlt.s32 v16, $0x0;
	[tilespmem:v17+s11+$0x0] =	vst.idx.add.s32.msk vm1, v4  }
0x24a: {  	v14 =	vsel vm6, v24, v14;
	v13 =	vadd.s32 v2, v15;
	v15 =	vsel vm0, v22, v25  }
0x24b: {  	v18 =	vshra.s32 v12, $0x8;
	v17 =	vadd.s32 v2, v21;
	v21 =	vshra.s32 v15, $0x8  }
0x24c: {  	v12 =	vshll.u32 v12, $0x4;
	v15 =	vshll.u32 v15, $0x4;
	v19 =	vadd.s32 v2, v19  }
.Ltmp15:
0x24d: {  	v22 =	vshll.u32 v14, $0x4;
	v16 =	vadd.s32 v2, v20;
	v20 =	vshra.s32 v14, $0x8;
	(pc) =	sbr.rel @p2 .LBB2_54-.Ltmp15, $4  }
0x24e: {  	vm0 =	veq.s32 v18, v10;
	vm1 =	veq.s32 v21, v10;
	[tilespmem:v11+s11+$0x0] =	vst.idx.add.s32.msk vm2, v4  }
0x24f: {  	v12 =	vor.u32 v0, v12;
	v18 =	vor.u32 v0, v15;
	vm6 =	veq.s32 v20, v10;
	v14 =	vld.idx.msk [tilespmem:v13+s3+$0x0], $0xffff  }
0x250: {  	vm2 =	vmand vm3, vm0;
	vm0 =	vmand vm5, vm1;
	v13 =	vld.idx.msk [tilespmem:v17+s3+$0x0], $0xffff;
	v17 =	vor.u32 v0, v22  }
0x251: {  	s22 =	sadd.s32 $0x40, s22;
	s0 =	sadd.s32 $0x1, s20;
	v15 =	vand.u32 $0xFFF, v12;
	v12 =	vand.u32 $0xFFF, v18;
	vm1 =	vmand vm4, vm6;
	v11 =	vld.idx.msk [tilespmem:v19+s3+$0x0], $0xffff  }
0x252: {  	s1 =	smov.u32 s20  }
.LBB2_56:
0x253: {  	_ =	sdelay $0x1  }
0x254: {  	v18 =	vmov s1;
	v17 =	vand.u32 @p1 $0xFFF, v17;
	s2 =	sadd.s32 $0x3, s1;
	v19 =	vmov s0  }
0x255: {  	s31 =	sadd.s32 $0x2, s1;
	vm3 =	vlt.s32 v18, v8;
	v53 =	vmov s2;
	vm4 =	vlt.s32 v19, v8  }
0x256: {  	v16 =	vld.idx.msk [tilespmem:v16+s3+$0x0], $0xffff;
	vm5 =	vlt.s32 v14, $0x0;
	v54 =	vshra.s32 v14, $0x10;
	v59 =	vmov s31  }
0x257: {  	v55 =	vshra.s32 v13, $0x10;
	v20 =	vxor.u32 $0x7FFF, v54;
	vm6 =	vlt.s32 v13, $0x0  }
0x258: {  	vm7 =	vlt.s32 v59, v8;
	vm8 =	vlt.s32 v53, v8;
	v56 =	vxor.u32 $0x7FFF, v55  }
0x259: {  	v21 =	vshra.s32 v11, $0x10;
	vm13 =	vlt.s32 v11, $0x0;
	v14 =	vsel vm5, v20, v54  }
0x25a: {  	v13 =	vsel vm6, v56, v55;
	v57 =	vxor.u32 $0x7FFF, v21;
	v20 =	vshra.s32 v14, $0x8  }
0x25b: {  	v14 =	vshll.u32 v14, $0x4;
	v22 =	vshra.s32 v16, $0x10;
	v11 =	vsel vm13, v57, v21  }
0x25c: {  	v58 =	vshra.s32 v13, $0x8;
	v13 =	vshll.u32 v13, $0x4;
	vm15 =	vlt.s32 v16, $0x0  }
0x25d: {  	v14 =	vor.u32 v0, v14;
	v23 =	vxor.u32 $0x7FFF, v22;
	vm14 =	veq.s32 v58, v10  }
0x25e: {  	v13 =	vor.u32 v0, v13;
	v60 =	vshra.s32 v11, $0x8;
	v11 =	vshll.u32 v11, $0x4  }
0x25f: {  	vm6 =	vmand vm7, vm14;
	v13 =	vand.u32 $0xFFF, v13;
	v16 =	vsel vm15, v23, v22  }
0x260: {  	vm12 =	veq.s32 v60, v10;
	v11 =	vor.u32 v0, v11;
	vm14 =	veq.s32 v20, v10  }
0x261: {  	v61 =	vshra.s32 v16, $0x8;
	v16 =	vshll.u32 v16, $0x4;
	vm3 =	vmand vm3, vm12  }
0x262: {  	v11 =	vand.u32 $0xFFF, v11;
	vm15 =	vmand vm8, vm14;
	vm13 =	veq.s32 v61, v10  }
0x263: {  	[tilespmem:v15+s11+$0x0] =	vst.idx.add.s32.msk @p1 vm2, v4;
	v63 =	vand.u32 $0xFFF, v14;
	v16 =	vor.u32 v0, v16;
	vm4 =	vmand vm4, vm13  }
0x264: {  	[tilespmem:v12+s11+$0x0] =	vst.idx.add.s32.msk @p1 vm0, v4;
	v62 =	vand.u32 $0xFFF, v16  }
0x265: {  	[tilespmem:v17+s11+$0x0] =	vst.idx.add.s32.msk @p1 vm1, v4  }
0x266: {  	[tilespmem:v13+s11+$0x0] =	vst.idx.add.s32.msk vm6, v4  }
0x267: {  	[tilespmem:v11+s11+$0x0] =	vst.idx.add.s32.msk vm3, v4  }
0x268: {  	[tilespmem:v63+s11+$0x0] =	vst.idx.add.s32.msk vm15, v4  }
0x269: {  	[tilespmem:v62+s11+$0x0] =	vst.idx.add.s32.msk vm4, v4  }
.LBB2_44:
0x26a: {  	p1 =	slt.s32 s19, s18  }
.Ltmp16:
0x26b: {  	_ = 	snop;
	(pc) =	sbr.rel @!p1 .LBB2_45-.Ltmp16, $3  }
0x26c: {  	_ =	sdelay $0x1  }
0x26d: {  	s22 =	ssub.s32 s18, s19  }
0x26e: {  	s21 =	sshll.u32 s19, $0x4;
	s20 =	ssub.s32 $0x0, s22  }
0x26f: {  	s0 =	ssub.s32 $0x0, s22;
	s1 =	sshll.u32 s19, $0x4  }
.LBB2_58:
0x270: {  	v11 =	vor.u32 s1, v0;
	_ =	sdelay $0x4  }
0x271: {  	v11 =	vld.idx.msk [tilespmem:v11+s12+$0x0], $0xffff;
	_ =	sdelay $0x4  }
0x272: {  	v11 =	vadd.s32 v2, v11;
	_ =	sdelay $0x4  }
0x273: {  	v11 =	vld.idx.msk [tilespmem:v11+s3+$0x0], $0xffff;
	_ =	sdelay $0x4  }
0x274: {  	v12 =	vshra.s32 v11, $0x10  }
0x275: {  	vm0 =	vlt.s32 v11, $0x0;
	v11 =	vxor.u32 $0x7FFF, v12  }
0x276: {  	s2 =	sadd.s32 s0, s18;
	v11 =	vsel vm0, v11, v12  }
0x277: {  	v13 =	vmov s2;
	v12 =	vshra.s32 v11, $0x8  }
0x278: {  	vm1 =	vlt.s32 v13, v8;
	v11 =	vshll.u32 v11, $0x4;
	vm15 =	veq.s32 v12, v10  }
0x279: {  	s0 =	sadd.s32 $0x1, s0;
	v11 =	vor.u32 v0, v11;
	vm0 =	vmand vm1, vm15  }
0x27a: {  	p2 =	seq.s32 s0, $0x0;
	v11 =	vand.u32 $0xFFF, v11  }
.Ltmp17:
0x27b: {  	_ = 	snop;
	(pc) =	sbr.rel @!p2 .LBB2_58-.Ltmp17, $2  }
0x27c: {  	_ =	sdelay $0x2  }
0x27d: {  	s1 =	sadd.s32 $0x10, s1;
	[tilespmem:v11+s11+$0x0] =	vst.idx.add.s32.msk vm0, v4  }
.LBB2_45:
0x27e: {  	s0 =	simm.s32 $0x11170  }
0x27f: {  	v11 =	vld [tilespmem:s0+$0x0]  }
0x280: {  	v12 =	vld [tilespmem:s0+$0xFFFFFFF0];
	_ =	sdelay $0x1  }
0x281: {  	v13 =	vld [tilespmem:s0+$0xFFFFFFE0]  }
0x282: {  	v15 =	vimm.s32 $0x0;
	v14 =	vld [tilespmem:s0+$0xFFFFFFD0]  }
0x283: {  	s1 =	simm.s32 $0x11130;
	v19 =	vadd.s32 v15, v11  }
0x284: {  	vm0 =	vlt.s32 v15, v9;
	v16 =	vld [tilespmem:s1+$0x0];
	vm1 =	vge.s32 v19, v9;
	v12 =	vadd.s32 v12, v19  }
0x285: {  	v17 =	vld [tilespmem:s1+$0xFFFFFFF0];
	vm2 =	vlt.s32 v19, v9;
	vm1 =	vmand vm0, vm1;
	vm0 =	vge.s32 v12, v9  }
0x286: {  	v20 =	vld [tilespmem:s1+$0xFFFFFFE0];
	v11 =	vadd.s32 v13, v12;
	vm0 =	vmand vm2, vm0;
	vm2 =	vlt.s32 v12, v9  }
0x287: {  	s23 =	simm.s32 $0xFF;
	vm4 =	vge.s32 v11, v9;
	v14 =	vadd.s32 v14, v11;
	vm3 =	vlt.s32 v11, v9  }
0x288: {  	v21 =	vsel vm1, v15, v15;
	v18 =	vsel vm1, s23, v15;
	vm6 =	vlt.s32 v14, v9  }
0x289: {  	vm5 =	vge.s32 v14, v9;
	v13 =	vadd.s32 v14, v16;
	v19 =	vsel vm0, v19, v21  }
0x28a: {  	s7 =	simm.s32 $0xFE;
	s6 =	simm.s32 $0xFD;
	vm1 =	vmand vm3, vm5;
	vm3 =	vge.s32 v13, v9;
	v16 =	vadd.s32 v17, v13;
	v17 =	vld [tilespmem:s1+$0xFFFFFFD0]  }
0x28b: {  	s2 =	simm.s32 $0x110F0;
	s0 =	simm.s32 $0x4;
	vm5 =	vlt.s32 v13, v9;
	s1 =	simm.s32 $0xFF;
	vm3 =	vmand vm6, vm3;
	v15 =	vadd.s32 v20, v16  }
.LBB2_46:
0x28c: {  	v20 =	vld [tilespmem:s2+$0x0];
	s0 =	sadd.s32 $0x4, s0;
	vm6 =	vge.s32 v16, v9;
	v18 =	vsel vm0, s7, v18;
	vm2 =	vmand vm2, vm4;
	s23 =	sadd.s32 $0xFFFFFFFC, s23  }
0x28d: {  	v21 =	vld [tilespmem:s2+$0xFFFFFFF0];
	p2 =	slt.u32 s0, $0xFC;
	vm0 =	vmand vm5, vm6;
	v18 =	vsel vm2, s6, v18;
	v19 =	vsel vm2, v12, v19;
	s6 =	sadd.s32 $0xFFFFFFFD, s1;
	v12 =	vmovc v16;
	s1 =	smov.u32 s23  }
0x28e: {  	vm4 =	vge.s32 v15, v9;
	v22 =	vld [tilespmem:s2+$0xFFFFFFE0];
	vm2 =	vlt.s32 v12, v9;
	v16 =	vsel vm1, s6, v18  }
.Ltmp18:
0x28f: {  	vm5 =	vlt.s32 v15, v9;
	v18 =	vsel vm1, v11, v19;
	v11 =	vmovc v15;
	v17 =	vadd.s32 v17, v15;
	(pc) =	sbr.rel @p2 .LBB2_46-.Ltmp18, $4  }
0x290: {  	v19 =	vsel vm3, v14, v18;
	vm6 =	vlt.s32 v17, v9;
	vm1 =	vge.s32 v17, v9;
	v14 =	vmovc v17  }
0x291: {  	v18 =	vsel vm3, s23, v16;
	v20 =	vadd.s32 v17, v20;
	vm1 =	vmand vm5, vm1  }
0x292: {  	s7 =	sadd.s32 $0xFFFFFFFF, s23;
	s6 =	sadd.s32 $0xFFFFFFFE, s23;
	vm3 =	vge.s32 v20, v9;
	v16 =	vadd.s32 v21, v20;
	vm5 =	vlt.s32 v20, v9;
	v17 =	vld [tilespmem:s2+$0xFFFFFFD0]  }
0x293: {  	v19 =	vsel vm0, v13, v19;
	s2 =	sadd.s32 $0xFFFFFFC0, s2;
	v13 =	vmovc v20;
	vm3 =	vmand vm6, vm3;
	v15 =	vadd.s32 v22, v16  }
0x294: {  	v18 =	vsel vm0, s7, v18;
	vm10 =	vmand vm2, vm4  }
0x295: {  	s0 =	sadd.s32 $0xFFFFFFFD, s1;
	v18 =	vsel vm10, s6, v18  }
0x296: {  	v18 =	vsel vm1, s0, v18;
	s0 =	simm.s32 $0x101C0  }
0x297: {  	vm6 =	vge.s32 v16, v9;
	vm12 =	vlt.s32 v16, v9;
	[tilespmem:s0+$0xFFFFFFC0] =	vst v1  }
0x298: {  	vm13 =	vge.s32 v15, v9;
	vm14 =	vlt.s32 v15, v9;
	v12 =	vsel vm10, v12, v19;
	[tilespmem:s0+$0x30] =	vst v1  }
0x299: {  	s29 =	sadd.s32 $0xFFFFFFFC, s23;
	vm11 =	vmand vm5, vm6;
	vm0 =	vmand vm12, vm13;
	v11 =	vsel vm1, v11, v12;
	[tilespmem:s0+$0x20] =	vst v1  }
0x29a: {  	s30 =	sadd.s32 $0xFFFFFFFF, s29;
	v17 =	vadd.s32 v17, v15;
	v11 =	vsel vm3, v14, v11;
	v12 =	vsel vm3, s29, v18;
	[tilespmem:s0+$0x10] =	vst v1  }
0x29b: {  	s2 =	sadd.s32 $0xFFFFFFFE, s29;
	[tilespmem:s0+$0x0] =	vst v1;
	vm15 =	vge.s32 v17, v9;
	v11 =	vsel vm11, v13, v11;
	v12 =	vsel vm11, s30, v12  }
0x29c: {  	s31 =	sadd.s32 $0xFFFFFFFD, s29;
	[tilespmem:s0+$0xFFFFFFF0] =	vst v1;
	vm1 =	vmand vm14, vm15;
	v12 =	vsel vm0, s2, v12;
	v11 =	vsel vm0, v16, v11  }
0x29d: {  	s1 =	simm.s32 $0x0;
	[tilespmem:s0+$0xFFFFFFE0] =	vst v1;
	v12 =	vsel vm1, s31, v12;
	v11 =	vsel vm1, v15, v11  }
.LBB2_48:
0x29e: {  	s1 =	sadd.s32 $0x8, s1;
	[tilespmem:s0+$0xFFFFFFD0] =	vst v1;
	s0 =	sadd.s32 $0x80, s0  }
0x29f: {  	[tilespmem:s0+$0xFFFFFFC0] =	vst v1;
	p2 =	slt.u32 s1, $0xF8  }
0x2a0: {  	[tilespmem:s0+$0x30] =	vst v1  }
.Ltmp19:
0x2a1: {  	[tilespmem:s0+$0x20] =	vst v1;
	(pc) =	sbr.rel @p2 .LBB2_48-.Ltmp19, $4  }
0x2a2: {  	[tilespmem:s0+$0x10] =	vst v1  }
0x2a3: {  	[tilespmem:s0+$0x0] =	vst v1  }
0x2a4: {  	[tilespmem:s0+$0xFFFFFFF0] =	vst v1  }
0x2a5: {  	[tilespmem:s0+$0xFFFFFFE0] =	vst v1  }
.Ltmp20:
0x2a6: {  	(pc) =	sbr.rel @p0 .LBB2_59-.Ltmp20, $3  }
0x2a7: {  	_ =	sdelay $0x1  }
0x2a8: {  	v10 =	vshll.u32 v10, $0x8  }
0x2a9: {  	[tilespmem:s0+$0xFFFFFFD0] =	vst v1;
	v10 =	vor.u32 v10, v12  }
0x2aa: {  	s0 =	simm.s32 $0x30  }
0x2ab: {  	s2 =	simm.s32 $0x20;
	v12 =	vor.u32 s0, v0  }
0x2ac: {  	s30 =	simm.s32 $0x0;
	v13 =	vor.u32 s2, v0  }
0x2ad: {  	v14 =	vor.u32 s30, v0;
	_ =	sdelay $0x2  }
0x2ae: {  	v12 =	vld.idx.msk [tilespmem:v12+s12+$0x0], $0xffff  }
0x2af: {  	s31 =	simm.s32 $0x10;
	v13 =	vld.idx.msk [tilespmem:v13+s12+$0x0], $0xffff  }
0x2b0: {  	v15 =	vor.u32 s31, v0;
	v14 =	vld.idx.msk [tilespmem:v14+s12+$0x0], $0xffff;
	_ =	sdelay $0x2  }
0x2b1: {  	v12 =	vadd.s32 v2, v12  }
0x2b2: {  	v13 =	vadd.s32 v2, v13  }
0x2b3: {  	p3 =	sgt.s32 s19, $0x4;
	v16 =	vld.idx.msk [tilespmem:v15+s12+$0x0], $0xffff;
	v18 =	vadd.s32 v2, v14  }
.Ltmp21:
0x2b4: {  	_ = 	snop;
	(pc) =	sbr.rel @!p3 .LBB2_51-.Ltmp21, $4  }
0x2b5: {  	_ = 	snop  }
0x2b6: {  	v15 =	vld.idx.msk [tilespmem:v12+s3+$0x0], $0xffff  }
0x2b7: {  	s1 =	simm.s32 $0x0;
	s23 =	simm.s32 $0x4;
	v14 =	vld.idx.msk [tilespmem:v13+s3+$0x0], $0xffff  }
0x2b8: {  	p2 =	por $0x0, $0x0;
	s0 =	simm.s32 $0x1;
	s2 =	simm.s32 $0x70;
	v17 =	vadd.s32 v2, v16;
	v12 =	vld.idx.msk [tilespmem:v18+s3+$0x0], $0xffff  }
0x2b9: {  	s6 =	simm.s32 $0x50;
	v13 =	vor.u32 s2, v0  }
0x2ba: {  	s7 =	simm.s32 $0x60;
	v16 =	vmov s1;
	s29 =	simm.s32 $0x40;
	v20 =	vmov s0;
	v18 =	vor.u32 s6, v0  }
0x2bb: {  	s30 =	simm.s32 $0x3;
	s31 =	simm.s32 $0x2;
	v19 =	vor.u32 s7, v0;
	vm0 =	vlt.s32 v16, v8;
	v16 =	vor.u32 s29, v0  }
0x2bc: {  	v21 =	vmov s30;
	vm1 =	vlt.s32 v20, v8;
	v25 =	vmov s31  }
0x2bd: {  	v17 =	vld.idx.msk [tilespmem:v17+s3+$0x0], $0xffff;
	v20 =	vshra.s32 v15, $0x8;
	vm2 =	vlt.s32 v15, $0x0;
	v15 =	vshra.s32 v14, $0x8  }
0x2be: {  	vm3 =	vlt.s32 v21, v8;
	vm4 =	vlt.s32 v14, $0x0;
	v14 =	vxor.u32 $0x7FFFFF, v15  }
0x2bf: {  	vm5 =	vlt.s32 v25, v8;
	v22 =	vxor.u32 $0x7FFFFF, v20;
	v13 =	vld.idx.msk [tilespmem:v13+s12+$0x0], $0xffff;
	v14 =	vsel vm4, v14, v15  }
0x2c0: {  	v23 =	vshra.s32 v12, $0x8;
	vm13 =	vlt.s32 v12, $0x0;
	v15 =	vld.idx.msk [tilespmem:v19+s12+$0x0], $0xffff;
	v24 =	vshra.s32 v14, $0x8  }
0x2c1: {  	v59 =	vxor.u32 $0x7FFFFF, v23;
	v16 =	vld.idx.msk [tilespmem:v16+s12+$0x0], $0xffff;
	v14 =	vshll.u32 v14, $0x4;
	vm12 =	veq.s32 v24, v10  }
0x2c2: {  	v19 =	vshra.s32 v17, $0x8;
	v14 =	vor.u32 v0, v14;
	vm4 =	vmand vm5, vm12  }
0x2c3: {  	vm6 =	vlt.s32 v17, $0x0;
	v18 =	vld.idx.msk [tilespmem:v18+s12+$0x0], $0xffff;
	v60 =	vxor.u32 $0x7FFFFF, v19;
	v12 =	vand.u32 $0xFFF, v14  }
0x2c4: {  	v14 =	vsel vm13, v59, v23;
	v17 =	vsel vm6, v60, v19;
	v13 =	vadd.s32 v2, v13  }
0x2c5: {  	v19 =	vsel vm2, v22, v20;
	v61 =	vshra.s32 v17, $0x8;
	v20 =	vadd.s32 v2, v15  }
0x2c6: {  	p3 =	sgt.s32 s19, $0x8;
	v62 =	vshll.u32 v17, $0x4;
	vm14 =	veq.s32 v61, v10;
	v16 =	vadd.s32 v2, v16  }
.Ltmp22:
0x2c7: {  	v63 =	vor.u32 v0, v62;
	v15 =	vshra.s32 v14, $0x8;
	v14 =	vshll.u32 v14, $0x4;
	(pc) =	sbr.rel @!p3 .LBB2_68-.Ltmp22, $4  }
0x2c8: {  	v17 =	vadd.s32 v2, v18;
	v18 =	vshra.s32 v19, $0x8;
	v19 =	vshll.u32 v19, $0x4;
	[tilespmem:v12+s11+$0x0] =	vst.idx.add.s32.msk vm4, v4  }
0x2c9: {  	vm2 =	veq.s32 v15, v10;
	vm15 =	veq.s32 v18, v10;
	v18 =	vor.u32 v0, v19;
	v15 =	vld.idx.msk [tilespmem:v13+s3+$0x0], $0xffff  }
0x2ca: {  	s24 =	simm.s32 $0x8;
	vm2 =	vmand vm0, vm2;
	vm0 =	vmand vm1, vm14;
	v13 =	vor.u32 v0, v14;
	v14 =	vld.idx.msk [tilespmem:v20+s3+$0x0], $0xffff  }
0x2cb: {  	s0 =	simm.s32 $0x5;
	s25 =	simm.s32 $0xB0;
	p2 =	por $0x1, $0x1;
	vm1 =	vmand vm3, vm15;
	v12 =	vld.idx.msk [tilespmem:v16+s3+$0x0], $0xffff;
	v16 =	vand.u32 $0xFFF, v13;
	v13 =	vand.u32 $0xFFF, v63  }
.LBB2_69:
0x2cc: {  	s1 =	sadd.s32 $0xFFFFFFE0, s25  }
0x2cd: {  	s2 =	sadd.s32 $0xFFFFFFF0, s25;
	v19 =	vor.u32 s25, v0;
	v20 =	vmov s23;
	v17 =	vld.idx.msk [tilespmem:v17+s3+$0x0], $0xffff;
	v18 =	vand.u32 $0xFFF, v18;
	s6 =	smov.u32 s24;
	s24 =	sadd.s32 $0x4, s24  }
0x2ce: {  	s7 =	sadd.s32 $0xFFFFFFD0, s25;
	v21 =	vor.u32 s1, v0;
	v22 =	vor.u32 s2, v0;
	p3 =	slt.s32 s24, s19;
	vm3 =	vlt.s32 v20, v8;
	s1 =	sadd.s32 $0x3, s23  }
0x2cf: {  	v23 =	vmov s0;
	v20 =	vor.u32 s7, v0;
	v24 =	vmov s1  }
0x2d0: {  	vm5 =	vlt.s32 v23, v8;
	vm6 =	vlt.s32 v15, $0x0;
	v15 =	vshra.s32 v15, $0x8  }
0x2d1: {  	v23 =	vshra.s32 v14, $0x8;
	v25 =	vxor.u32 $0x7FFFFF, v15;
	vm4 =	vlt.s32 v24, v8;
	[tilespmem:v16+s11+$0x0] =	vst.idx.add.s32.msk vm2, v4  }
0x2d2: {  	vm2 =	vlt.s32 v14, $0x0;
	v14 =	vxor.u32 $0x7FFFFF, v23;
	v16 =	vld.idx.msk [tilespmem:v19+s12+$0x0], $0xffff;
	v19 =	vshra.s32 v12, $0x8  }
0x2d3: {  	s0 =	sadd.s32 $0x2, s23;
	s23 =	smov.u32 s6;
	v26 =	vshra.s32 v17, $0x8;
	v14 =	vsel vm2, v14, v23;
	v22 =	vld.idx.msk [tilespmem:v22+s12+$0x0], $0xffff;
	v24 =	vxor.u32 $0x7FFFFF, v19  }
0x2d4: {  	v28 =	vmov s0;
	v23 =	vxor.u32 $0x7FFFFF, v26;
	v27 =	vshra.s32 v14, $0x8;
	v20 =	vld.idx.msk [tilespmem:v20+s12+$0x0], $0xffff  }
0x2d5: {  	vm7 =	vlt.s32 v28, v8;
	v14 =	vshll.u32 v14, $0x4;
	vm2 =	veq.s32 v27, v10;
	v21 =	vld.idx.msk [tilespmem:v21+s12+$0x0], $0xffff  }
0x2d6: {  	vm8 =	vlt.s32 v12, $0x0;
	v12 =	vor.u32 v0, v14;
	vm2 =	vmand vm7, vm2;
	[tilespmem:v13+s11+$0x0] =	vst.idx.add.s32.msk vm0, v4  }
0x2d7: {  	v12 =	vand.u32 $0xFFF, v12;
	v13 =	vsel vm8, v24, v19;
	vm0 =	vlt.s32 v17, $0x0;
	[tilespmem:v18+s11+$0x0] =	vst.idx.add.s32.msk vm1, v4  }
0x2d8: {  	v15 =	vsel vm6, v25, v15;
	v14 =	vadd.s32 v2, v16;
	v16 =	vsel vm0, v23, v26  }
0x2d9: {  	v19 =	vshra.s32 v13, $0x8;
	v18 =	vadd.s32 v2, v22;
	v22 =	vshra.s32 v16, $0x8  }
0x2da: {  	v13 =	vshll.u32 v13, $0x4;
	v16 =	vshll.u32 v16, $0x4;
	v20 =	vadd.s32 v2, v20  }
.Ltmp23:
0x2db: {  	v23 =	vshll.u32 v15, $0x4;
	v17 =	vadd.s32 v2, v21;
	v21 =	vshra.s32 v15, $0x8;
	(pc) =	sbr.rel @p3 .LBB2_69-.Ltmp23, $4  }
0x2dc: {  	vm0 =	veq.s32 v19, v10;
	vm1 =	veq.s32 v22, v10;
	[tilespmem:v12+s11+$0x0] =	vst.idx.add.s32.msk vm2, v4  }
0x2dd: {  	v13 =	vor.u32 v0, v13;
	v19 =	vor.u32 v0, v16;
	vm6 =	veq.s32 v21, v10;
	v15 =	vld.idx.msk [tilespmem:v14+s3+$0x0], $0xffff  }
0x2de: {  	vm2 =	vmand vm3, vm0;
	vm0 =	vmand vm5, vm1;
	v14 =	vld.idx.msk [tilespmem:v18+s3+$0x0], $0xffff;
	v18 =	vor.u32 v0, v23  }
0x2df: {  	s25 =	sadd.s32 $0x40, s25;
	s0 =	sadd.s32 $0x1, s23;
	v16 =	vand.u32 $0xFFF, v13;
	v13 =	vand.u32 $0xFFF, v19;
	vm1 =	vmand vm4, vm6;
	v12 =	vld.idx.msk [tilespmem:v20+s3+$0x0], $0xffff  }
0x2e0: {  	s1 =	smov.u32 s23  }
.LBB2_71:
0x2e1: {  	_ =	sdelay $0x1  }
0x2e2: {  	v19 =	vmov s1;
	v18 =	vand.u32 @p2 $0xFFF, v18;
	s2 =	sadd.s32 $0x3, s1;
	v20 =	vmov s0  }
0x2e3: {  	s31 =	sadd.s32 $0x2, s1;
	vm3 =	vlt.s32 v19, v8;
	v53 =	vmov s2;
	vm4 =	vlt.s32 v20, v8  }
0x2e4: {  	v17 =	vld.idx.msk [tilespmem:v17+s3+$0x0], $0xffff;
	vm5 =	vlt.s32 v15, $0x0;
	v54 =	vshra.s32 v15, $0x8;
	v59 =	vmov s31  }
0x2e5: {  	v55 =	vshra.s32 v14, $0x8;
	v21 =	vxor.u32 $0x7FFFFF, v54;
	vm6 =	vlt.s32 v14, $0x0  }
0x2e6: {  	vm7 =	vlt.s32 v59, v8;
	vm8 =	vlt.s32 v53, v8;
	v56 =	vxor.u32 $0x7FFFFF, v55  }
0x2e7: {  	v22 =	vshra.s32 v12, $0x8;
	vm13 =	vlt.s32 v12, $0x0;
	v15 =	vsel vm5, v21, v54  }
0x2e8: {  	v14 =	vsel vm6, v56, v55;
	v57 =	vxor.u32 $0x7FFFFF, v22;
	v21 =	vshra.s32 v15, $0x8  }
0x2e9: {  	v15 =	vshll.u32 v15, $0x4;
	v23 =	vshra.s32 v17, $0x8;
	v12 =	vsel vm13, v57, v22  }
0x2ea: {  	v58 =	vshra.s32 v14, $0x8;
	v14 =	vshll.u32 v14, $0x4;
	vm15 =	vlt.s32 v17, $0x0  }
0x2eb: {  	v15 =	vor.u32 v0, v15;
	v24 =	vxor.u32 $0x7FFFFF, v23;
	vm14 =	veq.s32 v58, v10  }
0x2ec: {  	v14 =	vor.u32 v0, v14;
	v60 =	vshra.s32 v12, $0x8;
	v12 =	vshll.u32 v12, $0x4  }
0x2ed: {  	vm6 =	vmand vm7, vm14;
	v14 =	vand.u32 $0xFFF, v14;
	v17 =	vsel vm15, v24, v23  }
0x2ee: {  	vm12 =	veq.s32 v60, v10;
	v12 =	vor.u32 v0, v12;
	vm14 =	veq.s32 v21, v10  }
0x2ef: {  	v61 =	vshra.s32 v17, $0x8;
	v17 =	vshll.u32 v17, $0x4;
	vm3 =	vmand vm3, vm12  }
0x2f0: {  	v12 =	vand.u32 $0xFFF, v12;
	vm15 =	vmand vm8, vm14;
	vm13 =	veq.s32 v61, v10  }
0x2f1: {  	[tilespmem:v16+s11+$0x0] =	vst.idx.add.s32.msk @p2 vm2, v4;
	v63 =	vand.u32 $0xFFF, v15;
	v17 =	vor.u32 v0, v17;
	vm4 =	vmand vm4, vm13  }
0x2f2: {  	[tilespmem:v13+s11+$0x0] =	vst.idx.add.s32.msk @p2 vm0, v4;
	v62 =	vand.u32 $0xFFF, v17  }
0x2f3: {  	[tilespmem:v18+s11+$0x0] =	vst.idx.add.s32.msk @p2 vm1, v4  }
0x2f4: {  	[tilespmem:v14+s11+$0x0] =	vst.idx.add.s32.msk vm6, v4  }
0x2f5: {  	[tilespmem:v12+s11+$0x0] =	vst.idx.add.s32.msk vm3, v4  }
0x2f6: {  	[tilespmem:v63+s11+$0x0] =	vst.idx.add.s32.msk vm15, v4  }
0x2f7: {  	[tilespmem:v62+s11+$0x0] =	vst.idx.add.s32.msk vm4, v4  }
.LBB2_59:
.Ltmp24:
0x2f8: {  	(pc) =	sbr.rel @!p1 .LBB2_60-.Ltmp24, $1  }
0x2f9: {  	_ =	sdelay $0x3  }
0x2fa: {  	s0 =	ssub.s32 $0x0, s22;
	s1 =	sshll.u32 s19, $0x4  }
.LBB2_73:
0x2fb: {  	v12 =	vor.u32 s1, v0;
	_ =	sdelay $0x4  }
0x2fc: {  	v12 =	vld.idx.msk [tilespmem:v12+s12+$0x0], $0xffff;
	_ =	sdelay $0x4  }
0x2fd: {  	v12 =	vadd.s32 v2, v12;
	_ =	sdelay $0x4  }
0x2fe: {  	v12 =	vld.idx.msk [tilespmem:v12+s3+$0x0], $0xffff;
	_ =	sdelay $0x4  }
0x2ff: {  	v13 =	vshra.s32 v12, $0x8  }
0x300: {  	vm0 =	vlt.s32 v12, $0x0;
	v63 =	vxor.u32 $0x7FFFFF, v13  }
0x301: {  	s2 =	sadd.s32 s0, s18;
	v12 =	vsel vm0, v63, v13  }
0x302: {  	v14 =	vmov s2;
	v13 =	vshra.s32 v12, $0x8  }
0x303: {  	vm1 =	vlt.s32 v14, v8;
	v12 =	vshll.u32 v12, $0x4;
	vm15 =	veq.s32 v13, v10  }
0x304: {  	s0 =	sadd.s32 $0x1, s0;
	v12 =	vor.u32 v0, v12;
	vm0 =	vmand vm1, vm15  }
0x305: {  	p2 =	seq.s32 s0, $0x0;
	v12 =	vand.u32 $0xFFF, v12  }
.Ltmp25:
0x306: {  	_ = 	snop;
	(pc) =	sbr.rel @!p2 .LBB2_73-.Ltmp25, $2  }
0x307: {  	_ =	sdelay $0x2  }
0x308: {  	s1 =	sadd.s32 $0x10, s1;
	[tilespmem:v12+s11+$0x0] =	vst.idx.add.s32.msk vm0, v4  }
.LBB2_60:
0x309: {  	s0 =	simm.s32 $0x11170  }
0x30a: {  	v9 =	vsub.s32 v9, v11;
	v11 =	vld [tilespmem:s0+$0x0]  }
0x30b: {  	v12 =	vld [tilespmem:s0+$0xFFFFFFF0];
	_ =	sdelay $0x1  }
0x30c: {  	v13 =	vld [tilespmem:s0+$0xFFFFFFE0]  }
0x30d: {  	v15 =	vimm.s32 $0x0;
	v14 =	vld [tilespmem:s0+$0xFFFFFFD0]  }
0x30e: {  	s1 =	simm.s32 $0x11130;
	v19 =	vadd.s32 v15, v11  }
0x30f: {  	vm0 =	vlt.s32 v15, v9;
	v16 =	vld [tilespmem:s1+$0x0];
	vm1 =	vge.s32 v19, v9;
	v12 =	vadd.s32 v12, v19  }
0x310: {  	v17 =	vld [tilespmem:s1+$0xFFFFFFF0];
	vm2 =	vlt.s32 v19, v9;
	vm1 =	vmand vm0, vm1;
	vm0 =	vge.s32 v12, v9  }
0x311: {  	v20 =	vld [tilespmem:s1+$0xFFFFFFE0];
	v11 =	vadd.s32 v13, v12;
	vm0 =	vmand vm2, vm0;
	vm2 =	vlt.s32 v12, v9  }
0x312: {  	s23 =	simm.s32 $0xFF;
	vm4 =	vge.s32 v11, v9;
	v14 =	vadd.s32 v14, v11;
	vm3 =	vlt.s32 v11, v9  }
0x313: {  	v21 =	vsel vm1, v15, v15;
	v18 =	vsel vm1, s23, v15;
	vm6 =	vlt.s32 v14, v9  }
0x314: {  	vm5 =	vge.s32 v14, v9;
	v13 =	vadd.s32 v14, v16;
	v19 =	vsel vm0, v19, v21  }
0x315: {  	s7 =	simm.s32 $0xFE;
	s6 =	simm.s32 $0xFD;
	vm1 =	vmand vm3, vm5;
	vm3 =	vge.s32 v13, v9;
	v16 =	vadd.s32 v17, v13;
	v17 =	vld [tilespmem:s1+$0xFFFFFFD0]  }
0x316: {  	s2 =	simm.s32 $0x110F0;
	s0 =	simm.s32 $0x4;
	vm5 =	vlt.s32 v13, v9;
	s1 =	simm.s32 $0xFF;
	vm3 =	vmand vm6, vm3;
	v15 =	vadd.s32 v20, v16  }
.LBB2_61:
0x317: {  	v20 =	vld [tilespmem:s2+$0x0];
	s0 =	sadd.s32 $0x4, s0;
	vm6 =	vge.s32 v16, v9;
	v18 =	vsel vm0, s7, v18;
	vm2 =	vmand vm2, vm4;
	s23 =	sadd.s32 $0xFFFFFFFC, s23  }
0x318: {  	v21 =	vld [tilespmem:s2+$0xFFFFFFF0];
	p2 =	slt.u32 s0, $0xFC;
	vm0 =	vmand vm5, vm6;
	v18 =	vsel vm2, s6, v18;
	v19 =	vsel vm2, v12, v19;
	s6 =	sadd.s32 $0xFFFFFFFD, s1;
	v12 =	vmovc v16;
	s1 =	smov.u32 s23  }
0x319: {  	vm4 =	vge.s32 v15, v9;
	v22 =	vld [tilespmem:s2+$0xFFFFFFE0];
	vm2 =	vlt.s32 v12, v9;
	v16 =	vsel vm1, s6, v18  }
.Ltmp26:
0x31a: {  	vm5 =	vlt.s32 v15, v9;
	v18 =	vsel vm1, v11, v19;
	v11 =	vmovc v15;
	v17 =	vadd.s32 v17, v15;
	(pc) =	sbr.rel @p2 .LBB2_61-.Ltmp26, $4  }
0x31b: {  	v19 =	vsel vm3, v14, v18;
	vm6 =	vlt.s32 v17, v9;
	vm1 =	vge.s32 v17, v9;
	v14 =	vmovc v17  }
0x31c: {  	v18 =	vsel vm3, s23, v16;
	v20 =	vadd.s32 v17, v20;
	vm1 =	vmand vm5, vm1  }
0x31d: {  	s7 =	sadd.s32 $0xFFFFFFFF, s23;
	s6 =	sadd.s32 $0xFFFFFFFE, s23;
	vm3 =	vge.s32 v20, v9;
	v16 =	vadd.s32 v21, v20;
	vm5 =	vlt.s32 v20, v9;
	v17 =	vld [tilespmem:s2+$0xFFFFFFD0]  }
0x31e: {  	v19 =	vsel vm0, v13, v19;
	s2 =	sadd.s32 $0xFFFFFFC0, s2;
	v13 =	vmovc v20;
	vm3 =	vmand vm6, vm3;
	v15 =	vadd.s32 v22, v16  }
0x31f: {  	v18 =	vsel vm0, s7, v18;
	vm10 =	vmand vm2, vm4  }
0x320: {  	s0 =	sadd.s32 $0xFFFFFFFD, s1;
	v18 =	vsel vm10, s6, v18  }
0x321: {  	v18 =	vsel vm1, s0, v18;
	s0 =	simm.s32 $0x101C0  }
0x322: {  	vm6 =	vge.s32 v16, v9;
	vm12 =	vlt.s32 v16, v9;
	[tilespmem:s0+$0xFFFFFFC0] =	vst v1  }
0x323: {  	vm13 =	vge.s32 v15, v9;
	vm14 =	vlt.s32 v15, v9;
	v12 =	vsel vm10, v12, v19;
	[tilespmem:s0+$0x30] =	vst v1  }
0x324: {  	s29 =	sadd.s32 $0xFFFFFFFC, s23;
	vm11 =	vmand vm5, vm6;
	vm0 =	vmand vm12, vm13;
	v11 =	vsel vm1, v11, v12;
	[tilespmem:s0+$0x20] =	vst v1  }
0x325: {  	s30 =	sadd.s32 $0xFFFFFFFF, s29;
	v17 =	vadd.s32 v17, v15;
	v11 =	vsel vm3, v14, v11;
	v12 =	vsel vm3, s29, v18;
	[tilespmem:s0+$0x10] =	vst v1  }
0x326: {  	s2 =	sadd.s32 $0xFFFFFFFE, s29;
	[tilespmem:s0+$0x0] =	vst v1;
	vm15 =	vge.s32 v17, v9;
	v11 =	vsel vm11, v13, v11;
	v12 =	vsel vm11, s30, v12  }
0x327: {  	s31 =	sadd.s32 $0xFFFFFFFD, s29;
	[tilespmem:s0+$0xFFFFFFF0] =	vst v1;
	vm1 =	vmand vm14, vm15;
	v12 =	vsel vm0, s2, v12;
	v11 =	vsel vm0, v16, v11  }
0x328: {  	s1 =	simm.s32 $0x0;
	[tilespmem:s0+$0xFFFFFFE0] =	vst v1;
	v12 =	vsel vm1, s31, v12;
	v11 =	vsel vm1, v15, v11  }
.LBB2_63:
0x329: {  	s1 =	sadd.s32 $0x8, s1;
	[tilespmem:s0+$0xFFFFFFD0] =	vst v1;
	s0 =	sadd.s32 $0x80, s0  }
0x32a: {  	[tilespmem:s0+$0xFFFFFFC0] =	vst v1;
	p2 =	slt.u32 s1, $0xF8  }
0x32b: {  	[tilespmem:s0+$0x30] =	vst v1  }
.Ltmp27:
0x32c: {  	[tilespmem:s0+$0x20] =	vst v1;
	(pc) =	sbr.rel @p2 .LBB2_63-.Ltmp27, $4  }
0x32d: {  	[tilespmem:s0+$0x10] =	vst v1  }
0x32e: {  	[tilespmem:s0+$0x0] =	vst v1  }
0x32f: {  	[tilespmem:s0+$0xFFFFFFF0] =	vst v1  }
0x330: {  	[tilespmem:s0+$0xFFFFFFE0] =	vst v1  }
.Ltmp28:
0x331: {  	(pc) =	sbr.rel @p0 .LBB2_74-.Ltmp28, $3  }
0x332: {  	_ =	sdelay $0x1  }
0x333: {  	v10 =	vshll.u32 v10, $0x8  }
0x334: {  	[tilespmem:s0+$0xFFFFFFD0] =	vst v1;
	v10 =	vor.u32 v10, v12  }
0x335: {  	s1 =	simm.s32 $0x30  }
0x336: {  	s2 =	simm.s32 $0x20;
	v12 =	vor.u32 s1, v0  }
0x337: {  	v13 =	vor.u32 s2, v0;
	_ =	sdelay $0x2  }
0x338: {  	s30 =	simm.s32 $0x0  }
0x339: {  	s31 =	simm.s32 $0x10;
	v14 =	vor.u32 s30, v0;
	v12 =	vld.idx.msk [tilespmem:v12+s12+$0x0], $0xffff  }
0x33a: {  	v15 =	vor.u32 s31, v0;
	v13 =	vld.idx.msk [tilespmem:v13+s12+$0x0], $0xffff;
	_ =	sdelay $0x3  }
0x33b: {  	v14 =	vld.idx.msk [tilespmem:v14+s12+$0x0], $0xffff;
	v12 =	vadd.s32 v2, v12  }
0x33c: {  	p3 =	sgt.s32 s19, $0x4;
	v15 =	vld.idx.msk [tilespmem:v15+s12+$0x0], $0xffff;
	v18 =	vadd.s32 v2, v13  }
.Ltmp29:
0x33d: {  	_ = 	snop;
	(pc) =	sbr.rel @!p3 .LBB2_66-.Ltmp29, $3  }
0x33e: {  	_ =	sdelay $0x1  }
0x33f: {  	s0 =	simm.s32 $0x0;
	v13 =	vld.idx.msk [tilespmem:v12+s3+$0x0], $0xffff  }
0x340: {  	s23 =	simm.s32 $0x4;
	p2 =	por $0x0, $0x0;
	s1 =	simm.s32 $0x70;
	v17 =	vadd.s32 v2, v14;
	v16 =	vadd.s32 v2, v15;
	v14 =	vld.idx.msk [tilespmem:v18+s3+$0x0], $0xffff  }
0x341: {  	_ =	sdelay $0x2  }
0x342: {  	s2 =	simm.s32 $0x50  }
0x343: {  	s6 =	simm.s32 $0x60;
	v12 =	vor.u32 s1, v0;
	v15 =	vld.idx.msk [tilespmem:v17+s3+$0x0], $0xffff;
	s28 =	simm.s32 $0x40;
	s29 =	simm.s32 $0x1;
	v20 =	vmov s0;
	v17 =	vor.u32 s2, v0  }
0x344: {  	s30 =	simm.s32 $0x3;
	s31 =	simm.s32 $0x2;
	v18 =	vor.u32 s6, v0;
	v19 =	vor.u32 s28, v0;
	v21 =	vmov s29  }
0x345: {  	v16 =	vld.idx.msk [tilespmem:v16+s3+$0x0], $0xffff;
	vm2 =	vlt.s32 v20, v8;
	v20 =	vmov s30;
	v22 =	vmov s31  }
0x346: {  	vm0 =	vlt.s32 v21, v8;
	vm1 =	vlt.s32 v20, v8;
	vm3 =	vlt.s32 v13, $0x0  }
0x347: {  	v61 =	vxor.u32 $0x7FFFFFFF, v13;
	vm4 =	vlt.s32 v14, $0x0;
	v20 =	vxor.u32 $0x7FFFFFFF, v14  }
0x348: {  	vm6 =	vlt.s32 v22, v8;
	v13 =	vsel vm3, v61, v13;
	v12 =	vld.idx.msk [tilespmem:v12+s12+$0x0], $0xffff;
	v14 =	vsel vm4, v20, v14  }
0x349: {  	vm3 =	vlt.s32 v15, $0x0;
	v62 =	vxor.u32 $0x7FFFFFFF, v15;
	v18 =	vld.idx.msk [tilespmem:v18+s12+$0x0], $0xffff;
	v20 =	vshra.s32 v14, $0x8  }
0x34a: {  	vm14 =	vlt.s32 v16, $0x0;
	v14 =	vshll.u32 v14, $0x4;
	vm5 =	veq.s32 v20, v10  }
0x34b: {  	v24 =	vshll.u32 v13, $0x4;
	v19 =	vld.idx.msk [tilespmem:v19+s12+$0x0], $0xffff;
	v14 =	vor.u32 v0, v14;
	vm5 =	vmand vm6, vm5  }
0x34c: {  	v15 =	vsel vm3, v62, v15;
	v20 =	vld.idx.msk [tilespmem:v17+s12+$0x0], $0xffff;
	v17 =	vxor.u32 $0x7FFFFFFF, v16;
	v14 =	vand.u32 $0xFFF, v14  }
0x34d: {  	v21 =	vshra.s32 v15, $0x8;
	v15 =	vshll.u32 v15, $0x4;
	v12 =	vadd.s32 v2, v12  }
0x34e: {  	p3 =	sgt.s32 s19, $0x8;
	v16 =	vsel vm14, v17, v16;
	vm3 =	veq.s32 v21, v10;
	v23 =	vadd.s32 v2, v18  }
.Ltmp30:
0x34f: {  	v15 =	vor.u32 v0, v15;
	v63 =	vshra.s32 v16, $0x8;
	vm2 =	vmand vm2, vm3;
	(pc) =	sbr.rel @!p3 .LBB2_82-.Ltmp30, $4  }
0x350: {  	v15 =	vand.u32 $0xFFF, v15;
	vm15 =	veq.s32 v63, v10;
	v17 =	vadd.s32 v2, v19  }
0x351: {  	v18 =	vshll.u32 v16, $0x4;
	v19 =	vshra.s32 v13, $0x8;
	v16 =	vadd.s32 v2, v20;
	[tilespmem:v14+s11+$0x0] =	vst.idx.add.s32.msk vm5, v4  }
0x352: {  	vm0 =	vmand vm0, vm15;
	v20 =	vor.u32 v0, v18;
	vm3 =	veq.s32 v19, v10;
	v13 =	vld.idx.msk [tilespmem:v12+s3+$0x0], $0xffff  }
0x353: {  	s24 =	simm.s32 $0x8;
	s25 =	simm.s32 $0xB0;
	p2 =	por $0x1, $0x1;
	v18 =	vor.u32 v0, v24;
	vm1 =	vmand vm1, vm3;
	v12 =	vand.u32 $0xFFF, v20;
	v14 =	vld.idx.msk [tilespmem:v23+s3+$0x0], $0xffff  }
.LBB2_83:
0x354: {  	s0 =	sadd.s32 $0xFFFFFFE0, s25  }
0x355: {  	s1 =	sadd.s32 $0xFFFFFFF0, s25;
	v19 =	vor.u32 s25, v0;
	v17 =	vld.idx.msk [tilespmem:v17+s3+$0x0], $0xffff;
	v18 =	vand.u32 $0xFFF, v18;
	s2 =	smov.u32 s24;
	s24 =	sadd.s32 $0x4, s24  }
0x356: {  	s6 =	sadd.s32 $0xFFFFFFD0, s25;
	v20 =	vor.u32 s0, v0;
	v21 =	vor.u32 s1, v0;
	p3 =	slt.s32 s24, s19;
	v16 =	vld.idx.msk [tilespmem:v16+s3+$0x0], $0xffff;
	s0 =	sadd.s32 $0x1, s23  }
0x357: {  	v23 =	vmov s23;
	v22 =	vor.u32 s6, v0;
	v24 =	vmov s0;
	s0 =	sadd.s32 $0x3, s23  }
0x358: {  	vm5 =	vlt.s32 v23, v8;
	vm4 =	vlt.s32 v24, v8;
	v23 =	vmov s0  }
0x359: {  	vm6 =	vlt.s32 v13, $0x0;
	v24 =	vxor.u32 $0x7FFFFFFF, v13;
	vm3 =	vlt.s32 v23, v8;
	[tilespmem:v15+s11+$0x0] =	vst.idx.add.s32.msk vm2, v4  }
0x35a: {  	vm2 =	vlt.s32 v14, $0x0;
	v13 =	vsel vm6, v24, v13;
	v15 =	vld.idx.msk [tilespmem:v19+s12+$0x0], $0xffff;
	v19 =	vxor.u32 $0x7FFFFFFF, v14  }
0x35b: {  	s0 =	sadd.s32 $0x2, s23;
	s23 =	smov.u32 s2;
	vm6 =	vlt.s32 v17, $0x0;
	v23 =	vxor.u32 $0x7FFFFFFF, v17;
	v21 =	vld.idx.msk [tilespmem:v21+s12+$0x0], $0xffff;
	v14 =	vsel vm2, v19, v14  }
0x35c: {  	v24 =	vmov s0;
	vm2 =	vlt.s32 v16, $0x0;
	v19 =	vld.idx.msk [tilespmem:v22+s12+$0x0], $0xffff;
	v22 =	vshra.s32 v14, $0x8  }
0x35d: {  	vm8 =	vlt.s32 v24, v8;
	v14 =	vshll.u32 v14, $0x4;
	v20 =	vld.idx.msk [tilespmem:v20+s12+$0x0], $0xffff;
	vm7 =	veq.s32 v22, v10  }
0x35e: {  	v22 =	vxor.u32 $0x7FFFFFFF, v16;
	v14 =	vor.u32 v0, v14;
	vm7 =	vmand vm8, vm7;
	[tilespmem:v12+s11+$0x0] =	vst.idx.add.s32.msk vm0, v4  }
0x35f: {  	v12 =	vsel vm6, v23, v17;
	v16 =	vsel vm2, v22, v16;
	v14 =	vand.u32 $0xFFF, v14;
	[tilespmem:v18+s11+$0x0] =	vst.idx.add.s32.msk vm1, v4  }
0x360: {  	v15 =	vadd.s32 v2, v15;
	v18 =	vshra.s32 v12, $0x8;
	v22 =	vshra.s32 v16, $0x8  }
0x361: {  	v12 =	vshll.u32 v12, $0x4;
	v23 =	vshll.u32 v16, $0x4;
	v21 =	vadd.s32 v2, v21  }
.Ltmp31:
0x362: {  	v24 =	vshll.u32 v13, $0x4;
	v17 =	vadd.s32 v2, v19;
	v19 =	vshra.s32 v13, $0x8;
	(pc) =	sbr.rel @p3 .LBB2_83-.Ltmp31, $4  }
0x363: {  	vm0 =	veq.s32 v18, v10;
	vm1 =	veq.s32 v22, v10;
	v16 =	vadd.s32 v2, v20  }
0x364: {  	v12 =	vor.u32 v0, v12;
	vm2 =	vmand vm5, vm0;
	v20 =	vor.u32 v0, v23;
	[tilespmem:v14+s11+$0x0] =	vst.idx.add.s32.msk vm7, v4  }
0x365: {  	v18 =	vor.u32 v0, v24;
	vm0 =	vmand vm4, vm1;
	vm1 =	veq.s32 v19, v10;
	v13 =	vld.idx.msk [tilespmem:v15+s3+$0x0], $0xffff  }
0x366: {  	s25 =	sadd.s32 $0x40, s25;
	vm1 =	vmand vm3, vm1;
	v15 =	vand.u32 $0xFFF, v12;
	v12 =	vand.u32 $0xFFF, v20;
	v14 =	vld.idx.msk [tilespmem:v21+s3+$0x0], $0xffff  }
0x367: {  	s0 =	smov.u32 s23  }
.LBB2_85:
0x368: {  	_ =	sdelay $0x3  }
0x369: {  	v17 =	vld.idx.msk [tilespmem:v17+s3+$0x0], $0xffff;
	s1 =	sadd.s32 $0x1, s0;
	v19 =	vmov s0;
	v18 =	vand.u32 @p2 $0xFFF, v18;
	s30 =	sadd.s32 $0x3, s0  }
0x36a: {  	v16 =	vld.idx.msk [tilespmem:v16+s3+$0x0], $0xffff;
	s31 =	sadd.s32 $0x2, s0;
	v20 =	vmov s1;
	vm5 =	vlt.s32 v19, v8;
	v52 =	vmov s30  }
0x36b: {  	v57 =	vmov s31;
	vm4 =	vlt.s32 v20, v8;
	vm6 =	vlt.s32 v13, $0x0  }
0x36c: {  	v53 =	vxor.u32 $0x7FFFFFFF, v13;
	vm3 =	vlt.s32 v52, v8;
	vm8 =	vlt.s32 v57, v8  }
0x36d: {  	vm7 =	vlt.s32 v14, $0x0;
	v54 =	vxor.u32 $0x7FFFFFFF, v14;
	v13 =	vsel vm6, v53, v13  }
0x36e: {  	v14 =	vsel vm7, v54, v14;
	v61 =	vshra.s32 v13, $0x8;
	v13 =	vshll.u32 v13, $0x4  }
0x36f: {  	vm13 =	vlt.s32 v17, $0x0;
	v55 =	vxor.u32 $0x7FFFFFFF, v17;
	vm14 =	vlt.s32 v16, $0x0  }
0x370: {  	v56 =	vshra.s32 v14, $0x8;
	v14 =	vshll.u32 v14, $0x4;
	v58 =	vxor.u32 $0x7FFFFFFF, v16  }
0x371: {  	v13 =	vor.u32 v0, v13;
	v17 =	vsel vm13, v55, v17;
	vm15 =	veq.s32 v56, v10  }
0x372: {  	v14 =	vor.u32 v0, v14;
	v16 =	vsel vm14, v58, v16;
	vm14 =	veq.s32 v61, v10  }
0x373: {  	v63 =	vand.u32 $0xFFF, v13;
	vm6 =	vmand vm8, vm15;
	v14 =	vand.u32 $0xFFF, v14  }
0x374: {  	v59 =	vshra.s32 v17, $0x8;
	v60 =	vshra.s32 v16, $0x8;
	v17 =	vshll.u32 v17, $0x4  }
0x375: {  	v16 =	vshll.u32 v16, $0x4;
	vm15 =	vmand vm3, vm14;
	vm12 =	veq.s32 v59, v10  }
0x376: {  	vm13 =	veq.s32 v60, v10;
	v17 =	vor.u32 v0, v17;
	vm5 =	vmand vm5, vm12  }
0x377: {  	[tilespmem:v15+s11+$0x0] =	vst.idx.add.s32.msk @p2 vm2, v4;
	v16 =	vor.u32 v0, v16;
	vm4 =	vmand vm4, vm13;
	v17 =	vand.u32 $0xFFF, v17  }
0x378: {  	[tilespmem:v12+s11+$0x0] =	vst.idx.add.s32.msk @p2 vm0, v4;
	v62 =	vand.u32 $0xFFF, v16  }
0x379: {  	[tilespmem:v18+s11+$0x0] =	vst.idx.add.s32.msk @p2 vm1, v4  }
0x37a: {  	[tilespmem:v14+s11+$0x0] =	vst.idx.add.s32.msk vm6, v4  }
0x37b: {  	[tilespmem:v63+s11+$0x0] =	vst.idx.add.s32.msk vm15, v4  }
0x37c: {  	[tilespmem:v17+s11+$0x0] =	vst.idx.add.s32.msk vm5, v4  }
0x37d: {  	[tilespmem:v62+s11+$0x0] =	vst.idx.add.s32.msk vm4, v4  }
.LBB2_74:
.Ltmp32:
0x37e: {  	(pc) =	sbr.rel @!p1 .LBB2_75-.Ltmp32, $1  }
0x37f: {  	_ =	sdelay $0x3  }
0x380: {  	s0 =	ssub.s32 $0x0, s22;
	s1 =	sshll.u32 s19, $0x4  }
.LBB2_87:
0x381: {  	v12 =	vor.u32 s1, v0;
	_ =	sdelay $0x4  }
0x382: {  	v12 =	vld.idx.msk [tilespmem:v12+s12+$0x0], $0xffff;
	_ =	sdelay $0x4  }
0x383: {  	v12 =	vadd.s32 v2, v12;
	_ =	sdelay $0x4  }
0x384: {  	v12 =	vld.idx.msk [tilespmem:v12+s3+$0x0], $0xffff;
	_ =	sdelay $0x4  }
0x385: {  	vm0 =	vlt.s32 v12, $0x0;
	v13 =	vxor.u32 $0x7FFFFFFF, v12  }
0x386: {  	s2 =	sadd.s32 s0, s18;
	v12 =	vsel vm0, v13, v12  }
0x387: {  	v14 =	vmov s2;
	v13 =	vshra.s32 v12, $0x8  }
0x388: {  	vm1 =	vlt.s32 v14, v8;
	v12 =	vshll.u32 v12, $0x4;
	vm15 =	veq.s32 v13, v10  }
0x389: {  	s0 =	sadd.s32 $0x1, s0;
	v12 =	vor.u32 v0, v12;
	vm0 =	vmand vm1, vm15  }
0x38a: {  	p1 =	seq.s32 s0, $0x0;
	v12 =	vand.u32 $0xFFF, v12  }
.Ltmp33:
0x38b: {  	_ = 	snop;
	(pc) =	sbr.rel @!p1 .LBB2_87-.Ltmp33, $2  }
0x38c: {  	_ =	sdelay $0x2  }
0x38d: {  	s1 =	sadd.s32 $0x10, s1;
	[tilespmem:v12+s11+$0x0] =	vst.idx.add.s32.msk vm0, v4  }
.LBB2_75:
0x38e: {  	s0 =	simm.s32 $0x11170  }
0x38f: {  	v9 =	vsub.s32 v9, v11;
	v11 =	vld [tilespmem:s0+$0x0]  }
0x390: {  	v12 =	vld [tilespmem:s0+$0xFFFFFFF0];
	_ =	sdelay $0x1  }
0x391: {  	v13 =	vld [tilespmem:s0+$0xFFFFFFE0]  }
0x392: {  	v15 =	vimm.s32 $0x0;
	v14 =	vld [tilespmem:s0+$0xFFFFFFD0]  }
0x393: {  	s1 =	simm.s32 $0x11130;
	v19 =	vadd.s32 v15, v11  }
0x394: {  	vm0 =	vlt.s32 v15, v9;
	v16 =	vld [tilespmem:s1+$0x0];
	vm1 =	vge.s32 v19, v9;
	v12 =	vadd.s32 v12, v19  }
0x395: {  	v17 =	vld [tilespmem:s1+$0xFFFFFFF0];
	vm2 =	vlt.s32 v19, v9;
	vm1 =	vmand vm0, vm1;
	vm0 =	vge.s32 v12, v9  }
0x396: {  	v20 =	vld [tilespmem:s1+$0xFFFFFFE0];
	v11 =	vadd.s32 v13, v12;
	vm0 =	vmand vm2, vm0;
	vm2 =	vlt.s32 v12, v9  }
0x397: {  	s22 =	simm.s32 $0xFF;
	vm4 =	vge.s32 v11, v9;
	v13 =	vadd.s32 v14, v11;
	vm3 =	vlt.s32 v11, v9  }
0x398: {  	v21 =	vsel vm1, v15, v15;
	v18 =	vsel vm1, s22, v15;
	vm6 =	vlt.s32 v13, v9  }
0x399: {  	vm5 =	vge.s32 v13, v9;
	v14 =	vadd.s32 v13, v16;
	v19 =	vsel vm0, v19, v21  }
0x39a: {  	s7 =	simm.s32 $0xFE;
	s6 =	simm.s32 $0xFD;
	vm1 =	vmand vm3, vm5;
	vm3 =	vge.s32 v14, v9;
	v16 =	vadd.s32 v17, v14;
	v17 =	vld [tilespmem:s1+$0xFFFFFFD0]  }
0x39b: {  	s2 =	simm.s32 $0x110F0;
	s0 =	simm.s32 $0x4;
	vm5 =	vlt.s32 v14, v9;
	s1 =	simm.s32 $0xFF;
	vm3 =	vmand vm6, vm3;
	v15 =	vadd.s32 v20, v16  }
.LBB2_76:
0x39c: {  	v20 =	vld [tilespmem:s2+$0x0];
	s0 =	sadd.s32 $0x4, s0;
	vm6 =	vge.s32 v16, v9;
	v18 =	vsel vm0, s7, v18;
	vm2 =	vmand vm2, vm4;
	s22 =	sadd.s32 $0xFFFFFFFC, s22  }
0x39d: {  	v21 =	vld [tilespmem:s2+$0xFFFFFFF0];
	p1 =	slt.u32 s0, $0xFC;
	vm0 =	vmand vm5, vm6;
	v18 =	vsel vm2, s6, v18;
	v19 =	vsel vm2, v12, v19;
	s6 =	sadd.s32 $0xFFFFFFFD, s1;
	v12 =	vmovc v16;
	s1 =	smov.u32 s22  }
0x39e: {  	vm4 =	vge.s32 v15, v9;
	v22 =	vld [tilespmem:s2+$0xFFFFFFE0];
	vm2 =	vlt.s32 v12, v9;
	v16 =	vsel vm1, s6, v18  }
.Ltmp34:
0x39f: {  	vm5 =	vlt.s32 v15, v9;
	v18 =	vsel vm1, v11, v19;
	v11 =	vmovc v15;
	v17 =	vadd.s32 v17, v15;
	(pc) =	sbr.rel @p1 .LBB2_76-.Ltmp34, $4  }
0x3a0: {  	v19 =	vsel vm3, v13, v18;
	vm6 =	vlt.s32 v17, v9;
	vm1 =	vge.s32 v17, v9;
	v13 =	vmovc v17  }
0x3a1: {  	v18 =	vsel vm3, s22, v16;
	v20 =	vadd.s32 v17, v20;
	vm1 =	vmand vm5, vm1  }
0x3a2: {  	s7 =	sadd.s32 $0xFFFFFFFF, s22;
	s6 =	sadd.s32 $0xFFFFFFFE, s22;
	vm3 =	vge.s32 v20, v9;
	v16 =	vadd.s32 v21, v20;
	vm5 =	vlt.s32 v20, v9;
	v17 =	vld [tilespmem:s2+$0xFFFFFFD0]  }
0x3a3: {  	v19 =	vsel vm0, v14, v19;
	s2 =	sadd.s32 $0xFFFFFFC0, s2;
	v14 =	vmovc v20;
	vm3 =	vmand vm6, vm3;
	v15 =	vadd.s32 v22, v16  }
0x3a4: {  	vm6 =	vge.s32 v16, v9;
	v18 =	vsel vm0, s7, v18  }
0x3a5: {  	vm10 =	vmand vm2, vm4;
	vm12 =	vlt.s32 v16, v9;
	vm13 =	vge.s32 v15, v9  }
0x3a6: {  	vm14 =	vlt.s32 v15, v9;
	vm11 =	vmand vm5, vm6;
	v12 =	vsel vm10, v12, v19  }
0x3a7: {  	s0 =	sadd.s32 $0xFFFFFFFD, s1;
	v18 =	vsel vm10, s6, v18;
	vm0 =	vmand vm12, vm13;
	v11 =	vsel vm1, v11, v12  }
0x3a8: {  	s30 =	sadd.s32 $0xFFFFFFFC, s22;
	v18 =	vsel vm1, s0, v18;
	v17 =	vadd.s32 v17, v15;
	v11 =	vsel vm3, v13, v11  }
.Ltmp35:
0x3a9: {  	s31 =	sadd.s32 $0xFFFFFFFF, s30;
	v63 =	vsel vm3, s30, v18;
	vm15 =	vge.s32 v17, v9;
	v11 =	vsel vm11, v14, v11;
	(pc) =	sbr.rel @p0 .LBB2_78-.Ltmp35, $4  }
0x3aa: {  	s2 =	sadd.s32 $0xFFFFFFFE, s30;
	v12 =	vsel vm11, s31, v63;
	vm1 =	vmand vm14, vm15;
	v11 =	vsel vm0, v16, v11  }
0x3ab: {  	s0 =	sadd.s32 $0xFFFFFFFD, s30;
	v12 =	vsel vm0, s2, v12;
	v11 =	vsel vm1, v15, v11  }
0x3ac: {  	v10 =	vshll.u32 v10, $0x8;
	v12 =	vsel vm1, s0, v12;
	v11 =	vsub.s32 v9, v11  }
0x3ad: {  	v9 =	vor.u32 v10, v12;
	v10 =	vadd.s32 $0xFFFFFFFF, v11  }
0x3ae: {  	s2 =	simm.s32 $0x20  }
0x3af: {  	s6 =	simm.s32 $0x0;
	v11 =	vor.u32 s2, v0  }
0x3b0: {  	v13 =	vor.u32 s6, v0;
	_ =	sdelay $0x2  }
0x3b1: {  	s28 =	simm.s32 $0x10  }
0x3b2: {  	s1 =	simm.s32 $0x30;
	v14 =	vor.u32 s28, v0;
	v19 =	vld.idx.msk [tilespmem:v11+s12+$0x0], $0xffff  }
0x3b3: {  	v11 =	vor.u32 s1, v0;
	v23 =	vld.idx.msk [tilespmem:v13+s12+$0x0], $0xffff;
	_ =	sdelay $0x3  }
0x3b4: {  	v20 =	vld.idx.msk [tilespmem:v14+s12+$0x0], $0xffff;
	v13 =	vadd.s32 v2, v19  }
0x3b5: {  	p1 =	sgt.s32 s19, $0x4;
	v11 =	vld.idx.msk [tilespmem:v11+s12+$0x0], $0xffff;
	v14 =	vadd.s32 v2, v23  }
.Ltmp36:
0x3b6: {  	_ = 	snop;
	(pc) =	sbr.rel @!p1 .LBB2_89-.Ltmp36, $4  }
0x3b7: {  	_ = 	snop  }
0x3b8: {  	s29 =	simm.s32 $0x1;
	s30 =	simm.s32 $0x2  }
0x3b9: {  	s0 =	simm.s32 $0x0;
	v12 =	vimm.s32 $0x0;
	s31 =	simm.s32 $0x3;
	v25 =	vmov s29;
	v29 =	vmov s30;
	v16 =	vld.idx.msk [tilespmem:v13+s3+$0x0], $0xffff  }
0x3ba: {  	s22 =	simm.s32 $0x4;
	p0 =	por $0x0, $0x0;
	v27 =	vmov s31;
	s1 =	simm.s32 $0x70;
	v24 =	vadd.s32 v2, v20;
	v22 =	vadd.s32 v2, v11;
	v21 =	vld.idx.msk [tilespmem:v14+s3+$0x0], $0xffff  }
0x3bb: {  	_ =	sdelay $0x2  }
0x3bc: {  	s7 =	simm.s32 $0x60;
	vm0 =	vlt.s32 v27, v8;
	vm1 =	vlt.s32 v29, v8;
	v26 =	vmov s0  }
0x3bd: {  	s2 =	simm.s32 $0x40;
	s6 =	simm.s32 $0x50;
	v17 =	vld.idx.msk [tilespmem:v24+s3+$0x0], $0xffff;
	vm2 =	veq.s32 v12, v10;
	vm3 =	vlt.s32 v25, v8;
	v15 =	vor.u32 s7, v0  }
0x3be: {  	s29 =	simm.s32 $0x5;
	v22 =	vld.idx.msk [tilespmem:v22+s3+$0x0], $0xffff;
	v25 =	vor.u32 s1, v0;
	v18 =	vor.u32 s2, v0;
	v24 =	vor.u32 s6, v0  }
0x3bf: {  	v13 =	vmov s29;
	vm4 =	vlt.s32 v26, v8;
	v26 =	vxor.u32 $0x7FFFFFFF, v16  }
0x3c0: {  	s30 =	simm.s32 $0x6;
	vm6 =	vlt.s32 v16, $0x0;
	vm5 =	vlt.s32 v21, $0x0;
	v27 =	vxor.u32 $0x7FFFFFFF, v21  }
0x3c1: {  	v14 =	vmov s30;
	v16 =	vsel vm6, v26, v16;
	v21 =	vsel vm5, v27, v21  }
0x3c2: {  	vm13 =	vlt.s32 v17, $0x0;
	v27 =	vxor.u32 $0x7FFFFFFF, v17;
	vm14 =	veq.s32 v16, v9;
	v15 =	vld.idx.msk [tilespmem:v15+s12+$0x0], $0xffff  }
0x3c3: {  	vm7 =	veq.s32 v21, v9;
	v17 =	vsel vm13, v27, v17;
	v18 =	vld.idx.msk [tilespmem:v18+s12+$0x0], $0xffff;
	v21 =	vxor.u32 $0x7FFFFFFF, v22  }
0x3c4: {  	vm1 =	vmand vm1, vm14;
	vm4 =	vmand vm4, vm7;
	vm5 =	veq.s32 v17, v9;
	v17 =	vld.idx.msk [tilespmem:v24+s12+$0x0], $0xffff  }
0x3c5: {  	v26 =	vsel vm1, $0x1, v1;
	v24 =	vsel vm4, $0x1, v1;
	vm3 =	vmand vm3, vm5  }
0x3c6: {  	v25 =	vld.idx.msk [tilespmem:v25+s12+$0x0], $0xffff;
	vm2 =	vmand vm2, vm4;
	v16 =	vadd.s32 v24, v12;
	v24 =	vsel vm3, $0x1, v1  }
0x3c7: {  	v23 =	vsel vm2, v23, v12;
	vm2 =	veq.s32 v16, v10;
	v27 =	vadd.s32 v2, v15  }
0x3c8: {  	p1 =	sgt.s32 s19, $0x8;
	v16 =	vadd.s32 v24, v16;
	vm2 =	vmand vm3, vm2;
	v29 =	vadd.s32 v2, v18  }
.Ltmp37:
0x3c9: {  	vm3 =	vlt.s32 v22, $0x0;
	vm15 =	veq.s32 v16, v10;
	v24 =	vadd.s32 v2, v17;
	(pc) =	sbr.rel @!p1 .LBB2_91-.Ltmp37, $4  }
0x3ca: {  	v26 =	vadd.s32 v26, v16;
	v20 =	vsel vm2, v20, v23;
	v21 =	vsel vm3, v21, v22  }
0x3cb: {  	vm1 =	vmand vm1, vm15;
	v22 =	vadd.s32 v2, v25;
	vm2 =	veq.s32 v21, v9  }
0x3cc: {  	s31 =	simm.s32 $0x7;
	v28 =	vsel vm1, v19, v20;
	vm1 =	veq.s32 v26, v10;
	vm0 =	vmand vm0, vm2;
	v16 =	vld.idx.msk [tilespmem:v27+s3+$0x0], $0xffff  }
0x3cd: {  	s23 =	simm.s32 $0x8;
	s24 =	simm.s32 $0xB0;
	p0 =	por $0x1, $0x1;
	vm1 =	vmand vm0, vm1;
	v30 =	vsel vm0, $0x1, v1;
	v27 =	vmov s31;
	v21 =	vld.idx.msk [tilespmem:v29+s3+$0x0], $0xffff  }
.LBB2_92:
0x3ce: {  	s0 =	sadd.s32 $0xFFFFFFD0, s24;
	v19 =	vld.idx.msk [tilespmem:v24+s3+$0x0], $0xffff  }
0x3cf: {  	s1 =	sadd.s32 $0xFFFFFFE0, s24;
	s2 =	sadd.s32 $0xFFFFFFF0, s24;
	vm0 =	vlt.s32 v27, v8;
	v20 =	vsel vm1, v11, v28;
	v23 =	vadd.s32 v30, v26;
	v11 =	vmovc v25;
	s6 =	smov.u32 s23  }
0x3d0: {  	s23 =	sadd.s32 $0x4, s23;
	v24 =	vor.u32 s0, v0;
	v25 =	vor.u32 s1, v0;
	s0 =	sadd.s32 $0x1, s6;
	v26 =	vor.u32 s2, v0;
	s1 =	sadd.s32 $0x2, s6  }
0x3d1: {  	vm1 =	vlt.s32 v14, v8;
	p1 =	slt.s32 s23, s19;
	v27 =	vmov s0;
	v14 =	vmov s1;
	v22 =	vld.idx.msk [tilespmem:v22+s3+$0x0], $0xffff  }
0x3d2: {  	v28 =	vmov s22;
	vm3 =	vlt.s32 v13, v8;
	vm2 =	veq.s32 v23, v10;
	s22 =	smov.u32 s6;
	v13 =	vmovc v27  }
0x3d3: {  	vm4 =	vlt.s32 v28, v8;
	v27 =	vor.u32 s24, v0;
	v28 =	vxor.u32 $0x7FFFFFFF, v16  }
0x3d4: {  	vm6 =	vlt.s32 v16, $0x0;
	vm5 =	vlt.s32 v21, $0x0;
	v29 =	vxor.u32 $0x7FFFFFFF, v21  }
0x3d5: {  	v21 =	vsel vm5, v29, v21;
	vm5 =	vlt.s32 v19, $0x0;
	v30 =	vld.idx.msk [tilespmem:v26+s12+$0x0], $0xffff;
	v26 =	vxor.u32 $0x7FFFFFFF, v19  }
0x3d6: {  	v16 =	vsel vm6, v28, v16;
	vm7 =	veq.s32 v21, v9;
	v24 =	vld.idx.msk [tilespmem:v24+s12+$0x0], $0xffff;
	v19 =	vsel vm5, v26, v19  }
0x3d7: {  	vm4 =	vmand vm4, vm7;
	v21 =	vld.idx.msk [tilespmem:v25+s12+$0x0], $0xffff;
	vm5 =	veq.s32 v19, v9;
	v19 =	vxor.u32 $0x7FFFFFFF, v22  }
0x3d8: {  	v26 =	vsel vm4, $0x1, v1;
	vm3 =	vmand vm3, vm5;
	vm5 =	veq.s32 v16, v9  }
0x3d9: {  	vm2 =	vmand vm2, vm4;
	v16 =	vadd.s32 v26, v23;
	v25 =	vld.idx.msk [tilespmem:v27+s12+$0x0], $0xffff;
	v23 =	vsel vm3, $0x1, v1  }
0x3da: {  	v20 =	vsel vm2, v18, v20;
	vm2 =	veq.s32 v16, v10;
	v16 =	vadd.s32 v23, v16  }
0x3db: {  	vm1 =	vmand vm1, vm5;
	v23 =	vadd.s32 v2, v30;
	vm2 =	vmand vm3, vm2  }
0x3dc: {  	v26 =	vsel vm1, $0x1, v1;
	vm3 =	vlt.s32 v22, $0x0;
	v29 =	vadd.s32 v2, v24;
	v18 =	vmovc v24  }
.Ltmp38:
0x3dd: {  	v20 =	vsel vm2, v17, v20;
	vm2 =	veq.s32 v16, v10;
	v24 =	vadd.s32 v2, v21;
	v17 =	vmovc v21;
	(pc) =	sbr.rel @p1 .LBB2_92-.Ltmp38, $4  }
0x3de: {  	v26 =	vadd.s32 v26, v16;
	v16 =	vsel vm3, v19, v22;
	vm1 =	vmand vm1, vm2  }
0x3df: {  	s0 =	sadd.s32 $0x3, s22;
	v28 =	vsel vm1, v15, v20;
	vm1 =	veq.s32 v16, v9;
	v15 =	vmovc v30;
	v22 =	vadd.s32 v2, v25  }
0x3e0: {  	v27 =	vmov s0;
	vm0 =	vmand vm0, vm1;
	vm1 =	veq.s32 v26, v10;
	v16 =	vld.idx.msk [tilespmem:v23+s3+$0x0], $0xffff  }
0x3e1: {  	s24 =	sadd.s32 $0x40, s24;
	vm1 =	vmand vm0, vm1;
	v30 =	vsel vm0, $0x1, v1;
	v21 =	vld.idx.msk [tilespmem:v29+s3+$0x0], $0xffff  }
0x3e2: {  	v31 =	vmov v11;
	v11 =	vmov v25  }
0x3e3: {  	v29 =	vmovc v14;
	s0 =	smov.u32 s22;
	v25 =	vmovc v13;
	v23 =	vmov v18;
	v20 =	vmov v17;
	v19 =	vmov v15  }
.LBB2_94:
0x3e4: {  	_ =	sdelay $0x2  }
0x3e5: {  	vm0 =	vlt.s32 v27, v8;
	v14 =	vadd.s32 @p0 v30, v26  }
0x3e6: {  	v13 =	vld.idx.msk [tilespmem:v24+s3+$0x0], $0xffff;
	v15 =	vsel @p0 vm1, v31, v28;
	vm15 =	vlt.s32 v29, v8;
	v18 =	vmov s0  }
0x3e7: {  	v17 =	vld.idx.msk [tilespmem:v22+s3+$0x0], $0xffff;
	vm3 =	vlt.s32 v25, v8;
	v14 =	vpsel p0, v14, v12;
	vm4 =	vlt.s32 v18, v8  }
0x3e8: {  	v60 =	vxor.u32 $0x7FFFFFFF, v16;
	vm6 =	vlt.s32 v16, $0x0;
	v12 =	vpsel p0, v15, v12  }
0x3e9: {  	vm5 =	vlt.s32 v21, $0x0;
	v59 =	vxor.u32 $0x7FFFFFFF, v21;
	v16 =	vsel vm6, v60, v16  }
0x3ea: {  	vm2 =	veq.s32 v14, v10;
	v18 =	vsel vm5, v59, v21;
	vm10 =	veq.s32 v16, v9  }
0x3eb: {  	vm7 =	veq.s32 v18, v9;
	vm1 =	vmand vm15, vm10;
	vm9 =	vlt.s32 v13, $0x0  }
0x3ec: {  	v61 =	vxor.u32 $0x7FFFFFFF, v13;
	vm4 =	vmand vm4, vm7;
	vm12 =	vlt.s32 v17, $0x0  }
0x3ed: {  	v15 =	vsel vm1, $0x1, v1;
	v13 =	vsel vm9, v61, v13;
	v62 =	vsel vm4, $0x1, v1  }
0x3ee: {  	vm2 =	vmand vm2, vm4;
	vm5 =	veq.s32 v13, v9;
	v13 =	vxor.u32 $0x7FFFFFFF, v17  }
0x3ef: {  	v14 =	vadd.s32 v62, v14;
	v12 =	vsel vm2, v23, v12;
	vm3 =	vmand vm3, vm5  }
0x3f0: {  	vm11 =	veq.s32 v14, v10;
	v13 =	vsel vm12, v13, v17;
	v63 =	vsel vm3, $0x1, v1  }
.Ltmp39:
0x3f1: {  	vm2 =	vmand vm3, vm11;
	vm3 =	veq.s32 v13, v9;
	v14 =	vadd.s32 v63, v14;
	(pc) =	sbr.rel .LBB2_79-.Ltmp39, $4  }
0x3f2: {  	v12 =	vsel vm2, v20, v12;
	vm13 =	veq.s32 v14, v10;
	v14 =	vadd.s32 v15, v14  }
0x3f3: {  	vm0 =	vmand vm0, vm3;
	vm1 =	vmand vm1, vm13;
	vm14 =	veq.s32 v14, v10  }
0x3f4: {  	v13 =	vsel vm0, $0x1, v1;
	v12 =	vsel vm1, v19, v12;
	vm15 =	vmand vm0, vm14  }
0x3f5: {  	v11 =	vsel vm15, v11, v12;
	v12 =	vadd.s32 v13, v14  }
.LBB2_11:
0x3f6: {  	s0 =	simm.s32 $0x101C0  }
0x3f7: {  	[tilespmem:s0+$0xFFFFFFC0] =	vst v1  }
0x3f8: {  	[tilespmem:s0+$0x30] =	vst v1  }
0x3f9: {  	[tilespmem:s0+$0x20] =	vst v1  }
0x3fa: {  	[tilespmem:s0+$0x10] =	vst v1  }
0x3fb: {  	[tilespmem:s0+$0x0] =	vst v1  }
0x3fc: {  	[tilespmem:s0+$0xFFFFFFF0] =	vst v1  }
0x3fd: {  	s1 =	simm.s32 $0x0;
	[tilespmem:s0+$0xFFFFFFE0] =	vst v1  }
.LBB2_12:
0x3fe: {  	s1 =	sadd.s32 $0x8, s1;
	[tilespmem:s0+$0xFFFFFFD0] =	vst v1;
	s0 =	sadd.s32 $0x80, s0  }
0x3ff: {  	[tilespmem:s0+$0xFFFFFFC0] =	vst v1;
	p0 =	slt.u32 s1, $0xF8  }
0x400: {  	[tilespmem:s0+$0x30] =	vst v1  }
.Ltmp40:
0x401: {  	[tilespmem:s0+$0x20] =	vst v1;
	(pc) =	sbr.rel @p0 .LBB2_12-.Ltmp40, $4  }
0x402: {  	[tilespmem:s0+$0x10] =	vst v1  }
0x403: {  	[tilespmem:s0+$0x0] =	vst v1  }
0x404: {  	[tilespmem:s0+$0xFFFFFFF0] =	vst v1  }
0x405: {  	[tilespmem:s0+$0xFFFFFFE0] =	vst v1  }
0x406: {  	s1 =	simm.s32 $0x2  }
0x407: {  	s25 =	simm.s32 $0x6;
	v8 =	vor.u32 s1, v2  }
0x408: {  	s2 =	simm.s32 $0x4;
	v11 =	vor.u32 s25, v2  }
0x409: {  	s28 =	simm.s32 $0x5;
	v12 =	vor.u32 s2, v2  }
0x40a: {  	s26 =	simm.s32 $0x7;
	v14 =	vor.u32 s28, v2  }
0x40b: {  	[tilespmem:s0+$0xFFFFFFD0] =	vst v1;
	v13 =	vor.u32 s26, v2  }
0x40c: {  	v8 =	vld.idx.msk [tilespmem:v8+s3+$0x0], $0xffff  }
0x40d: {  	v11 =	vld.idx.msk [tilespmem:v11+s3+$0x0], $0xffff  }
0x40e: {  	s29 =	simm.s32 $0x1;
	v17 =	vld.idx.msk [tilespmem:v12+s3+$0x0], $0xffff  }
0x40f: {  	s31 =	simm.s32 $0x3;
	v15 =	vor.u32 s29, v2;
	v14 =	vld.idx.msk [tilespmem:v14+s3+$0x0], $0xffff  }
0x410: {  	s30 =	simm.s32 $0x0;
	v21 =	vld.idx.msk [tilespmem:v13+s3+$0x0], $0xffff;
	v13 =	vor.u32 s31, v2  }
0x411: {  	v16 =	vor.u32 s30, v2  }
0x412: {  	v18 =	vshra.s32 v8, $0x10  }
0x413: {  	vm0 =	vlt.s32 v8, $0x0;
	v19 =	vshra.s32 v11, $0x10;
	v20 =	vshra.s32 v17, $0x10  }
0x414: {  	v12 =	vld.idx.msk [tilespmem:v15+s3+$0x0], $0xffff;
	vm6 =	vlt.s32 v14, $0x0;
	v14 =	vshra.s32 v14, $0x10;
	v8 =	vxor.u32 $0x7FFF, v18  }
0x415: {  	v22 =	vld.idx.msk [tilespmem:v13+s3+$0x0], $0xffff;
	v13 =	vshra.s32 v21, $0x10;
	vm4 =	vlt.s32 v21, $0x0;
	v8 =	vsel vm0, v8, v18  }
0x416: {  	v18 =	vld.idx.msk [tilespmem:v16+s3+$0x0], $0xffff;
	vm0 =	vlt.s32 v11, $0x0;
	v15 =	vshra.s32 v8, $0x8;
	v8 =	vshll.u32 v8, $0x4  }
0x417: {  	v11 =	vxor.u32 $0x7FFF, v19;
	vm1 =	veq.s32 v15, v10;
	v16 =	vor.u32 v0, v8  }
0x418: {  	v8 =	vsel vm0, v11, v19;
	vm0 =	vlt.s32 v17, $0x0;
	v11 =	vxor.u32 $0x7FFF, v20  }
0x419: {  	v15 =	vshra.s32 v12, $0x10;
	v17 =	vsel vm0, v11, v20;
	v11 =	vshra.s32 v8, $0x8  }
0x41a: {  	vm2 =	vlt.s32 v22, $0x0;
	vm0 =	veq.s32 v11, v10;
	v11 =	vshra.s32 v22, $0x10  }
0x41b: {  	v21 =	vshra.s32 v17, $0x8;
	v22 =	vxor.u32 $0x7FFF, v14;
	v19 =	vshra.s32 v18, $0x10  }
0x41c: {  	vm5 =	vlt.s32 v18, $0x0;
	v18 =	vxor.u32 $0x7FFF, v15;
	vm3 =	veq.s32 v21, v10  }
0x41d: {  	v21 =	vshll.u32 v17, $0x4;
	v17 =	vsel vm6, v22, v14;
	v14 =	vxor.u32 $0x7FFF, v11  }
0x41e: {  	s19 =	simm.s32 $0x8;
	v22 =	vshll.u32 v8, $0x4;
	v20 =	vxor.u32 $0x7FFF, v19;
	v21 =	vor.u32 v0, v21  }
.LBB2_14:
0x41f: {  	s0 =	sadd.s32 $0x1, s19  }
0x420: {  	s1 =	sadd.s32 $0x2, s19;
	s2 =	sadd.s32 $0x3, s19;
	vm6 =	vlt.s32 v12, $0x0;
	v12 =	vand.u32 $0xFFF, v21;
	v21 =	vor.u32 v0, v22;
	s6 =	smov.u32 s19  }
0x421: {  	s7 =	sadd.s32 $0x6, s19;
	v16 =	vand.u32 $0xFFF, v16;
	v22 =	vor.u32 s0, v2;
	v23 =	vor.u32 s1, v2;
	s0 =	sadd.s32 $0x4, s19;
	s1 =	sadd.s32 $0x5, s19  }
0x422: {  	p0 =	slt.u32 s19, $0xFF8;
	v19 =	vsel vm5, v20, v19;
	s19 =	sadd.s32 $0x8, s19;
	v24 =	vor.u32 s0, v2;
	v25 =	vor.u32 s1, v2;
	s0 =	sadd.s32 $0x7, s6  }
0x423: {  	v27 =	vshll.u32 v17, $0x4;
	v20 =	vor.u32 s7, v2;
	v26 =	vor.u32 s0, v2  }
0x424: {  	v28 =	vshra.s32 v19, $0x8;
	v15 =	vsel vm6, v18, v15;
	v18 =	vxor.u32 $0x7FFF, v13  }
0x425: {  	v8 =	vimm.s32 $0x0;
	v19 =	vshll.u32 v19, $0x4;
	[tilespmem:v12+s11+$0x0] =	vst.idx.add.s32.msk vm3, v4;
	v12 =	vsel vm4, v18, v13  }
0x426: {  	v21 =	vand.u32 $0xFFF, v21;
	v13 =	vor.u32 s6, v2;
	v18 =	vld.idx.msk [tilespmem:v23+s3+$0x0], $0xffff;
	v23 =	vshra.s32 v12, $0x8  }
0x427: {  	v29 =	vshra.s32 v15, $0x8;
	v15 =	vshll.u32 v15, $0x4;
	v12 =	vshll.u32 v12, $0x4;
	v24 =	vld.idx.msk [tilespmem:v24+s3+$0x0], $0xffff  }
0x428: {  	vm4 =	veq.s32 v29, v10;
	v12 =	vor.u32 v0, v12;
	[tilespmem:v16+s11+$0x0] =	vst.idx.add.s32.msk vm1, v4;
	v16 =	vshra.s32 v17, $0x8  }
0x429: {  	v15 =	vor.u32 v0, v15;
	v17 =	vld.idx.msk [tilespmem:v26+s3+$0x0], $0xffff;
	vm6 =	veq.s32 v16, v10;
	v16 =	vor.u32 v0, v27  }
0x42a: {  	v15 =	vand.u32 $0xFFF, v15;
	v26 =	vor.u32 s2, v2;
	v20 =	vld.idx.msk [tilespmem:v20+s3+$0x0], $0xffff;
	v16 =	vand.u32 $0xFFF, v16  }
0x42b: {  	v19 =	vor.u32 v0, v19;
	vm3 =	veq.s32 v23, v10;
	v23 =	vand.u32 $0xFFF, v12  }
0x42c: {  	v11 =	vsel vm2, v14, v11;
	vm5 =	veq.s32 v28, v10;
	v27 =	vld.idx.msk [tilespmem:v13+s3+$0x0], $0xffff;
	v13 =	vshra.s32 v18, $0x10  }
0x42d: {  	vm1 =	vlt.s32 v18, $0x0;
	v14 =	vxor.u32 $0x7FFF, v13;
	v18 =	vld.idx.msk [tilespmem:v25+s3+$0x0], $0xffff;
	v25 =	vshll.u32 v11, $0x4  }
0x42e: {  	v12 =	vld.idx.msk [tilespmem:v22+s3+$0x0], $0xffff;
	v13 =	vsel vm1, v14, v13;
	v14 =	vand.u32 $0xFFF, v19;
	v19 =	vor.u32 v0, v25  }
0x42f: {  	v22 =	vshra.s32 v13, $0x8;
	v13 =	vshll.u32 v13, $0x4;
	v25 =	vld.idx.msk [tilespmem:v26+s3+$0x0], $0xffff;
	v26 =	vand.u32 $0xFFF, v19  }
0x430: {  	vm2 =	vlt.s32 v20, $0x0;
	v19 =	vshra.s32 v20, $0x10;
	vm1 =	veq.s32 v22, v10;
	[tilespmem:v15+s11+$0x0] =	vst.idx.add.s32.msk vm4, v4  }
0x431: {  	v11 =	vshra.s32 v11, $0x8;
	v20 =	vshra.s32 v24, $0x10;
	v15 =	vxor.u32 $0x7FFF, v19;
	[tilespmem:v16+s11+$0x0] =	vst.idx.add.s32.msk vm6, v4  }
0x432: {  	v16 =	vor.u32 v0, v13;
	v22 =	vsel vm2, v15, v19;
	vm6 =	veq.s32 v11, v10  }
0x433: {  	v13 =	vshra.s32 v17, $0x10;
	vm7 =	vlt.s32 v18, $0x0;
	v28 =	vshra.s32 v18, $0x10;
	[tilespmem:v21+s11+$0x0] =	vst.idx.add.s32.msk vm0, v4  }
0x434: {  	v11 =	vxor.u32 $0x7FFF, v20;
	v15 =	vshra.s32 v12, $0x10;
	vm0 =	vlt.s32 v24, $0x0;
	[tilespmem:v14+s11+$0x0] =	vst.idx.add.s32.msk vm5, v4  }
0x435: {  	v19 =	vshra.s32 v27, $0x10;
	v14 =	vsel vm0, v11, v20;
	v11 =	vshra.s32 v22, $0x8;
	[tilespmem:v23+s11+$0x0] =	vst.idx.add.s32.msk vm3, v4  }
.Ltmp41:
0x436: {  	vm5 =	vlt.s32 v27, $0x0;
	v18 =	vxor.u32 $0x7FFF, v15;
	vm0 =	veq.s32 v11, v10;
	(pc) =	sbr.rel @p0 .LBB2_14-.Ltmp41, $4  }
0x437: {  	vm4 =	vlt.s32 v17, $0x0;
	v20 =	vxor.u32 $0x7FFF, v19;
	vm2 =	vlt.s32 v25, $0x0  }
0x438: {  	v21 =	vxor.u32 $0x7FFF, v28;
	v11 =	vshra.s32 v25, $0x10;
	v17 =	vshra.s32 v14, $0x8;
	[tilespmem:v26+s11+$0x0] =	vst.idx.add.s32.msk vm6, v4  }
0x439: {  	v23 =	vshll.u32 v14, $0x4;
	vm3 =	veq.s32 v17, v10;
	v17 =	vsel vm7, v21, v28  }
0x43a: {  	s18 =	simm.s32 $0xFF;
	s0 =	simm.s32 $0x11170;
	v22 =	vshll.u32 v22, $0x4;
	v14 =	vxor.u32 $0x7FFF, v11;
	v21 =	vor.u32 v0, v23  }
0x43b: {  	vm6 =	vlt.s32 v12, $0x0  }
0x43c: {  	v12 =	vand.u32 $0xFFF, v21;
	v60 =	vor.u32 v0, v22;
	v19 =	vsel vm5, v20, v19  }
0x43d: {  	v16 =	vand.u32 $0xFFF, v16;
	v20 =	vshll.u32 v17, $0x4;
	v17 =	vshra.s32 v17, $0x8  }
0x43e: {  	v11 =	vsel vm2, v14, v11;
	v61 =	vshra.s32 v19, $0x8;
	v15 =	vsel vm6, v18, v15  }
0x43f: {  	v18 =	vxor.u32 $0x7FFF, v13;
	v19 =	vshll.u32 v19, $0x4;
	vm5 =	veq.s32 v17, v10  }
0x440: {  	v17 =	vor.u32 v0, v20;
	v13 =	vsel vm4, v18, v13;
	v18 =	vand.u32 $0xFFF, v60  }
0x441: {  	v62 =	vshra.s32 v15, $0x8;
	v15 =	vshll.u32 v15, $0x4;
	v17 =	vand.u32 $0xFFF, v17  }
0x442: {  	v19 =	vor.u32 v0, v19;
	vm2 =	veq.s32 v61, v10;
	vm4 =	veq.s32 v62, v10  }
0x443: {  	v63 =	vshra.s32 v13, $0x8;
	v13 =	vshll.u32 v13, $0x4;
	v15 =	vor.u32 v0, v15  }
0x444: {  	v14 =	vand.u32 $0xFFF, v19;
	v15 =	vand.u32 $0xFFF, v15;
	v13 =	vor.u32 v0, v13  }
0x445: {  	vm6 =	veq.s32 v63, v10;
	[tilespmem:v12+s11+$0x0] =	vst.idx.add.s32.msk vm3, v4;
	v12 =	vshll.u32 v11, $0x4;
	v11 =	vshra.s32 v11, $0x8  }
0x446: {  	[tilespmem:v16+s11+$0x0] =	vst.idx.add.s32.msk vm1, v4;
	v13 =	vand.u32 $0xFFF, v13;
	v12 =	vor.u32 v0, v12;
	vm1 =	veq.s32 v11, v10  }
0x447: {  	v11 =	vand.u32 $0xFFF, v12;
	[tilespmem:v17+s11+$0x0] =	vst.idx.add.s32.msk vm5, v4  }
0x448: {  	[tilespmem:v18+s11+$0x0] =	vst.idx.add.s32.msk vm0, v4  }
0x449: {  	[tilespmem:v14+s11+$0x0] =	vst.idx.add.s32.msk vm2, v4  }
0x44a: {  	[tilespmem:v15+s11+$0x0] =	vst.idx.add.s32.msk vm4, v4  }
0x44b: {  	[tilespmem:v13+s11+$0x0] =	vst.idx.add.s32.msk vm6, v4  }
0x44c: {  	[tilespmem:v11+s11+$0x0] =	vst.idx.add.s32.msk vm1, v4  }
0x44d: {  	v11 =	vld [tilespmem:s0+$0x0]  }
0x44e: {  	v12 =	vld [tilespmem:s0+$0xFFFFFFF0];
	_ =	sdelay $0x1  }
0x44f: {  	v13 =	vld [tilespmem:s0+$0xFFFFFFE0]  }
0x450: {  	v15 =	vld [tilespmem:s0+$0xFFFFFFD0]  }
0x451: {  	s1 =	simm.s32 $0x11130;
	v18 =	vadd.s32 v8, v11  }
0x452: {  	vm0 =	vlt.s32 v8, v9;
	vm1 =	vge.s32 v18, v9;
	v14 =	vadd.s32 v12, v18;
	v12 =	vld [tilespmem:s1+$0x0]  }
0x453: {  	v16 =	vld [tilespmem:s1+$0xFFFFFFF0];
	vm2 =	vlt.s32 v18, v9;
	vm1 =	vmand vm0, vm1;
	vm0 =	vge.s32 v14, v9  }
0x454: {  	v19 =	vld [tilespmem:s1+$0xFFFFFFE0];
	v11 =	vadd.s32 v13, v14;
	vm3 =	vlt.s32 v14, v9;
	vm0 =	vmand vm2, vm0  }
0x455: {  	vm4 =	vge.s32 v11, v9;
	v13 =	vadd.s32 v15, v11;
	vm2 =	vlt.s32 v11, v9  }
0x456: {  	v20 =	vsel vm1, v8, v8;
	v17 =	vsel vm1, s18, v8;
	vm6 =	vlt.s32 v13, v9  }
0x457: {  	vm5 =	vge.s32 v13, v9;
	v18 =	vsel vm0, v18, v20;
	v12 =	vadd.s32 v13, v12  }
0x458: {  	s7 =	simm.s32 $0xFE;
	s6 =	simm.s32 $0xFD;
	vm1 =	vmand vm2, vm5;
	vm2 =	vge.s32 v12, v9;
	v15 =	vadd.s32 v16, v12;
	v16 =	vld [tilespmem:s1+$0xFFFFFFD0]  }
0x459: {  	s2 =	simm.s32 $0x110F0;
	s0 =	simm.s32 $0x4;
	vm5 =	vlt.s32 v12, v9;
	s1 =	simm.s32 $0xFF;
	vm2 =	vmand vm6, vm2;
	v8 =	vadd.s32 v19, v15  }
.LBB2_16:
0x45a: {  	v19 =	vld [tilespmem:s2+$0x0];
	s0 =	sadd.s32 $0x4, s0;
	vm6 =	vge.s32 v15, v9;
	v17 =	vsel vm0, s7, v17;
	vm3 =	vmand vm3, vm4;
	s18 =	sadd.s32 $0xFFFFFFFC, s18  }
0x45b: {  	v20 =	vld [tilespmem:s2+$0xFFFFFFF0];
	p0 =	slt.u32 s0, $0xFC;
	vm0 =	vmand vm5, vm6;
	v17 =	vsel vm3, s6, v17;
	v18 =	vsel vm3, v14, v18;
	s6 =	sadd.s32 $0xFFFFFFFD, s1;
	v14 =	vmovc v15;
	s1 =	smov.u32 s18  }
0x45c: {  	vm4 =	vge.s32 v8, v9;
	v21 =	vld [tilespmem:s2+$0xFFFFFFE0];
	vm3 =	vlt.s32 v14, v9;
	v15 =	vsel vm1, s6, v17  }
.Ltmp42:
0x45d: {  	vm5 =	vlt.s32 v8, v9;
	v17 =	vsel vm1, v11, v18;
	v11 =	vmovc v8;
	v16 =	vadd.s32 v16, v8;
	(pc) =	sbr.rel @p0 .LBB2_16-.Ltmp42, $4  }
0x45e: {  	v18 =	vsel vm2, v13, v17;
	vm6 =	vlt.s32 v16, v9;
	vm1 =	vge.s32 v16, v9;
	v13 =	vmovc v16  }
0x45f: {  	v17 =	vsel vm2, s18, v15;
	v19 =	vadd.s32 v16, v19;
	vm1 =	vmand vm5, vm1  }
0x460: {  	s7 =	sadd.s32 $0xFFFFFFFF, s18;
	s6 =	sadd.s32 $0xFFFFFFFE, s18;
	vm2 =	vge.s32 v19, v9;
	v15 =	vadd.s32 v20, v19;
	vm5 =	vlt.s32 v19, v9;
	v16 =	vld [tilespmem:s2+$0xFFFFFFD0]  }
0x461: {  	v18 =	vsel vm0, v12, v18;
	s2 =	sadd.s32 $0xFFFFFFC0, s2;
	v12 =	vmovc v19;
	vm2 =	vmand vm6, vm2;
	v8 =	vadd.s32 v21, v15  }
0x462: {  	vm6 =	vge.s32 v15, v9;
	v17 =	vsel vm0, s7, v17;
	vm10 =	vmand vm3, vm4;
	s0 =	simm.s32 $0x101C0  }
0x463: {  	vm12 =	vlt.s32 v15, v9;
	vm13 =	vge.s32 v8, v9;
	vm14 =	vlt.s32 v8, v9;
	[tilespmem:s0+$0xFFFFFFC0] =	vst v1  }
0x464: {  	s1 =	sadd.s32 $0xFFFFFFFD, s1;
	vm11 =	vmand vm5, vm6;
	v17 =	vsel vm10, s6, v17;
	v14 =	vsel vm10, v14, v18;
	[tilespmem:s0+$0x30] =	vst v1  }
0x465: {  	s30 =	sadd.s32 $0xFFFFFFFC, s18;
	[tilespmem:s0+$0x20] =	vst v1;
	vm0 =	vmand vm12, vm13;
	v17 =	vsel vm1, s1, v17;
	v11 =	vsel vm1, v11, v14  }
0x466: {  	s2 =	sadd.s32 $0xFFFFFFFF, s30;
	[tilespmem:s0+$0x10] =	vst v1;
	v16 =	vadd.s32 v16, v8;
	v11 =	vsel vm2, v13, v11;
	v13 =	vsel vm2, s30, v17  }
0x467: {  	s31 =	sadd.s32 $0xFFFFFFFE, s30;
	[tilespmem:s0+$0x0] =	vst v1;
	vm15 =	vge.s32 v16, v9;
	v11 =	vsel vm11, v12, v11;
	v12 =	vsel vm11, s2, v13  }
0x468: {  	[tilespmem:s0+$0xFFFFFFF0] =	vst v1;
	s1 =	sadd.s32 $0xFFFFFFFD, s30;
	vm1 =	vmand vm14, vm15;
	v12 =	vsel vm0, s31, v12;
	v11 =	vsel vm0, v15, v11  }
0x469: {  	[tilespmem:s0+$0xFFFFFFE0] =	vst v1;
	v12 =	vsel vm1, s1, v12;
	v11 =	vsel vm1, v8, v11;
	s1 =	simm.s32 $0x0  }
.LBB2_18:
0x46a: {  	s1 =	sadd.s32 $0x8, s1;
	[tilespmem:s0+$0xFFFFFFD0] =	vst v1;
	s0 =	sadd.s32 $0x80, s0  }
0x46b: {  	[tilespmem:s0+$0xFFFFFFC0] =	vst v1;
	p0 =	slt.u32 s1, $0xF8  }
0x46c: {  	[tilespmem:s0+$0x30] =	vst v1  }
.Ltmp43:
0x46d: {  	[tilespmem:s0+$0x20] =	vst v1;
	(pc) =	sbr.rel @p0 .LBB2_18-.Ltmp43, $4  }
0x46e: {  	[tilespmem:s0+$0x10] =	vst v1  }
0x46f: {  	[tilespmem:s0+$0x0] =	vst v1  }
0x470: {  	[tilespmem:s0+$0xFFFFFFF0] =	vst v1  }
0x471: {  	[tilespmem:s0+$0xFFFFFFE0] =	vst v1  }
0x472: {  	s1 =	simm.s32 $0x2  }
0x473: {  	s24 =	simm.s32 $0x6;
	v8 =	vor.u32 s1, v2  }
0x474: {  	s25 =	simm.s32 $0x1;
	v13 =	vor.u32 s24, v2  }
0x475: {  	s26 =	simm.s32 $0x5;
	v14 =	vor.u32 s25, v2  }
0x476: {  	s29 =	simm.s32 $0x4;
	v15 =	vor.u32 s26, v2  }
0x477: {  	[tilespmem:s0+$0xFFFFFFD0] =	vst v1;
	s28 =	simm.s32 $0x7;
	v18 =	vor.u32 s29, v2  }
0x478: {  	s30 =	simm.s32 $0x0;
	v16 =	vor.u32 s28, v2;
	v17 =	vld.idx.msk [tilespmem:v8+s3+$0x0], $0xffff  }
0x479: {  	s31 =	simm.s32 $0x3;
	v19 =	vor.u32 s30, v2;
	v13 =	vld.idx.msk [tilespmem:v13+s3+$0x0], $0xffff  }
0x47a: {  	v20 =	vor.u32 s31, v2;
	v14 =	vld.idx.msk [tilespmem:v14+s3+$0x0], $0xffff  }
0x47b: {  	v8 =	vshll.u32 v10, $0x8;
	v15 =	vld.idx.msk [tilespmem:v15+s3+$0x0], $0xffff  }
0x47c: {  	v8 =	vor.u32 v8, v12;
	v12 =	vld.idx.msk [tilespmem:v18+s3+$0x0], $0xffff  }
0x47d: {  	v21 =	vld.idx.msk [tilespmem:v16+s3+$0x0], $0xffff  }
0x47e: {  	vm0 =	vlt.s32 v17, $0x0;
	v10 =	vshra.s32 v17, $0x8;
	v16 =	vshra.s32 v13, $0x8;
	v17 =	vld.idx.msk [tilespmem:v19+s3+$0x0], $0xffff  }
0x47f: {  	vm1 =	vlt.s32 v13, $0x0;
	v19 =	vld.idx.msk [tilespmem:v20+s3+$0x0], $0xffff;
	vm4 =	vlt.s32 v14, $0x0;
	v20 =	vshra.s32 v14, $0x8  }
0x480: {  	vm5 =	vlt.s32 v15, $0x0;
	v15 =	vshra.s32 v15, $0x8;
	v18 =	vxor.u32 $0x7FFFFF, v10  }
0x481: {  	v13 =	vxor.u32 $0x7FFFFF, v16;
	v22 =	vxor.u32 $0x7FFFFF, v20;
	vm2 =	vlt.s32 v12, $0x0  }
0x482: {  	v13 =	vsel vm1, v13, v16;
	v16 =	vsel vm0, v18, v10;
	vm1 =	vlt.s32 v21, $0x0  }
0x483: {  	v10 =	vshll.u32 v13, $0x4;
	v18 =	vshra.s32 v16, $0x8;
	v16 =	vshll.u32 v16, $0x4  }
0x484: {  	v13 =	vshra.s32 v13, $0x8;
	v10 =	vor.u32 v0, v10;
	vm0 =	veq.s32 v18, v8  }
0x485: {  	v23 =	vor.u32 v0, v16;
	vm3 =	vlt.s32 v17, $0x0;
	v14 =	vshra.s32 v17, $0x8  }
0x486: {  	v17 =	vsel vm4, v22, v20;
	vm6 =	vlt.s32 v19, $0x0;
	v19 =	vshra.s32 v19, $0x8  }
0x487: {  	v22 =	vxor.u32 $0x7FFFFF, v15;
	v18 =	vshra.s32 v17, $0x8;
	v17 =	vshll.u32 v17, $0x4  }
0x488: {  	v16 =	vxor.u32 $0x7FFFFF, v19;
	vm4 =	veq.s32 v18, v8;
	v17 =	vor.u32 v0, v17  }
0x489: {  	v20 =	vsel vm6, v16, v19;
	v18 =	vsel vm5, v22, v15;
	v19 =	vshra.s32 v21, $0x8  }
0x48a: {  	s18 =	simm.s32 $0x8;
	v16 =	vand.u32 $0xFFF, v17;
	v17 =	vand.u32 $0xFFF, v23;
	v15 =	vshra.s32 v20, $0x8  }
.LBB2_20:
0x48b: {  	s0 =	sadd.s32 $0x1, s18  }
0x48c: {  	s1 =	sadd.s32 $0x2, s18;
	s2 =	sadd.s32 $0x3, s18;
	v20 =	vshll.u32 v20, $0x4;
	v12 =	vshra.s32 v12, $0x8;
	v21 =	vshll.u32 v18, $0x4;
	s6 =	smov.u32 s18  }
0x48d: {  	s7 =	sadd.s32 $0x6, s18;
	v24 =	vxor.u32 $0x7FFFFF, v14;
	v22 =	vor.u32 s0, v2;
	v23 =	vor.u32 s1, v2;
	s0 =	sadd.s32 $0x4, s18;
	s1 =	sadd.s32 $0x5, s18  }
0x48e: {  	p0 =	slt.u32 s18, $0xFF8;
	v18 =	vshra.s32 v18, $0x8;
	s18 =	sadd.s32 $0x8, s18;
	v25 =	vor.u32 s0, v2;
	v26 =	vor.u32 s1, v2;
	s0 =	sadd.s32 $0x7, s6  }
0x48f: {  	v27 =	vor.u32 s7, v2;
	v28 =	vor.u32 s0, v2;
	[tilespmem:v16+s11+$0x0] =	vst.idx.add.s32.msk vm4, v4;
	v16 =	vxor.u32 $0x7FFFFF, v19  }
0x490: {  	v21 =	vor.u32 v0, v21;
	[tilespmem:v17+s11+$0x0] =	vst.idx.add.s32.msk vm0, v4;
	v17 =	vxor.u32 $0x7FFFFF, v12;
	v16 =	vsel vm1, v16, v19  }
0x491: {  	v14 =	vsel vm3, v24, v14;
	v12 =	vsel vm2, v17, v12;
	v17 =	vand.u32 $0xFFF, v21  }
0x492: {  	v19 =	vor.u32 s6, v2;
	v21 =	vld.idx.msk [tilespmem:v23+s3+$0x0], $0xffff;
	v23 =	vshra.s32 v12, $0x8;
	v12 =	vshll.u32 v12, $0x4  }
0x493: {  	v22 =	vld.idx.msk [tilespmem:v22+s3+$0x0], $0xffff;
	vm1 =	veq.s32 v23, v8;
	v12 =	vor.u32 v0, v12;
	v23 =	vshra.s32 v16, $0x8  }
0x494: {  	v20 =	vor.u32 v0, v20;
	v24 =	vld.idx.msk [tilespmem:v27+s3+$0x0], $0xffff;
	v27 =	vand.u32 $0xFFF, v12;
	v12 =	vshll.u32 v16, $0x4  }
0x495: {  	v20 =	vand.u32 $0xFFF, v20;
	vm0 =	veq.s32 v18, v8;
	v16 =	vld.idx.msk [tilespmem:v26+s3+$0x0], $0xffff;
	v12 =	vor.u32 v0, v12  }
0x496: {  	v18 =	vor.u32 s2, v2;
	vm2 =	veq.s32 v15, v8;
	v15 =	vand.u32 $0xFFF, v12  }
0x497: {  	vm3 =	veq.s32 v23, v8;
	v12 =	vshra.s32 v14, $0x8;
	v14 =	vshll.u32 v14, $0x4;
	v26 =	vld.idx.msk [tilespmem:v28+s3+$0x0], $0xffff  }
0x498: {  	vm4 =	veq.s32 v12, v8;
	v14 =	vor.u32 v0, v14;
	v19 =	vld.idx.msk [tilespmem:v19+s3+$0x0], $0xffff  }
0x499: {  	vm6 =	veq.s32 v13, v8;
	v13 =	vand.u32 $0xFFF, v10;
	v14 =	vand.u32 $0xFFF, v14;
	v12 =	vld.idx.msk [tilespmem:v25+s3+$0x0], $0xffff  }
0x49a: {  	vm5 =	vlt.s32 v21, $0x0;
	v10 =	vshra.s32 v21, $0x8;
	v21 =	vshra.s32 v24, $0x8;
	[tilespmem:v27+s11+$0x0] =	vst.idx.add.s32.msk vm1, v4  }
0x49b: {  	v23 =	vxor.u32 $0x7FFFFF, v10;
	vm1 =	vlt.s32 v24, $0x0;
	v24 =	vxor.u32 $0x7FFFFF, v21;
	v18 =	vld.idx.msk [tilespmem:v18+s3+$0x0], $0xffff  }
0x49c: {  	vm7 =	vlt.s32 v22, $0x0;
	v22 =	vshra.s32 v22, $0x8;
	v21 =	vsel vm1, v24, v21;
	[tilespmem:v20+s11+$0x0] =	vst.idx.add.s32.msk vm2, v4  }
0x49d: {  	v20 =	vsel vm5, v23, v10;
	vm5 =	vlt.s32 v16, $0x0;
	v10 =	vshll.u32 v21, $0x4;
	[tilespmem:v15+s11+$0x0] =	vst.idx.add.s32.msk vm3, v4  }
0x49e: {  	vm1 =	vlt.s32 v26, $0x0;
	v15 =	vshra.s32 v20, $0x8;
	v10 =	vor.u32 v0, v10;
	[tilespmem:v14+s11+$0x0] =	vst.idx.add.s32.msk vm4, v4  }
0x49f: {  	v24 =	vshra.s32 v16, $0x8;
	v23 =	vxor.u32 $0x7FFFFF, v22;
	vm2 =	vlt.s32 v12, $0x0;
	[tilespmem:v13+s11+$0x0] =	vst.idx.add.s32.msk vm6, v4  }
0x4a0: {  	vm3 =	vlt.s32 v19, $0x0;
	v14 =	vshra.s32 v19, $0x8;
	v13 =	vsel vm7, v23, v22;
	[tilespmem:v17+s11+$0x0] =	vst.idx.add.s32.msk vm0, v4  }
0x4a1: {  	vm0 =	veq.s32 v15, v8;
	v15 =	vshll.u32 v20, $0x4;
	vm6 =	vlt.s32 v18, $0x0  }
.Ltmp44:
0x4a2: {  	v16 =	vshra.s32 v13, $0x8;
	v17 =	vshra.s32 v18, $0x8;
	v18 =	vxor.u32 $0x7FFFFF, v24;
	(pc) =	sbr.rel @p0 .LBB2_20-.Ltmp44, $4  }
0x4a3: {  	v13 =	vshll.u32 v13, $0x4;
	v15 =	vor.u32 v0, v15;
	v19 =	vxor.u32 $0x7FFFFF, v17  }
0x4a4: {  	vm4 =	veq.s32 v16, v8;
	v13 =	vor.u32 v0, v13;
	v20 =	vsel vm6, v19, v17  }
0x4a5: {  	v18 =	vsel vm5, v18, v24;
	v16 =	vand.u32 $0xFFF, v13;
	v19 =	vshra.s32 v26, $0x8  }
0x4a6: {  	v17 =	vand.u32 $0xFFF, v15;
	v13 =	vshra.s32 v21, $0x8;
	v15 =	vshra.s32 v20, $0x8  }
0x4a7: {  	_ =	sdelay $0x2  }
0x4a8: {  	v12 =	vshra.s32 v12, $0x8;
	v21 =	vxor.u32 $0x7FFFFF, v19  }
0x4a9: {  	v20 =	vshll.u32 v20, $0x4;
	v60 =	vshll.u32 v18, $0x4;
	v61 =	vxor.u32 $0x7FFFFF, v14  }
0x4aa: {  	[tilespmem:v16+s11+$0x0] =	vst.idx.add.s32.msk vm4, v4;
	vm4 =	veq.s32 v13, v8;
	v10 =	vand.u32 $0xFFF, v10;
	v22 =	vxor.u32 $0x7FFFFF, v12  }
0x4ab: {  	v19 =	vsel vm1, v21, v19;
	v14 =	vsel vm3, v61, v14;
	v20 =	vor.u32 v0, v20  }
0x4ac: {  	v12 =	vsel vm2, v22, v12;
	v63 =	vshra.s32 v19, $0x8;
	v19 =	vshll.u32 v19, $0x4  }
0x4ad: {  	v20 =	vand.u32 $0xFFF, v20;
	vm2 =	veq.s32 v15, v8;
	v15 =	vshra.s32 v14, $0x8  }
0x4ae: {  	v14 =	vshll.u32 v14, $0x4;
	v62 =	vshra.s32 v12, $0x8;
	v12 =	vshll.u32 v12, $0x4  }
0x4af: {  	v19 =	vor.u32 v0, v19;
	vm3 =	veq.s32 v63, v8;
	vm5 =	veq.s32 v15, v8  }
0x4b0: {  	v14 =	vor.u32 v0, v14;
	v15 =	vshra.s32 v18, $0x8;
	v19 =	vand.u32 $0xFFF, v19  }
0x4b1: {  	vm1 =	veq.s32 v62, v8;
	v12 =	vor.u32 v0, v12;
	v14 =	vand.u32 $0xFFF, v14  }
0x4b2: {  	[tilespmem:v17+s11+$0x0] =	vst.idx.add.s32.msk vm0, v4;
	v13 =	vor.u32 v0, v60;
	vm0 =	veq.s32 v15, v8;
	v12 =	vand.u32 $0xFFF, v12  }
0x4b3: {  	v13 =	vand.u32 $0xFFF, v13;
	[tilespmem:v10+s11+$0x0] =	vst.idx.add.s32.msk vm4, v4  }
0x4b4: {  	[tilespmem:v20+s11+$0x0] =	vst.idx.add.s32.msk vm2, v4  }
0x4b5: {  	[tilespmem:v19+s11+$0x0] =	vst.idx.add.s32.msk vm3, v4  }
0x4b6: {  	[tilespmem:v14+s11+$0x0] =	vst.idx.add.s32.msk vm5, v4  }
0x4b7: {  	[tilespmem:v12+s11+$0x0] =	vst.idx.add.s32.msk vm1, v4  }
0x4b8: {  	s0 =	simm.s32 $0x11170;
	[tilespmem:v13+s11+$0x0] =	vst.idx.add.s32.msk vm0, v4  }
0x4b9: {  	v10 =	vld [tilespmem:s0+$0x0]  }
0x4ba: {  	v12 =	vld [tilespmem:s0+$0xFFFFFFF0];
	_ =	sdelay $0x1  }
0x4bb: {  	v14 =	vld [tilespmem:s0+$0xFFFFFFE0]  }
0x4bc: {  	v15 =	vimm.s32 $0x0;
	v16 =	vld [tilespmem:s0+$0xFFFFFFD0]  }
0x4bd: {  	v9 =	vsub.s32 v9, v11;
	s1 =	simm.s32 $0x11130;
	v18 =	vadd.s32 v15, v10  }
0x4be: {  	vm0 =	vlt.s32 v15, v9;
	v11 =	vld [tilespmem:s1+$0x0];
	vm1 =	vge.s32 v18, v9;
	v13 =	vadd.s32 v12, v18  }
0x4bf: {  	v19 =	vld [tilespmem:s1+$0xFFFFFFF0];
	vm2 =	vlt.s32 v18, v9;
	vm1 =	vmand vm0, vm1;
	vm0 =	vge.s32 v13, v9  }
0x4c0: {  	v10 =	vadd.s32 v14, v13;
	v14 =	vld [tilespmem:s1+$0xFFFFFFE0];
	vm3 =	vlt.s32 v13, v9;
	vm0 =	vmand vm2, vm0  }
0x4c1: {  	s18 =	simm.s32 $0xFF;
	vm4 =	vge.s32 v10, v9;
	v12 =	vadd.s32 v16, v10;
	vm2 =	vlt.s32 v10, v9  }
0x4c2: {  	v20 =	vsel vm1, v15, v15;
	v17 =	vsel vm1, s18, v15;
	vm6 =	vlt.s32 v12, v9  }
0x4c3: {  	vm5 =	vge.s32 v12, v9;
	v11 =	vadd.s32 v12, v11;
	v18 =	vsel vm0, v18, v20  }
0x4c4: {  	s7 =	simm.s32 $0xFE;
	s6 =	simm.s32 $0xFD;
	v16 =	vld [tilespmem:s1+$0xFFFFFFD0];
	vm1 =	vmand vm2, vm5;
	vm2 =	vge.s32 v11, v9;
	v15 =	vadd.s32 v19, v11  }
0x4c5: {  	s2 =	simm.s32 $0x110F0;
	s0 =	simm.s32 $0x4;
	s1 =	simm.s32 $0xFF;
	vm5 =	vlt.s32 v11, v9;
	vm2 =	vmand vm6, vm2;
	v14 =	vadd.s32 v14, v15  }
.LBB2_22:
0x4c6: {  	v19 =	vld [tilespmem:s2+$0x0];
	s0 =	sadd.s32 $0x4, s0;
	vm6 =	vge.s32 v15, v9;
	v17 =	vsel vm0, s7, v17;
	vm3 =	vmand vm3, vm4;
	s18 =	sadd.s32 $0xFFFFFFFC, s18  }
0x4c7: {  	v20 =	vld [tilespmem:s2+$0xFFFFFFF0];
	p0 =	slt.u32 s0, $0xFC;
	vm0 =	vmand vm5, vm6;
	v17 =	vsel vm3, s6, v17;
	v18 =	vsel vm3, v13, v18;
	s6 =	sadd.s32 $0xFFFFFFFD, s1;
	v13 =	vmovc v15;
	s1 =	smov.u32 s18  }
0x4c8: {  	vm4 =	vge.s32 v14, v9;
	v21 =	vld [tilespmem:s2+$0xFFFFFFE0];
	vm3 =	vlt.s32 v13, v9;
	v15 =	vsel vm1, s6, v17  }
.Ltmp45:
0x4c9: {  	vm5 =	vlt.s32 v14, v9;
	v17 =	vsel vm1, v10, v18;
	v10 =	vmovc v14;
	v16 =	vadd.s32 v16, v14;
	(pc) =	sbr.rel @p0 .LBB2_22-.Ltmp45, $4  }
0x4ca: {  	v18 =	vsel vm2, v12, v17;
	vm6 =	vlt.s32 v16, v9;
	vm1 =	vge.s32 v16, v9;
	v12 =	vmovc v16  }
0x4cb: {  	v17 =	vsel vm2, s18, v15;
	v19 =	vadd.s32 v16, v19;
	vm1 =	vmand vm5, vm1  }
0x4cc: {  	s7 =	sadd.s32 $0xFFFFFFFF, s18;
	s6 =	sadd.s32 $0xFFFFFFFE, s18;
	vm2 =	vge.s32 v19, v9;
	v15 =	vadd.s32 v20, v19;
	vm5 =	vlt.s32 v19, v9;
	v16 =	vld [tilespmem:s2+$0xFFFFFFD0]  }
0x4cd: {  	v18 =	vsel vm0, v11, v18;
	s2 =	sadd.s32 $0xFFFFFFC0, s2;
	v11 =	vmovc v19;
	vm2 =	vmand vm6, vm2;
	v14 =	vadd.s32 v21, v15  }
0x4ce: {  	vm6 =	vge.s32 v15, v9;
	v17 =	vsel vm0, s7, v17;
	vm10 =	vmand vm3, vm4;
	s0 =	simm.s32 $0x101C0  }
0x4cf: {  	vm12 =	vlt.s32 v15, v9;
	vm13 =	vge.s32 v14, v9;
	vm14 =	vlt.s32 v14, v9;
	[tilespmem:s0+$0xFFFFFFC0] =	vst v1  }
0x4d0: {  	s1 =	sadd.s32 $0xFFFFFFFD, s1;
	vm11 =	vmand vm5, vm6;
	v17 =	vsel vm10, s6, v17;
	v13 =	vsel vm10, v13, v18;
	[tilespmem:s0+$0x30] =	vst v1  }
0x4d1: {  	s30 =	sadd.s32 $0xFFFFFFFC, s18;
	[tilespmem:s0+$0x20] =	vst v1;
	vm0 =	vmand vm12, vm13;
	v17 =	vsel vm1, s1, v17;
	v10 =	vsel vm1, v10, v13  }
0x4d2: {  	s2 =	sadd.s32 $0xFFFFFFFF, s30;
	[tilespmem:s0+$0x10] =	vst v1;
	v16 =	vadd.s32 v16, v14;
	v10 =	vsel vm2, v12, v10;
	v63 =	vsel vm2, s30, v17  }
0x4d3: {  	s31 =	sadd.s32 $0xFFFFFFFE, s30;
	[tilespmem:s0+$0x0] =	vst v1;
	vm15 =	vge.s32 v16, v9;
	v10 =	vsel vm11, v11, v10;
	v11 =	vsel vm11, s2, v63  }
0x4d4: {  	[tilespmem:s0+$0xFFFFFFF0] =	vst v1;
	s1 =	sadd.s32 $0xFFFFFFFD, s30;
	vm1 =	vmand vm14, vm15;
	v11 =	vsel vm0, s31, v11;
	v10 =	vsel vm0, v15, v10  }
0x4d5: {  	[tilespmem:s0+$0xFFFFFFE0] =	vst v1;
	v11 =	vsel vm1, s1, v11;
	v10 =	vsel vm1, v14, v10;
	s1 =	simm.s32 $0x0  }
.LBB2_24:
0x4d6: {  	s1 =	sadd.s32 $0x8, s1;
	[tilespmem:s0+$0xFFFFFFD0] =	vst v1;
	s0 =	sadd.s32 $0x80, s0  }
0x4d7: {  	[tilespmem:s0+$0xFFFFFFC0] =	vst v1;
	p0 =	slt.u32 s1, $0xF8  }
0x4d8: {  	[tilespmem:s0+$0x30] =	vst v1  }
.Ltmp46:
0x4d9: {  	[tilespmem:s0+$0x20] =	vst v1;
	(pc) =	sbr.rel @p0 .LBB2_24-.Ltmp46, $4  }
0x4da: {  	[tilespmem:s0+$0x10] =	vst v1  }
0x4db: {  	[tilespmem:s0+$0x0] =	vst v1  }
0x4dc: {  	[tilespmem:s0+$0xFFFFFFF0] =	vst v1  }
0x4dd: {  	[tilespmem:s0+$0xFFFFFFE0] =	vst v1  }
0x4de: {  	s1 =	simm.s32 $0x1  }
0x4df: {  	s25 =	simm.s32 $0x6;
	v12 =	vor.u32 s1, v2  }
0x4e0: {  	s2 =	simm.s32 $0x3;
	v13 =	vor.u32 s25, v2  }
0x4e1: {  	s26 =	simm.s32 $0x4;
	v14 =	vor.u32 s2, v2  }
0x4e2: {  	s29 =	simm.s32 $0x2;
	v15 =	vor.u32 s26, v2  }
0x4e3: {  	[tilespmem:s0+$0xFFFFFFD0] =	vst v1;
	s30 =	simm.s32 $0x0;
	v17 =	vor.u32 s29, v2  }
0x4e4: {  	v18 =	vor.u32 s30, v2;
	v12 =	vld.idx.msk [tilespmem:v12+s3+$0x0], $0xffff  }
0x4e5: {  	s28 =	simm.s32 $0x5;
	v13 =	vld.idx.msk [tilespmem:v13+s3+$0x0], $0xffff  }
0x4e6: {  	v16 =	vor.u32 s28, v2;
	v19 =	vld.idx.msk [tilespmem:v14+s3+$0x0], $0xffff  }
0x4e7: {  	v15 =	vld.idx.msk [tilespmem:v15+s3+$0x0], $0xffff  }
0x4e8: {  	v22 =	vld.idx.msk [tilespmem:v17+s3+$0x0], $0xffff  }
0x4e9: {  	v17 =	vld.idx.msk [tilespmem:v18+s3+$0x0], $0xffff  }
0x4ea: {  	v8 =	vshll.u32 v8, $0x8;
	s31 =	simm.s32 $0x7  }
0x4eb: {  	v20 =	vor.u32 s31, v2;
	v8 =	vor.u32 v8, v11;
	v16 =	vld.idx.msk [tilespmem:v16+s3+$0x0], $0xffff  }
0x4ec: {  	vm0 =	vlt.s32 v12, $0x0;
	v14 =	vxor.u32 $0x7FFFFFFF, v12;
	vm1 =	vlt.s32 v19, $0x0  }
0x4ed: {  	vm2 =	vlt.s32 v15, $0x0;
	v18 =	vxor.u32 $0x7FFFFFFF, v13;
	v24 =	vxor.u32 $0x7FFFFFFF, v22  }
0x4ee: {  	v23 =	vxor.u32 $0x7FFFFFFF, v17;
	v11 =	vsel vm0, v14, v12;
	v12 =	vxor.u32 $0x7FFFFFFF, v19  }
0x4ef: {  	vm0 =	vlt.s32 v13, $0x0;
	v14 =	vshll.u32 v11, $0x4;
	v19 =	vsel vm1, v12, v19  }
0x4f0: {  	v12 =	vxor.u32 $0x7FFFFFFF, v15;
	v21 =	vsel vm0, v18, v13;
	v13 =	vld.idx.msk [tilespmem:v20+s3+$0x0], $0xffff;
	vm1 =	vlt.s32 v16, $0x0  }
0x4f1: {  	v12 =	vsel vm2, v12, v15;
	v15 =	vshra.s32 v19, $0x8;
	v19 =	vshll.u32 v19, $0x4  }
0x4f2: {  	v18 =	vshra.s32 v21, $0x8;
	v20 =	vshll.u32 v21, $0x4;
	v19 =	vor.u32 v0, v19  }
0x4f3: {  	v21 =	vshra.s32 v11, $0x8;
	v11 =	vand.u32 $0xFFF, v19;
	v19 =	vxor.u32 $0x7FFFFFFF, v16  }
0x4f4: {  	vm0 =	vlt.s32 v17, $0x0;
	vm2 =	vlt.s32 v22, $0x0;
	v19 =	vsel vm1, v19, v16  }
0x4f5: {  	s18 =	simm.s32 $0x8;
	v16 =	vsel vm2, v24, v22;
	v22 =	vshll.u32 v19, $0x4;
	vm1 =	vlt.s32 v13, $0x0  }
.LBB2_26:
0x4f6: {  	s0 =	sadd.s32 $0x1, s18  }
0x4f7: {  	s1 =	sadd.s32 $0x2, s18;
	s2 =	sadd.s32 $0x3, s18;
	v17 =	vsel vm0, v23, v17;
	vm0 =	veq.s32 v21, v8;
	v20 =	vor.u32 v0, v20;
	s6 =	smov.u32 s18  }
0x4f8: {  	s7 =	sadd.s32 $0x6, s18;
	v22 =	vor.u32 v0, v22;
	v21 =	vor.u32 s0, v2;
	v23 =	vor.u32 s1, v2;
	s0 =	sadd.s32 $0x4, s18;
	s1 =	sadd.s32 $0x5, s18  }
0x4f9: {  	p0 =	slt.u32 s18, $0xFF8;
	s18 =	sadd.s32 $0x8, s18;
	v26 =	vshll.u32 v17, $0x4;
	v24 =	vor.u32 s0, v2;
	v25 =	vor.u32 s1, v2;
	s0 =	sadd.s32 $0x7, s6  }
0x4fa: {  	v27 =	vor.u32 s7, v2;
	v17 =	vshra.s32 v17, $0x8;
	v28 =	vor.u32 s0, v2  }
0x4fb: {  	v29 =	vor.u32 s6, v2;
	v30 =	vor.u32 s2, v2;
	v26 =	vor.u32 v0, v26  }
0x4fc: {  	vm5 =	veq.s32 v18, v8;
	v18 =	vand.u32 $0xFFF, v20;
	v26 =	vand.u32 $0xFFF, v26  }
0x4fd: {  	v14 =	vor.u32 v0, v14;
	v19 =	vshra.s32 v19, $0x8;
	v20 =	vld.idx.msk [tilespmem:v21+s3+$0x0], $0xffff;
	v21 =	vxor.u32 $0x7FFFFFFF, v13  }
0x4fe: {  	v31 =	vand.u32 $0xFFF, v14;
	vm4 =	veq.s32 v19, v8;
	v25 =	vld.idx.msk [tilespmem:v25+s3+$0x0], $0xffff;
	v13 =	vsel vm1, v21, v13  }
0x4ff: {  	v21 =	vand.u32 $0xFFF, v22;
	v19 =	vld.idx.msk [tilespmem:v27+s3+$0x0], $0xffff;
	v14 =	vshra.s32 v13, $0x8;
	v13 =	vshll.u32 v13, $0x4  }
0x500: {  	vm2 =	veq.s32 v17, v8;
	v22 =	vld.idx.msk [tilespmem:v30+s3+$0x0], $0xffff;
	vm1 =	veq.s32 v14, v8;
	v13 =	vor.u32 v0, v13  }
0x501: {  	vm6 =	veq.s32 v15, v8;
	v14 =	vshra.s32 v12, $0x8;
	v24 =	vld.idx.msk [tilespmem:v24+s3+$0x0], $0xffff;
	v27 =	vand.u32 $0xFFF, v13  }
0x502: {  	v15 =	vshll.u32 v16, $0x4;
	v12 =	vshll.u32 v12, $0x4;
	vm3 =	veq.s32 v14, v8;
	[tilespmem:v18+s11+$0x0] =	vst.idx.add.s32.msk vm5, v4  }
0x503: {  	v12 =	vor.u32 v0, v12;
	vm5 =	vlt.s32 v20, $0x0;
	v13 =	vxor.u32 $0x7FFFFFFF, v20;
	v30 =	vld.idx.msk [tilespmem:v23+s3+$0x0], $0xffff  }
0x504: {  	v14 =	vshra.s32 v16, $0x8;
	v16 =	vand.u32 $0xFFF, v12;
	v23 =	vsel vm5, v13, v20;
	v17 =	vld.idx.msk [tilespmem:v29+s3+$0x0], $0xffff  }
0x505: {  	vm7 =	veq.s32 v14, v8;
	v12 =	vor.u32 v0, v15;
	vm5 =	vlt.s32 v19, $0x0;
	v13 =	vld.idx.msk [tilespmem:v28+s3+$0x0], $0xffff  }
0x506: {  	v14 =	vshll.u32 v23, $0x4;
	vm8 =	vlt.s32 v22, $0x0;
	v28 =	vand.u32 $0xFFF, v12;
	[tilespmem:v21+s11+$0x0] =	vst.idx.add.s32.msk vm4, v4  }
0x507: {  	v15 =	vxor.u32 $0x7FFFFFFF, v19;
	v12 =	vxor.u32 $0x7FFFFFFF, v22;
	vm4 =	vlt.s32 v24, $0x0;
	[tilespmem:v11+s11+$0x0] =	vst.idx.add.s32.msk vm6, v4  }
0x508: {  	v15 =	vsel vm5, v15, v19;
	v11 =	vsel vm8, v12, v22;
	v12 =	vxor.u32 $0x7FFFFFFF, v24;
	[tilespmem:v31+s11+$0x0] =	vst.idx.add.s32.msk vm0, v4  }
0x509: {  	v18 =	vshra.s32 v15, $0x8;
	v20 =	vshll.u32 v15, $0x4;
	v12 =	vsel vm4, v12, v24;
	[tilespmem:v26+s11+$0x0] =	vst.idx.add.s32.msk vm2, v4  }
.Ltmp47:
0x50a: {  	v15 =	vshra.s32 v11, $0x8;
	v11 =	vshll.u32 v11, $0x4;
	vm2 =	vlt.s32 v25, $0x0;
	[tilespmem:v16+s11+$0x0] =	vst.idx.add.s32.msk vm3, v4;
	(pc) =	sbr.rel @p0 .LBB2_26-.Ltmp47, $4  }
0x50b: {  	vm0 =	vlt.s32 v17, $0x0;
	v11 =	vor.u32 v0, v11;
	v16 =	vxor.u32 $0x7FFFFFFF, v30;
	[tilespmem:v28+s11+$0x0] =	vst.idx.add.s32.msk vm7, v4  }
0x50c: {  	v19 =	vxor.u32 $0x7FFFFFFF, v25;
	v21 =	vshra.s32 v23, $0x8;
	v11 =	vand.u32 $0xFFF, v11;
	[tilespmem:v27+s11+$0x0] =	vst.idx.add.s32.msk vm1, v4  }
0x50d: {  	v23 =	vxor.u32 $0x7FFFFFFF, v17;
	v19 =	vsel vm2, v19, v25;
	vm1 =	vlt.s32 v30, $0x0  }
0x50e: {  	v22 =	vshll.u32 v19, $0x4;
	v16 =	vsel vm1, v16, v30;
	vm1 =	vlt.s32 v13, $0x0  }
0x50f: {  	v17 =	vsel vm0, v23, v17;
	vm0 =	veq.s32 v21, v8;
	v20 =	vor.u32 v0, v20  }
0x510: {  	v22 =	vor.u32 v0, v22;
	vm2 =	veq.s32 v18, v8;
	v14 =	vor.u32 v0, v14  }
0x511: {  	v19 =	vshra.s32 v19, $0x8;
	v63 =	vshll.u32 v17, $0x4;
	v17 =	vshra.s32 v17, $0x8  }
0x512: {  	v18 =	vand.u32 $0xFFF, v20;
	v20 =	vxor.u32 $0x7FFFFFFF, v13;
	v14 =	vand.u32 $0xFFF, v14  }
0x513: {  	vm3 =	veq.s32 v19, v8;
	v19 =	vand.u32 $0xFFF, v22;
	v21 =	vor.u32 v0, v63  }
0x514: {  	v13 =	vsel vm1, v20, v13;
	vm1 =	veq.s32 v15, v8;
	vm4 =	veq.s32 v17, v8  }
0x515: {  	v17 =	vshra.s32 v12, $0x8;
	v20 =	vshll.u32 v16, $0x4;
	v12 =	vshll.u32 v12, $0x4  }
0x516: {  	v16 =	vshra.s32 v16, $0x8;
	v21 =	vand.u32 $0xFFF, v21;
	v15 =	vshra.s32 v13, $0x8  }
0x517: {  	v13 =	vshll.u32 v13, $0x4;
	vm5 =	veq.s32 v17, v8;
	v12 =	vor.u32 v0, v12  }
0x518: {  	v12 =	vand.u32 $0xFFF, v12;
	vm6 =	veq.s32 v15, v8;
	v13 =	vor.u32 v0, v13;
	[tilespmem:v18+s11+$0x0] =	vst.idx.add.s32.msk vm2, v4  }
0x519: {  	v13 =	vand.u32 $0xFFF, v13;
	vm2 =	veq.s32 v16, v8;
	v16 =	vor.u32 v0, v20;
	[tilespmem:v14+s11+$0x0] =	vst.idx.add.s32.msk vm0, v4  }
0x51a: {  	v15 =	vand.u32 $0xFFF, v16;
	[tilespmem:v19+s11+$0x0] =	vst.idx.add.s32.msk vm3, v4  }
0x51b: {  	[tilespmem:v11+s11+$0x0] =	vst.idx.add.s32.msk vm1, v4  }
0x51c: {  	[tilespmem:v21+s11+$0x0] =	vst.idx.add.s32.msk vm4, v4  }
0x51d: {  	[tilespmem:v12+s11+$0x0] =	vst.idx.add.s32.msk vm5, v4  }
0x51e: {  	[tilespmem:v13+s11+$0x0] =	vst.idx.add.s32.msk vm6, v4  }
0x51f: {  	s0 =	simm.s32 $0x11170;
	[tilespmem:v15+s11+$0x0] =	vst.idx.add.s32.msk vm2, v4  }
0x520: {  	v11 =	vld [tilespmem:s0+$0x0]  }
0x521: {  	v12 =	vld [tilespmem:s0+$0xFFFFFFF0];
	_ =	sdelay $0x1  }
0x522: {  	v14 =	vld [tilespmem:s0+$0xFFFFFFE0]  }
0x523: {  	v15 =	vimm.s32 $0x0;
	v16 =	vld [tilespmem:s0+$0xFFFFFFD0]  }
0x524: {  	v10 =	vsub.s32 v9, v10;
	s1 =	simm.s32 $0x11130;
	v18 =	vadd.s32 v15, v11  }
0x525: {  	vm0 =	vlt.s32 v15, v10;
	v9 =	vld [tilespmem:s1+$0x0];
	vm1 =	vge.s32 v18, v10;
	v13 =	vadd.s32 v12, v18  }
0x526: {  	v19 =	vld [tilespmem:s1+$0xFFFFFFF0];
	vm2 =	vlt.s32 v18, v10;
	vm1 =	vmand vm0, vm1;
	vm0 =	vge.s32 v13, v10  }
0x527: {  	v11 =	vadd.s32 v14, v13;
	v14 =	vld [tilespmem:s1+$0xFFFFFFE0];
	vm3 =	vlt.s32 v13, v10;
	vm0 =	vmand vm2, vm0  }
0x528: {  	s18 =	simm.s32 $0xFF;
	vm4 =	vge.s32 v11, v10;
	v12 =	vadd.s32 v16, v11;
	vm2 =	vlt.s32 v11, v10  }
0x529: {  	v20 =	vsel vm1, v15, v15;
	v17 =	vsel vm1, s18, v15;
	vm6 =	vlt.s32 v12, v10  }
0x52a: {  	vm5 =	vge.s32 v12, v10;
	v9 =	vadd.s32 v12, v9;
	v18 =	vsel vm0, v18, v20  }
0x52b: {  	s7 =	simm.s32 $0xFE;
	s6 =	simm.s32 $0xFD;
	v16 =	vld [tilespmem:s1+$0xFFFFFFD0];
	vm1 =	vmand vm2, vm5;
	vm2 =	vge.s32 v9, v10;
	v15 =	vadd.s32 v19, v9  }
0x52c: {  	s2 =	simm.s32 $0x110F0;
	s0 =	simm.s32 $0x4;
	s1 =	simm.s32 $0xFF;
	vm5 =	vlt.s32 v9, v10;
	vm2 =	vmand vm6, vm2;
	v14 =	vadd.s32 v14, v15  }
.LBB2_28:
0x52d: {  	v19 =	vld [tilespmem:s2+$0x0];
	s0 =	sadd.s32 $0x4, s0;
	vm6 =	vge.s32 v15, v10;
	v17 =	vsel vm0, s7, v17;
	vm3 =	vmand vm3, vm4;
	s18 =	sadd.s32 $0xFFFFFFFC, s18  }
0x52e: {  	v20 =	vld [tilespmem:s2+$0xFFFFFFF0];
	p0 =	slt.u32 s0, $0xFC;
	vm0 =	vmand vm5, vm6;
	v17 =	vsel vm3, s6, v17;
	v18 =	vsel vm3, v13, v18;
	s6 =	sadd.s32 $0xFFFFFFFD, s1;
	v13 =	vmovc v15;
	s1 =	smov.u32 s18  }
0x52f: {  	vm4 =	vge.s32 v14, v10;
	v21 =	vld [tilespmem:s2+$0xFFFFFFE0];
	vm3 =	vlt.s32 v13, v10;
	v15 =	vsel vm1, s6, v17  }
.Ltmp48:
0x530: {  	vm5 =	vlt.s32 v14, v10;
	v17 =	vsel vm1, v11, v18;
	v11 =	vmovc v14;
	v16 =	vadd.s32 v16, v14;
	(pc) =	sbr.rel @p0 .LBB2_28-.Ltmp48, $4  }
0x531: {  	v18 =	vsel vm2, v12, v17;
	vm6 =	vlt.s32 v16, v10;
	vm1 =	vge.s32 v16, v10;
	v12 =	vmovc v16  }
0x532: {  	v17 =	vsel vm2, s18, v15;
	v19 =	vadd.s32 v16, v19;
	vm1 =	vmand vm5, vm1  }
0x533: {  	s7 =	sadd.s32 $0xFFFFFFFF, s18;
	s6 =	sadd.s32 $0xFFFFFFFE, s18;
	vm2 =	vge.s32 v19, v10;
	v15 =	vadd.s32 v20, v19;
	vm5 =	vlt.s32 v19, v10;
	v16 =	vld [tilespmem:s2+$0xFFFFFFD0]  }
0x534: {  	v18 =	vsel vm0, v9, v18;
	s2 =	sadd.s32 $0xFFFFFFC0, s2;
	v9 =	vmovc v19;
	vm2 =	vmand vm6, vm2;
	v14 =	vadd.s32 v21, v15  }
0x535: {  	vm6 =	vge.s32 v15, v10;
	v17 =	vsel vm0, s7, v17;
	vm0 =	vmand vm3, vm4  }
0x536: {  	vm9 =	vge.s32 v14, v10;
	s22 =	simm.s32 $0x1;
	vm3 =	vmand vm5, vm6;
	v17 =	vsel vm0, s6, v17  }
0x537: {  	s0 =	sadd.s32 $0xFFFFFFFD, s1;
	s23 =	simm.s32 $0x2;
	v13 =	vsel vm0, v13, v18;
	vm0 =	vlt.s32 v15, v10;
	v18 =	vor.u32 s22, v2  }
0x538: {  	s29 =	simm.s32 $0x0;
	v17 =	vsel vm1, s0, v17;
	v11 =	vsel vm1, v11, v13;
	v13 =	vor.u32 s23, v2  }
0x539: {  	s30 =	sadd.s32 $0xFFFFFFFC, s18;
	s24 =	simm.s32 $0x3;
	v16 =	vadd.s32 v16, v14;
	v11 =	vsel vm2, v12, v11;
	v12 =	vor.u32 s29, v2  }
0x53a: {  	s2 =	sadd.s32 $0xFFFFFFFF, s30;
	vm1 =	vge.s32 v16, v10;
	v16 =	vsel vm2, s30, v17;
	v17 =	vor.u32 s24, v2  }
0x53b: {  	vm10 =	vlt.s32 v14, v10;
	s19 =	simm.s32 $0x4;
	s31 =	sadd.s32 $0xFFFFFFFE, s30;
	vm0 =	vmand vm0, vm9;
	v16 =	vsel vm3, s2, v16  }
0x53c: {  	v9 =	vsel vm3, v9, v11;
	v11 =	vsel vm0, s31, v16;
	v16 =	vor.u32 s19, v2;
	v18 =	vld.idx.msk [tilespmem:v18+s3+$0x0], $0xffff  }
0x53d: {  	s20 =	simm.s32 $0x5;
	v8 =	vshll.u32 v8, $0x8;
	s1 =	sadd.s32 $0xFFFFFFFD, s30;
	vm1 =	vmand vm10, vm1;
	v9 =	vsel vm0, v15, v9;
	v13 =	vld.idx.msk [tilespmem:v13+s3+$0x0], $0xffff  }
0x53e: {  	v15 =	vor.u32 s20, v2;
	v14 =	vsel vm1, v14, v9;
	v11 =	vsel vm1, s1, v11;
	v12 =	vld.idx.msk [tilespmem:v12+s3+$0x0], $0xffff  }
0x53f: {  	s18 =	simm.s32 $0x7;
	s21 =	simm.s32 $0x6;
	v20 =	vimm.s32 $0x0;
	v9 =	vor.u32 v8, v11;
	v8 =	vxor.u32 $0xFFFFFFFF, v14;
	v17 =	vld.idx.msk [tilespmem:v17+s3+$0x0], $0xffff  }
0x540: {  	v19 =	vor.u32 s18, v2;
	v21 =	vor.u32 s21, v2;
	v8 =	vadd.s32 v8, v10  }
0x541: {  	vm1 =	veq.s32 v20, v8;
	v16 =	vld.idx.msk [tilespmem:v16+s3+$0x0], $0xffff;
	vm0 =	vlt.s32 v18, $0x0;
	v11 =	vxor.u32 $0x7FFFFFFF, v18  }
0x542: {  	v14 =	vsel vm0, v11, v18;
	vm0 =	vlt.s32 v13, $0x0;
	v18 =	vxor.u32 $0x7FFFFFFF, v13  }
0x543: {  	v11 =	vld.idx.msk [tilespmem:v15+s3+$0x0], $0xffff;
	vm2 =	vlt.s32 v12, $0x0;
	v15 =	vxor.u32 $0x7FFFFFFF, v12;
	v13 =	vsel vm0, v18, v13  }
0x544: {  	vm12 =	veq.s32 v14, v9;
	v12 =	vsel vm2, v15, v12;
	vm2 =	vlt.s32 v17, $0x0  }
0x545: {  	v15 =	vxor.u32 $0x7FFFFFFF, v17;
	vm11 =	veq.s32 v13, v9;
	vm3 =	veq.s32 v12, v9  }
0x546: {  	v13 =	vsel vm12, $0x1, v1;
	v12 =	vsel vm3, $0x1, v1;
	vm13 =	vlt.s32 v16, $0x0  }
0x547: {  	v10 =	vld.idx.msk [tilespmem:v19+s3+$0x0], $0xffff;
	v18 =	vxor.u32 $0x7FFFFFFF, v16;
	vm1 =	vmand vm1, vm3;
	v12 =	vadd.s32 v12, v20  }
0x548: {  	vm7 =	veq.s32 v12, v8;
	v12 =	vadd.s32 v13, v12;
	v13 =	vsel vm2, v15, v17  }
0x549: {  	v15 =	vsel vm11, $0x1, v1;
	v17 =	vsel vm1, s29, v20;
	vm5 =	vmand vm12, vm7  }
0x54a: {  	vm14 =	veq.s32 v12, v8;
	v19 =	vadd.s32 v15, v12;
	vm3 =	veq.s32 v13, v9  }
0x54b: {  	v12 =	vsel vm13, v18, v16;
	vm4 =	vmand vm11, vm14;
	v13 =	vsel vm5, s22, v17  }
0x54c: {  	vm0 =	vlt.s32 v10, $0x0;
	vm1 =	veq.s32 v12, v9;
	v12 =	vsel vm4, s23, v13;
	v13 =	vld.idx.msk [tilespmem:v21+s3+$0x0], $0xffff  }
0x54d: {  	v14 =	vxor.u32 $0x7FFFFFFF, v11;
	vm2 =	vlt.s32 v11, $0x0;
	vm15 =	veq.s32 v19, v8  }
0x54e: {  	v16 =	vsel vm3, $0x1, v1;
	vm3 =	vmand vm3, vm15;
	v15 =	vsel vm1, $0x1, v1  }
0x54f: {  	s22 =	simm.s32 $0x8;
	v17 =	vadd.s32 v16, v19;
	v16 =	vxor.u32 $0x7FFFFFFF, v10;
	v12 =	vsel vm3, s24, v12  }
.LBB2_30:
0x550: {  	s23 =	sadd.s32 $0x1, s22  }
0x551: {  	p0 =	slt.u32 s22, $0xFF8;
	vm3 =	veq.s32 v17, v8;
	v11 =	vsel vm2, v14, v11;
	vm4 =	vlt.s32 v13, $0x0;
	s26 =	smov.u32 s22;
	s22 =	sadd.s32 $0x8, s22  }
0x552: {  	v15 =	vadd.s32 v15, v17;
	v14 =	vor.u32 s23, v2;
	s25 =	sadd.s32 $0x2, s26;
	s24 =	sadd.s32 $0x3, s26;
	vm2 =	veq.s32 v11, v9  }
0x553: {  	v10 =	vsel vm0, v16, v10;
	v11 =	vor.u32 s25, v2;
	v17 =	vor.u32 s24, v2  }
0x554: {  	v18 =	vxor.u32 $0x7FFFFFFF, v13;
	v16 =	vor.u32 s26, v2;
	s0 =	sadd.s32 $0x4, s26;
	vm0 =	veq.s32 v10, v9  }
0x555: {  	s1 =	sadd.s32 $0x7, s26;
	vm5 =	veq.s32 v15, v8;
	v19 =	vor.u32 s0, v2;
	v20 =	vsel vm0, $0x1, v1  }
0x556: {  	s2 =	sadd.s32 $0x5, s26;
	v13 =	vsel vm4, v18, v13;
	v10 =	vor.u32 s1, v2;
	v21 =	vsel vm2, $0x1, v1  }
0x557: {  	v18 =	vor.u32 s2, v2;
	vm4 =	veq.s32 v13, v9;
	v15 =	vadd.s32 v21, v15;
	v14 =	vld.idx.msk [tilespmem:v14+s3+$0x0], $0xffff  }
0x558: {  	s6 =	sadd.s32 $0x6, s26;
	vm1 =	vmand vm1, vm3;
	vm3 =	veq.s32 v15, v8;
	v13 =	vld.idx.msk [tilespmem:v11+s3+$0x0], $0xffff;
	v11 =	vsel vm4, $0x1, v1  }
0x559: {  	v12 =	vsel vm1, s19, v12;
	s19 =	smov.u32 s0;
	v21 =	vor.u32 s6, v2;
	v16 =	vld.idx.msk [tilespmem:v16+s3+$0x0], $0xffff;
	v11 =	vadd.s32 v11, v15  }
0x55a: {  	vm1 =	vmand vm2, vm5;
	vm2 =	vmand vm4, vm3;
	v15 =	vld.idx.msk [tilespmem:v17+s3+$0x0], $0xffff;
	vm3 =	veq.s32 v11, v8  }
0x55b: {  	v12 =	vsel vm1, s20, v12;
	s20 =	smov.u32 s2;
	v17 =	vadd.s32 v20, v11;
	v10 =	vld.idx.msk [tilespmem:v10+s3+$0x0], $0xffff;
	vm0 =	vmand vm0, vm3  }
0x55c: {  	v12 =	vsel vm2, s21, v12;
	s21 =	smov.u32 s6;
	vm1 =	veq.s32 v17, v8;
	v19 =	vld.idx.msk [tilespmem:v19+s3+$0x0], $0xffff  }
0x55d: {  	vm2 =	vlt.s32 v14, $0x0;
	v20 =	vxor.u32 $0x7FFFFFFF, v14;
	v12 =	vsel vm0, s18, v12;
	s18 =	smov.u32 s1;
	v11 =	vld.idx.msk [tilespmem:v18+s3+$0x0], $0xffff  }
0x55e: {  	v14 =	vsel vm2, v20, v14;
	vm0 =	vlt.s32 v13, $0x0;
	v18 =	vxor.u32 $0x7FFFFFFF, v13  }
0x55f: {  	vm2 =	vlt.s32 v16, $0x0;
	v20 =	vxor.u32 $0x7FFFFFFF, v16;
	v13 =	vsel vm0, v18, v13  }
0x560: {  	v16 =	vsel vm2, v20, v16;
	vm2 =	vlt.s32 v15, $0x0;
	v18 =	vxor.u32 $0x7FFFFFFF, v15  }
0x561: {  	vm4 =	veq.s32 v13, v9;
	vm3 =	veq.s32 v16, v9;
	vm0 =	vlt.s32 v10, $0x0  }
0x562: {  	vm5 =	veq.s32 v14, v9;
	v13 =	vsel vm3, $0x1, v1;
	vm6 =	vlt.s32 v19, $0x0  }
0x563: {  	v14 =	vsel vm5, $0x1, v1;
	v16 =	vxor.u32 $0x7FFFFFFF, v19;
	v13 =	vadd.s32 v13, v17  }
0x564: {  	vm7 =	veq.s32 v13, v8;
	v17 =	vadd.s32 v14, v13;
	v14 =	vxor.u32 $0x7FFFFFFF, v11  }
0x565: {  	v15 =	vsel vm2, v18, v15;
	vm5 =	vmand vm5, vm7;
	vm7 =	veq.s32 v17, v8  }
0x566: {  	v18 =	vsel vm4, $0x1, v1;
	vm1 =	vmand vm1, vm3;
	vm2 =	vlt.s32 v11, $0x0;
	v13 =	vld.idx.msk [tilespmem:v21+s3+$0x0], $0xffff  }
.Ltmp49:
0x567: {  	vm3 =	veq.s32 v15, v9;
	v12 =	vsel vm1, s26, v12;
	v17 =	vadd.s32 v18, v17;
	(pc) =	sbr.rel @p0 .LBB2_30-.Ltmp49, $4  }
0x568: {  	v15 =	vsel vm6, v16, v19;
	vm4 =	vmand vm4, vm7;
	vm7 =	veq.s32 v17, v8  }
0x569: {  	v16 =	vsel vm3, $0x1, v1;
	vm1 =	veq.s32 v15, v9;
	v12 =	vsel vm5, s23, v12  }
0x56a: {  	v15 =	vsel vm1, $0x1, v1;
	v12 =	vsel vm4, s25, v12;
	vm3 =	vmand vm3, vm7  }
0x56b: {  	v17 =	vadd.s32 v16, v17;
	v16 =	vxor.u32 $0x7FFFFFFF, v10;
	v12 =	vsel vm3, s24, v12  }
0x56c: {  	vm3 =	veq.s32 v17, v8  }
0x56d: {  	v11 =	vsel vm2, v14, v11;
	vm10 =	vlt.s32 v13, $0x0;
	v63 =	vadd.s32 v15, v17  }
0x56e: {  	v10 =	vsel vm0, v16, v10;
	vm4 =	veq.s32 v11, v9;
	v11 =	vxor.u32 $0x7FFFFFFF, v13  }
0x56f: {  	vm0 =	veq.s32 v10, v9;
	vm11 =	veq.s32 v63, v8;
	v11 =	vsel vm10, v11, v13  }
0x570: {  	vm1 =	vmand vm1, vm3;
	v10 =	vsel vm4, $0x1, v1;
	vm5 =	veq.s32 v11, v9  }
.Ltmp50:
0x571: {  	v12 =	vsel vm1, s19, v12;
	v10 =	vadd.s32 v10, v63;
	v11 =	vsel vm5, $0x1, v1;
	(pc) =	sbr.rel .LBB2_32-.Ltmp50, $4  }
0x572: {  	vm13 =	vmand vm4, vm11;
	vm12 =	veq.s32 v10, v8;
	v10 =	vadd.s32 v11, v10  }
0x573: {  	vm14 =	vmand vm5, vm12;
	vm15 =	veq.s32 v10, v8;
	v8 =	vsel vm13, s20, v12  }
0x574: {  	vm0 =	vmand vm0, vm15;
	v8 =	vsel vm14, s21, v8  }
0x575: {  	v11 =	vsel vm0, s18, v8  }
.LBB2_78:
0x576: {  	v12 =	vimm.s32 $0x0;
	v11 =	vimm.s32 $0x0  }
.LBB2_79:
0x577: {  	p0 =	sge.s32 s19, s18  }
.Ltmp51:
0x578: {  	_ = 	snop;
	(pc) =	sbr.rel @p0 .LBB2_32-.Ltmp51, $1  }
0x579: {  	_ =	sdelay $0x3  }
.LBB2_80:
0x57a: {  	v13 =	vor.u32 s21, v0;
	_ =	sdelay $0x4  }
0x57b: {  	v13 =	vld.idx.msk [tilespmem:v13+s12+$0x0], $0xffff;
	_ =	sdelay $0x4  }
0x57c: {  	v14 =	vadd.s32 v2, v13;
	_ =	sdelay $0x4  }
0x57d: {  	v14 =	vld.idx.msk [tilespmem:v14+s3+$0x0], $0xffff;
	_ =	sdelay $0x3  }
0x57e: {  	s0 =	sadd.s32 s20, s18;
	s20 =	sadd.s32 $0x1, s20  }
0x57f: {  	p0 =	seq.s32 s20, $0x0;
	vm0 =	vlt.s32 v14, $0x0;
	v15 =	vxor.u32 $0x7FFFFFFF, v14  }
.Ltmp52:
0x580: {  	v14 =	vsel vm0, v15, v14;
	v15 =	vmov s0;
	(pc) =	sbr.rel @!p0 .LBB2_80-.Ltmp52, $4  }
0x581: {  	vm0 =	veq.s32 v14, v9;
	vm1 =	vlt.s32 v15, v8  }
0x582: {  	vm15 =	veq.s32 v12, v10;
	vm0 =	vmand vm1, vm0  }
0x583: {  	vm1 =	vmand vm15, vm0;
	v14 =	vsel vm0, $0x1, v1  }
0x584: {  	s21 =	sadd.s32 $0x10, s21;
	v11 =	vsel vm1, v13, v11;
	v12 =	vadd.s32 v14, v12  }
.Ltmp53:
0x585: {  	_ = 	snop;
	(pc) =	sbr.rel .LBB2_32-.Ltmp53, $1  }
0x586: {  	_ =	sdelay $0x3  }
.LBB2_43:
.Ltmp54:
0x587: {  	(pc) =	sbr.rel .LBB2_56-.Ltmp54, $2  }
0x588: {  	_ =	sdelay $0x2  }
0x589: {  	_ = 	snop  }
.LBB2_51:
.Ltmp55:
0x58a: {  	(pc) =	sbr.rel .LBB2_71-.Ltmp55, $2  }
0x58b: {  	_ =	sdelay $0x2  }
0x58c: {  	_ = 	snop  }
.LBB2_66:
.Ltmp56:
0x58d: {  	(pc) =	sbr.rel .LBB2_85-.Ltmp56, $2  }
0x58e: {  	_ =	sdelay $0x2  }
0x58f: {  	_ = 	snop  }
.LBB2_89:
.Ltmp57:
0x590: {  	(pc) =	sbr.rel .LBB2_94-.Ltmp57, $2  }
0x591: {  	_ =	sdelay $0x2  }
0x592: {  	_ = 	snop  }
.LBB2_53:
.Ltmp58:
0x593: {  	(pc) =	sbr.rel .LBB2_56-.Ltmp58, $2  }
0x594: {  	_ =	sdelay $0x2  }
0x595: {  	s1 =	simm.s32 $0x4  }
.LBB2_68:
.Ltmp59:
0x596: {  	(pc) =	sbr.rel .LBB2_71-.Ltmp59, $2  }
0x597: {  	_ =	sdelay $0x2  }
0x598: {  	s1 =	simm.s32 $0x4  }
.LBB2_82:
.Ltmp60:
0x599: {  	(pc) =	sbr.rel .LBB2_85-.Ltmp60, $2  }
0x59a: {  	_ =	sdelay $0x2  }
0x59b: {  	s0 =	simm.s32 $0x4  }
.LBB2_91:
.Ltmp61:
0x59c: {  	(pc) =	sbr.rel .LBB2_94-.Ltmp61, $3  }
0x59d: {  	_ =	sdelay $0x1  }
0x59e: {  	v31 =	vmov v11;
	v11 =	vmov v25  }
0x59f: {  	v29 =	vmovc v14;
	s0 =	simm.s32 $0x4;
	v25 =	vmovc v13;
	v23 =	vmov v18;
	v20 =	vmov v17;
	v19 =	vmov v15  }
.LBB2_34:
0x5a0: {  	_ =	sfence.sel $0x180000  }
0x5a1: {  	[bflag:$0x0] =	sbarrier.arrive $0xFFFF  }
0x5a2: {  	_ =	strace $0x9000004A  }
0x5a3: {  	s0 =	stileid.u32;
	[bflag:$0x2] =	sbarrier.arrive $0xFFFF  }
0x5a4: {  	p0 =	sne.s32 s0, $0x0;
	s0 =	rddreg [dreg:$0x2]  }
0x5a5: {  	s0 =	sadd.s32 @!p0 $0x100000, s0  }
0x5a6: {  	[sflag:s0] =	ssyncadd.tile.s32 @!p0 $0x1;
	_ =	shalt  }
.Lfunc_end2:
_tile_overlayer_lowered:
.L_overlay_start_2:
0x5a7: {  	(tag) =	ssettag $0x2  }
0x5a8: {  	s0 =	rddreg [dreg:$0x0];
	s2 =	stileid.u32  }
0x5a9: {  	s1 =	rddreg [dreg:$0x1];
	p0 =	sne.s32 s2, $0x0  }
0x5aa: {  	s3 =	rddreg [dreg:$0x2];
	[bflag:$0x3] =	sbarrier.arrive $0xFFFF;
	s2 =	simm.s32 @!p0 $0x1C01  }
0x5ab: {  	[timem:s3], [sflag:s2] =	dma.local @!p0 [hbm:s0], s1  }
0x5ac: {  	s0 =	simm.s32 @!p0 $0x1  }
0x5ad: {  	_ =	swait.ge @!p0 [sflag:s0], s1  }
0x5ae: {  	s1 =	ssub.s32 @!p0 $0x0, s1;
	[sflag:s0] =	ssyncset.done @!p0 $0x0  }
0x5af: {  	[sflag:s0] =	ssyncadd.s32 @!p0 s1  }
0x5b0: {  	[bflag:$0x3] =	sbarrier.arrive $0xFFFF  }
0x5b1: {  	_ =	shalt  }

// kernel: sparse-core-data-format-call.cloned.1.call-start
scs
called_computation_lowered:
.L_overlay_start_0:
0x0: {  	s2 =	sld [smem:$0x3FD9]  }
0x1: {  	s3 =	sld [smem:$0x3FFE];
	_ =	sdelay $0x1  }
0x2: {  	s1 =	srdreg.scid  }
0x3: {  	s0 =	sand.u32 $0x1, s1  }
0x4: {  	s18 =	sshll.u32 s0, $0xA;
	s2 =	sadd.s32 s3, s2  }
0x5: {  	s2 =	sadd.s32 s2, s18  }
0x6: {  	[smem:$0x3FC4] =	sst s2  }
0x7: {  	_ = 	snop  }
0x8: {  	s2 =	sld [smem:$0x3FC9];
	(tm) =	ssettm $0x1  }
0x9: {  	s19 =	sld [smem:$0x3FFB];
	_ =	sdelay $0x3  }
0xa: {  	_ =	strace s19  }
0xb: {  	s3 =	sld [smem:$0x3FFC];
	_ =	sdelay $0x3  }
0xc: {  	_ =	strace s3  }
0xd: {  	s3 =	sld [smem:$0x3FFD];
	_ =	sdelay $0x3  }
0xe: {  	_ =	strace s3  }
0xf: {  	_ =	strace $0x8FFFFFFF  }
0x10: {  	s20 =	sld [smem:$0x3FDB];
	_ =	sdelay $0x1  }
0x11: {  	s4 =	simm.s32 $_scs_section_size  }
0x12: {  	s5 =	simm.s32 $_size__tile_overlayer_lowered;
	s6 =	simm.s32 $_tile_overlayer_lowered  }
0x13: {  	s23 =	simm.s32 $0x1BFF;
	s22 =	sshll.u32 s6, $0x1;
	s3 =	sadd.s32 s4, s20  }
0x14: {  	s7 =	simm.s32 $0x0;
	s21 =	sshll.u32 s5, $0x1;
	s5 =	sadd.s32 s22, s3  }
0x15: {  	[timem:s7], [sflag:s23] =	dma.local [hbm:s5], s21  }
0x16: {  	_ =	swait.ge [sflag:s23], s21  }
0x17: {  	s4 =	ssub.s32 $0x0, s21;
	[sflag:s23] =	ssyncset.done $0x0  }
0x18: {  	[sflag:s23] =	ssyncadd.s32 s4;
	_ =	sdelay $0x1  }
0x19: {  	s24 =	simm.s32 $0x1B8B  }
0x1a: {  	_ =	swait.ge [sflag:s24], $0x1  }
0x1b: {  	[sflag:s24] =	ssyncset.done $0x0  }
0x1c: {  	s26 =	simm.s32 $0x1B8E;
	s25 =	sld [smem:$0x3FFE];
	[sflag:s24] =	ssyncadd.s32 $0xFFFFFFFF  }
0x1d: {  	s27 =	simm.s32 $execute0_lowered;
	[smem:$0x3FD2] =	sst s26  }
0x1e: {  	s5 =	sshll.u32 s27, $0x1;
	_ =	strace $0x80000046;
	[dreg:$0x1] =	wrdreg $0xFFFFFFFF  }
0x1f: {  	s28 =	simm.s32 $_size_execute0_lowered;
	s3 =	sadd.s32 s3, s5;
	[dreg:$0x0] =	wrdreg $0x0  }
0x20: {  	s5 =	sshll.u32 s28, $0x1;
	[dreg:$0x2] =	wrdreg s3  }
0x21: {  	[dreg:$0x3] =	wrdreg s5  }
0x22: {  	[dreg:$0x4] =	wrdreg $0xC0  }
0x23: {  	_ =	task [dreg:s7], $0x5FFFF  }
0x24: {  	[dreg:$0x1] =	wrdreg $0xFFFFFFFF  }
0x25: {  	[dreg:$0x0] =	wrdreg $0x60  }
0x26: {  	[dreg:$0x2] =	wrdreg s2  }
0x27: {  	[dreg:$0x3] =	wrdreg s25  }
0x28: {  	[dreg:$0x4] =	wrdreg $0x9  }
0x29: {  	_ =	task.clear_ibuf [dreg:s7], $0x5FFFF;
	_ =	strace $0x90000046  }
0x2a: {  	s29 =	simm.s32 $0x9;
	_ =	strace $0x80000048  }
0x2b: {  	_ =	swait.ge [sflag:s29], $0x1  }
0x2c: {  	[sflag:s29] =	ssyncadd.s32 $0xFFFFFFFF  }
0x2d: {  	_ =	strace $0x90000048  }
0x2e: {  	_ =	sfence  }
0x2f: {  	s30 =	sld [smem:$0x0];
	_ =	sdelay $0x2  }
0x30: {  	s31 =	sshll.u32 s1, $0xD;
	s1 =	sshrl.u32 s1, $0x2  }
0x31: {  	s3 =	sand.u32 $0x4000, s31;
	s1 =	sadd.s32 s1, s30  }
0x32: {  	s0 =	sor.u32 s3, s0;
	s1 =	sshll.u32 s1, $0x11  }
0x33: {  	s0 =	sor.u32 s1, s0  }
0x34: {  	s0 =	sadd.s32 $0x8F2B, s0  }
0x35: {  	[sflag:s0] =	ssyncadd.remote.s32 $0x1  }
0x36: {  	_ =	sfence.sel $0xFFFF  }
0x37: {  	[dreg:$0x0] =	wrdreg $0xFFFFFFFF;
	(pc) =	sbr.abs _section_cstart, $3  }
0x38: {  	[dreg:$0x1] =	wrdreg $0xFFFFFFFF  }
0x39: {  	_ =	task.clear_ibuf [dreg:s7], $0x2FFFF;
	_ =	strace $0x9FFFFFFF  }
0x3a: {  	(tm) =	ssettm $0x7FFFFFFF  }
0x3b: {  	_ =	shalt  }
tec
execute0_lowered:
.L_overlay_start_1:
0x0: {  	(tag) =	ssettag $0x1  }
0x1: {  	s2 =	rddreg [dreg:$0x0]  }
0x2: {  	s1 =	rddreg [dreg:$0x1]  }
0x3: {  	s0 =	rddreg [dreg:$0x2];
	_ =	strace $0x80000047;
	s4 =	srdreg.scid  }
0x4: {  	s6 =	simm.s32 $0x2;
	s11 =	simm.s32 $0x0;
	p0 =	por $0x0, $0x0  }
.Ltmp0:
0x5: {  	s7 =	simm.s32 $0x1000;
	s12 =	simm.s32 $0x0;
	(pc) =	sbr.rel .LBB1_1-.Ltmp0, $4  }
0x6: {  	s9 =	simm.s32 $0x0;
	s3 =	sadd.s32 $0xC00, s1;
	s5 =	sshll.u32 s4, $0x4  }
0x7: {  	s1 =	stileid.u32;
	s4 =	simm.s32 $0x1;
	s5 =	sand.u32 $0x10, s5  }
0x8: {  	s8 =	simm.s32 $0x0;
	[sflag:s4] =	ssyncpa.u1 $0x0;
	s5 =	sor.u32 s1, s5  }
0x9: {  	[sflag:s6] =	ssyncpa.u1 $0x0;
	s6 =	simm.s32 $0x800;
	s10 =	smov.u32 s5  }
.LBB1_7:
0xa: {  	s13 =	sadd.s32 $0x10, s9  }
0xb: {  	s11 =	sadd.s32 $0x20, s10;
	s15 =	smov.u32 s10;
	p2 =	sgt.s32 s13, $0x1F  }
0xc: {  	p1 =	slt.u32 s8, $0x2;
	s15 =	smov.u32 @p2 s11  }
0xd: {  	s8 =	sadd.s32 $0x1, s8;
	s13 =	simm.s32 @p2 $0x0;
	p2 =	sgt.s32 s15, $0x1FF  }
0xe: {  	s15 =	smov.u32 @p2 s5;
	p2 =	sne.s32 s8, $0x22  }
.Ltmp1:
0xf: {  	_ = 	snop;
	(pc) =	sbr.rel @!p2 .LBB1_8-.Ltmp1, $4  }
0x10: {  	s14 =	simm.s32 @!p1 $0x2  }
0x11: {  	s12 =	smov.u32 s10;
	_ =	swait.ge @!p1 [sflag:s14], $0x4000  }
0x12: {  	p0 =	por !p0, !p0;
	s11 =	smov.u32 s9;
	[sflag:s14] =	ssyncset.done @!p1 $0x0  }
0x13: {  	s9 =	smov.u32 s13;
	[sflag:s14] =	ssyncadd.s32 @!p1 $0xFFFFC000;
	s10 =	smov.u32 s15  }
.LBB1_1:
0x14: {  	p1 =	sgt.u32 s8, $0x1F  }
0x15: {  	s13 =	sxor.u32 @!p1 $0xFFFFFFFF, s8;
	s14 =	sshll.u32 @!p1 s10, $0xC  }
0x16: {  	s15 =	sshll.u32 @!p1 s9, $0x7;
	s13 =	sshll.u32 @!p1 s13, $0xE;
	s14 =	sadd.s32 @!p1 s2, s14  }
0x17: {  	s13 =	sand.u32 @!p1 $0x4000, s13;
	s14 =	sadd.s32 @!p1 s15, s14;
	s15 =	simm.s32 @!p1 $0x0  }
0x18: {  	[tilespmem:s13], [sflag:$0x1] =	stream.linear.gather @!p1 [hbm4b:s14+s15], $0x4000, $0x38;
	[tilespmem:$0x10000] =	vst v63  }
0x19: {  	p1 =	seq.s32 s8, $0x0  }
0x1a: {  	p2 =	seq.s32 @!p1 s8, $0x21  }
0x1b: {  	p1 =	por p1, p2  }
.Ltmp2:
0x1c: {  	_ = 	snop;
	(pc) =	sbr.rel @p1 .LBB1_7-.Ltmp2, $1  }
0x1d: {  	_ =	sdelay $0x3  }
0x1e: {  	s13 =	simm.s32 $0x1;
	_ =	swait.ge [sflag:s4], $0x4000;
	s16 =	sshll.u32 s8, $0xE  }
0x1f: {  	s13 =	simm.s32 @!p0 $0x0;
	[sflag:s4] =	ssyncset.done $0x0;
	s31 =	sand.u32 $0x4000, s16  }
0x20: {  	s16 =	simm.s32 $0x0;
	s14 =	sshll.u32 s13, $0xE;
	[sflag:s4] =	ssyncadd.s32 $0xFFFFC000  }
0x21: {  	s13 =	sor.u32 $0x8040, s14;
	s15 =	sor.u32 $0x40, s14;
	s14 =	sor.u32 $0x8000, s31  }
.LBB1_3:
0x22: {  	v0 =	vmov s15;
	_ =	sdelay $0x3  }
0x23: {  	s18 =	simm.s32 $0x0  }
0x24: {  	v6 =	vld.idx.msk [tilespmem:v0+s18+$0x30 ss:$0x1], $0xffff  }
0x25: {  	v7 =	vld.idx.msk [tilespmem:v0+s18+$0xFFFFFFC0 ss:$0x1], $0xffff  }
0x26: {  	v5 =	vld.idx.msk [tilespmem:v0+s18+$0xFFFFFFD0 ss:$0x1], $0xffff  }
0x27: {  	v4 =	vld.idx.msk [tilespmem:v0+s18+$0xFFFFFFE0 ss:$0x1], $0xffff  }
0x28: {  	v3 =	vld.idx.msk [tilespmem:v0+s18+$0xFFFFFFF0 ss:$0x1], $0xffff  }
0x29: {  	v1 =	vld.idx.msk [tilespmem:v0+s18+$0x0 ss:$0x1], $0xffff  }
0x2a: {  	v2 =	vld.idx.msk [tilespmem:v0+s18+$0x10 ss:$0x1], $0xffff;
	[tilespmem:s13+$0x30] =	vst v6  }
0x2b: {  	s17 =	simm.s32 $0x80;
	s19 =	simm.s32 $0x400;
	[tilespmem:s13+$0xFFFFFFC0] =	vst v7;
	v6 =	vld.idx.msk [tilespmem:v0+s18+$0x20 ss:$0x1], $0xffff;
	s18 =	smov.u32 s13  }
.LBB1_4:
0x2c: {  	p1 =	sne.s32 s19, $0xE00;
	v7 =	vld.idx.msk [tilespmem:v0+s17+$0x30 ss:$0x1], $0xffff;
	[tilespmem:s18+$0xFFFFFFD0] =	vst v5  }
0x2d: {  	v8 =	vld.idx.msk [tilespmem:v0+s17+$0xFFFFFFC0 ss:$0x1], $0xffff;
	[tilespmem:s18+$0xFFFFFFE0] =	vst v4  }
0x2e: {  	v5 =	vld.idx.msk [tilespmem:v0+s17+$0xFFFFFFD0 ss:$0x1], $0xffff;
	[tilespmem:s18+$0xFFFFFFF0] =	vst v3  }
.Ltmp3:
0x2f: {  	v4 =	vld.idx.msk [tilespmem:v0+s17+$0xFFFFFFE0 ss:$0x1], $0xffff;
	[tilespmem:s18+$0x0] =	vst v1;
	(pc) =	sbr.rel @p1 .LBB1_4-.Ltmp3, $4  }
0x30: {  	v3 =	vld.idx.msk [tilespmem:v0+s17+$0xFFFFFFF0 ss:$0x1], $0xffff;
	[tilespmem:s18+$0x10] =	vst v2  }
0x31: {  	v1 =	vld.idx.msk [tilespmem:v0+s17+$0x0 ss:$0x1], $0xffff;
	[tilespmem:s18+$0x20] =	vst v6;
	s18 =	sadd.s32 $0x800, s18  }
0x32: {  	v2 =	vld.idx.msk [tilespmem:v0+s17+$0x10 ss:$0x1], $0xffff;
	[tilespmem:s18+$0x30] =	vst v7  }
0x33: {  	[tilespmem:s18+$0xFFFFFFC0] =	vst v8;
	v6 =	vld.idx.msk [tilespmem:v0+s17+$0x20 ss:$0x1], $0xffff;
	s17 =	sshra.s32 s19, $0x2;
	s19 =	sadd.s32 $0x200, s19  }
0x34: {  	_ =	sdelay $0x2  }
0x35: {  	[tilespmem:s18+$0xFFFFFFD0] =	vst v5  }
0x36: {  	v56 =	vld.idx.msk [tilespmem:v0+s17+$0x30 ss:$0x1], $0xffff;
	[tilespmem:s18+$0xFFFFFFE0] =	vst v4  }
0x37: {  	v57 =	vld.idx.msk [tilespmem:v0+s17+$0xFFFFFFC0 ss:$0x1], $0xffff;
	[tilespmem:s18+$0xFFFFFFF0] =	vst v3  }
0x38: {  	v58 =	vld.idx.msk [tilespmem:v0+s17+$0xFFFFFFD0 ss:$0x1], $0xffff;
	[tilespmem:s18+$0x0] =	vst v1  }
0x39: {  	v59 =	vld.idx.msk [tilespmem:v0+s17+$0xFFFFFFE0 ss:$0x1], $0xffff;
	[tilespmem:s18+$0x10] =	vst v2  }
0x3a: {  	v60 =	vld.idx.msk [tilespmem:v0+s17+$0xFFFFFFF0 ss:$0x1], $0xffff;
	s31 =	sadd.s32 $0x800, s18;
	[tilespmem:s18+$0x20] =	vst v6  }
0x3b: {  	v61 =	vld.idx.msk [tilespmem:v0+s17+$0x0 ss:$0x1], $0xffff;
	[tilespmem:s31+$0x30] =	vst v56  }
0x3c: {  	v62 =	vld.idx.msk [tilespmem:v0+s17+$0x10 ss:$0x1], $0xffff;
	s16 =	sadd.s32 $0x1, s16;
	[tilespmem:s31+$0xFFFFFFC0] =	vst v57  }
0x3d: {  	v63 =	vld.idx.msk [tilespmem:v0+s17+$0x20 ss:$0x1], $0xffff;
	p1 =	sne.s32 s16, $0x10;
	[tilespmem:s31+$0xFFFFFFD0] =	vst v58  }
.Ltmp4:
0x3e: {  	[tilespmem:s31+$0xFFFFFFE0] =	vst v59;
	(pc) =	sbr.rel @p1 .LBB1_3-.Ltmp4, $4  }
0x3f: {  	[tilespmem:s31+$0xFFFFFFF0] =	vst v60  }
0x40: {  	[tilespmem:s31+$0x0] =	vst v61  }
0x41: {  	[tilespmem:s31+$0x10] =	vst v62  }
0x42: {  	s13 =	sadd.s32 $0x80, s13;
	s15 =	sadd.s32 $0x400, s15;
	[tilespmem:s31+$0x20] =	vst v63  }
.Ltmp5:
0x43: {  	(pc) =	sbr.rel .LBB1_7-.Ltmp5, $4  }
0x44: {  	s12 =	sshll.u32 s12, $0xC;
	s11 =	sshll.u32 s11, $0x4  }
0x45: {  	s11 =	sand.u32 $0x1F0, s11;
	s12 =	sadd.s32 s3, s12  }
0x46: {  	s11 =	sadd.s32 s11, s12  }
0x47: {  	[hbm4b:s11+s6] =	stream.strided.scatter [tilespmem:s14], [sflag:$0x2], $0x4000, s7, s6, $0x38;
	[tilespmem:$0x10000] =	vst v63  }
.LBB1_8:
0x48: {  	_ =	sfence.sel $0x180000  }
0x49: {  	s2 =	simm.s32 $0x1;
	[bflag:$0x0] =	sbarrier.arrive $0xFFFF  }
0x4a: {  	s31 =	simm.s32 $0x2;
	[sflag:s2] =	ssyncpa.u1 $0x1  }
0x4b: {  	[sflag:s31] =	ssyncpa.u1 $0x1  }
0x4c: {  	p0 =	sne.s32 s1, $0x0;
	_ =	strace $0x90000047  }
0x4d: {  	s0 =	sadd.s32 @!p0 $0x100000, s0;
	[bflag:$0x2] =	sbarrier.arrive $0xFFFF  }
0x4e: {  	[sflag:s0] =	ssyncadd.tile.s32 @!p0 $0x1;
	_ =	shalt  }
.Lfunc_end1:
_tile_overlayer_lowered:
.L_overlay_start_2:
0x4f: {  	(tag) =	ssettag $0x2  }
0x50: {  	s0 =	rddreg [dreg:$0x0];
	s2 =	stileid.u32  }
0x51: {  	s1 =	rddreg [dreg:$0x1];
	p0 =	sne.s32 s2, $0x0  }
0x52: {  	s3 =	rddreg [dreg:$0x2];
	[bflag:$0x3] =	sbarrier.arrive $0xFFFF;
	s2 =	simm.s32 @!p0 $0x1C01  }
0x53: {  	[timem:s3], [sflag:s2] =	dma.local @!p0 [hbm:s0], s1  }
0x54: {  	s0 =	simm.s32 @!p0 $0x1  }
0x55: {  	_ =	swait.ge @!p0 [sflag:s0], s1  }
0x56: {  	s1 =	ssub.s32 @!p0 $0x0, s1;
	[sflag:s0] =	ssyncset.done @!p0 $0x0  }
0x57: {  	[sflag:s0] =	ssyncadd.s32 @!p0 s1  }
0x58: {  	[bflag:$0x3] =	sbarrier.arrive $0xFFFF  }
0x59: {  	_ =	shalt  }

</sc_bundles>
